<compile_context>
chip_gen: v7x
topology: tpu7x:2x2x1
jax: 0.10.2.dev20260603
libtpu: 0.0.44.dev20260713+nightly
codegen_flags: <defaults>
</compile_context>

<pallas_src>
import functools

import jax
import jax.numpy as jnp
from jax import lax
from jax.experimental import pallas as pl
from jax.experimental.pallas import tpu as pltpu
from jax.experimental.pallas import tpu_sc as plsc

BATCH = 64
HEIGHT = 32
WIDTH = 32
EMBED_DIM = 256
MAX_POS = 50

SC_BATCH = 22
TC_BATCH = BATCH - SC_BATCH
BLOCK_B = 2

_MESH = plsc.VectorSubcoreMesh(core_axis_name="c", subcore_axis_name="s")


def _sc_body(row_hbm, col_hbm, out_hbm, chunk_v, sem):
    c = lax.axis_index("c")
    s = lax.axis_index("s")
    h = s * 2 + c
    pltpu.sync_copy(col_hbm.at[pl.ds(0, WIDTH), :], chunk_v.at[:, pl.ds(0, EMBED_DIM)])
    for w in range(WIDTH):
        pltpu.sync_copy(row_hbm.at[h], chunk_v.at[w, pl.ds(EMBED_DIM, EMBED_DIM)])
    copies = []
    for b in range(SC_BATCH):
        copies.append(
            pltpu.async_copy(
                chunk_v, out_hbm.at[b, pl.ds(h * WIDTH, WIDTH), :], sem
            )
        )
    for cp in copies:
        cp.wait()


_sc_kernel = functools.partial(
    pl.kernel,
    mesh=_MESH,
    out_type=jax.ShapeDtypeStruct(
        (SC_BATCH, HEIGHT * WIDTH, 2 * EMBED_DIM), jnp.float32
    ),
    scratch_types=[
        pltpu.VMEM((WIDTH, 2 * EMBED_DIM), jnp.float32),
        pltpu.SemaphoreType.DMA,
    ],
)(_sc_body)


def _tc_body(row_ref, col_ref, out_ref):
    x = col_ref[:WIDTH, :]
    y = row_ref[:HEIGHT, :]
    left = jnp.broadcast_to(x[None, :, :], (HEIGHT, WIDTH, EMBED_DIM))
    left = left.reshape(HEIGHT * WIDTH, EMBED_DIM)
    right = jnp.broadcast_to(y[:, None, :], (HEIGHT, WIDTH, EMBED_DIM))
    right = right.reshape(HEIGHT * WIDTH, EMBED_DIM)
    tile = jnp.concatenate([left, right], axis=-1)
    out_ref[...] = jnp.broadcast_to(
        tile[None], (BLOCK_B, HEIGHT * WIDTH, 2 * EMBED_DIM)
    )


def _tc_kernel(row_embeddings, column_embeddings):
    return pl.pallas_call(
        _tc_body,
        grid=(TC_BATCH // BLOCK_B,),
        in_specs=[
            pl.BlockSpec((MAX_POS, EMBED_DIM), lambda b: (0, 0)),
            pl.BlockSpec((MAX_POS, EMBED_DIM), lambda b: (0, 0)),
        ],
        out_specs=pl.BlockSpec(
            (BLOCK_B, HEIGHT * WIDTH, 2 * EMBED_DIM), lambda b: (b, 0, 0)
        ),
        out_shape=jax.ShapeDtypeStruct(
            (TC_BATCH, HEIGHT * WIDTH, 2 * EMBED_DIM), jnp.float32
        ),
        compiler_params=pltpu.CompilerParams(
            dimension_semantics=("arbitrary",),
        ),
    )(row_embeddings, column_embeddings)


def kernel(row_embeddings, column_embeddings):
    sc_out = _sc_kernel(row_embeddings, column_embeddings)
    tc_out = _tc_kernel(row_embeddings, column_embeddings)
    return jnp.concatenate([sc_out, tc_out], axis=0)

# --- scband reference (transcript-rebuilt; emitter-appended) ---
"""Pipeline reference for scband-detr-learned-position-embedding-32358283608704 (READ-ONLY COPY).

The authoritative reference and input builder live on the scoring server;
editing this copy changes nothing except your own understanding.
"""

import jax, jax.numpy as jnp
import numpy as np

BATCH = 64
HEIGHT = 32
WIDTH = 32
EMBED_DIM = 256
MAX_POS = 50


def setup_inputs(seed: int = 0) -> dict:
    key = jax.random.key(seed)
    k_row, k_col = jax.random.split(key)
    row_embeddings = jax.random.normal(k_row, (MAX_POS, EMBED_DIM), dtype=jnp.float32)
    column_embeddings = jax.random.normal(k_col, (MAX_POS, EMBED_DIM), dtype=jnp.float32)
    return {"row_embeddings": row_embeddings, "column_embeddings": column_embeddings}


def reference(row_embeddings, column_embeddings):
    # shape = (BATCH, C, HEIGHT, WIDTH); device/dtype implicit in jax
    height, width = HEIGHT, WIDTH
    width_values = jnp.arange(width)
    height_values = jnp.arange(height)
    # embedding lookups (gather)
    x_emb = jnp.take(column_embeddings, width_values, axis=0)  # [W, D]
    y_emb = jnp.take(row_embeddings, height_values, axis=0)    # [H, D]
    # cat([x_emb.unsqueeze(0).repeat(H,1,1), y_emb.unsqueeze(1).repeat(1,W,1)], dim=-1)
    pos = jnp.concatenate(
        [
            jnp.tile(x_emb[None, :, :], (height, 1, 1)),
            jnp.tile(y_emb[:, None, :], (1, width, 1)),
        ],
        axis=-1,
    )  # [H, W, 2D]
    pos = jnp.transpose(pos, (2, 0, 1))          # [2D, H, W]
    pos = pos[None, :, :, :]                      # [1, 2D, H, W]
    pos = jnp.tile(pos, (BATCH, 1, 1, 1))         # [B, 2D, H, W]
    pos = pos.reshape(BATCH, 2 * EMBED_DIM, height * width)  # flatten(2)
    pos = jnp.transpose(pos, (0, 2, 1))           # [B, H*W, 2D]
    return pos


if False:  # reference __main__ guard neutralized (emitter)
    inp = setup_inputs()
    out = reference(**inp)
    print(out.shape)

if __name__ == "__main__":
    import jax
    _d = setup_inputs()
    print(jax.jit(kernel)(*tuple(_d.values())))

</pallas_src>

<mosaic_0001>
#map = affine_map<(d0, d1) -> (0, 0)>
#map1 = affine_map<(d0, d1) -> (0, 0, 0)>
module attributes {stable_mosaic.version = 14 : i64} {
  func.func @_sc_body(%arg0: i32, %arg1: i32, %arg2: memref<50x256xf32, #tpu.memory_space<hbm>>, %arg3: memref<50x256xf32, #tpu.memory_space<hbm>>, %arg4: memref<22x1024x512xf32, #tpu.memory_space<hbm>>, %arg5: memref<32x512xf32, #tpu.memory_space<vmem>>, %arg6: memref<!tpu.dma_semaphore, #tpu.memory_space<semaphore_mem>>) attributes {dimension_semantics = [#tpu.dimension_semantics<core_parallel>, #tpu.dimension_semantics<subcore_parallel>], iteration_bounds = array<i64: 2, 16>, scalar_prefetch = 0 : i64, scratch_operands = 2 : i64, tpu.core_type = #tpu.core_type<sc_vector_subcore>, window_params = [{transform_indices = #map}, {transform_indices = #map}, {transform_indices = #map1}]} {
    %mul3A = arith.constant 2 : i32
    %mul3A_0 = arith.muli %arg1, %mul3A : i32
    %add3A = arith.addi %mul3A_0, %arg0 : i32
    "tpu.region"() ({
      %run_scoped3A_382 = tpu.sem_alloc : memref<!tpu.dma_semaphore, #tpu.memory_space<semaphore_mem>>
      %dma_start3A_383 = arith.constant 0 : i32
      %dma_start3A_384 = arith.constant 0 : i32
      %dma_start3A_385 = tpu.memref_slice %arg5[%dma_start3A_383, %dma_start3A_384] : memref<32x512xf32, #tpu.memory_space<vmem>> -> memref<32x256xf32, #tpu.memory_space<vmem>>
      %dma_start3A_386 = arith.constant 0 : i32
      %dma_start3A_387 = arith.constant 0 : i32
      %dma_start3A_388 = tpu.memref_slice %arg3[%dma_start3A_386, %dma_start3A_387] : memref<50x256xf32, #tpu.memory_space<hbm>> -> memref<32x256xf32, #tpu.memory_space<hbm>>
      %dma_start3A_389 = arith.constant 0 : i32
      %dma_start3A_390 = arith.constant 0 : i32
      %dma_start3A_391 = tpu.memref_slice %arg5[%dma_start3A_389, %dma_start3A_390] : memref<32x512xf32, #tpu.memory_space<vmem>> -> memref<32x256xf32, #tpu.memory_space<vmem>>
      %dma_start3A_392 = arith.constant 0 : i32
      %dma_start3A_393 = arith.constant 0 : i32
      %dma_start3A_394 = tpu.memref_slice %arg3[%dma_start3A_392, %dma_start3A_393] : memref<50x256xf32, #tpu.memory_space<hbm>> -> memref<32x256xf32, #tpu.memory_space<hbm>>
      tpu.enqueue_dma source(%dma_start3A_394 : memref<32x256xf32, #tpu.memory_space<hbm>>) target(%dma_start3A_391 : memref<32x256xf32, #tpu.memory_space<vmem>>) target_semaphore(%run_scoped3A_382 : memref<!tpu.dma_semaphore, #tpu.memory_space<semaphore_mem>>)
      %dma_wait3A_395 = arith.constant 0 : i32
      %dma_wait3A_396 = arith.constant 0 : i32
      %dma_wait3A_397 = tpu.memref_slice %arg5[%dma_wait3A_395, %dma_wait3A_396] : memref<32x512xf32, #tpu.memory_space<vmem>> -> memref<32x256xf32, #tpu.memory_space<vmem>>
      %dma_wait3A_398 = arith.constant 0 : i32
      %dma_wait3A_399 = arith.constant 0 : i32
      %dma_wait3A_400 = tpu.memref_slice %arg3[%dma_wait3A_398, %dma_wait3A_399] : memref<50x256xf32, #tpu.memory_space<hbm>> -> memref<32x256xf32, #tpu.memory_space<hbm>>
      %dma_wait3A_401 = arith.constant 0 : i32
      %dma_wait3A_402 = arith.constant 0 : i32
      %dma_wait3A_403 = tpu.memref_slice %arg5[%dma_wait3A_401, %dma_wait3A_402] : memref<32x512xf32, #tpu.memory_space<vmem>> -> memref<32x256xf32, #tpu.memory_space<vmem>>
      %dma_wait3A_404 = arith.constant 0 : i32
      %dma_wait3A_405 = arith.constant 0 : i32
      %dma_wait3A_406 = tpu.memref_slice %arg3[%dma_wait3A_404, %dma_wait3A_405] : memref<50x256xf32, #tpu.memory_space<hbm>> -> memref<32x256xf32, #tpu.memory_space<hbm>>
      tpu.wait_dma2 semaphore(%run_scoped3A_382 : memref<!tpu.dma_semaphore, #tpu.memory_space<semaphore_mem>>) src(%dma_wait3A_406 : memref<32x256xf32, #tpu.memory_space<hbm>>) dst(%dma_wait3A_403 : memref<32x256xf32, #tpu.memory_space<vmem>>)
      tpu.yield
    }) : () -> ()
    %run_scoped3A = arith.constant 0 : i32
    "tpu.region"() ({
      %run_scoped3A_382 = tpu.sem_alloc : memref<!tpu.dma_semaphore, #tpu.memory_space<semaphore_mem>>
      %dma_start3A_383 = arith.constant 256 : i32
      %dma_start3A_384 = tpu.memref_slice %arg5[%run_scoped3A, %dma_start3A_383] : memref<32x512xf32, #tpu.memory_space<vmem>> -> memref<1x256xf32, #tpu.memory_space<vmem>>
      %dma_start3A_385 = tpu.memref_squeeze %dma_start3A_384 : memref<1x256xf32, #tpu.memory_space<vmem>> -> memref<256xf32, #tpu.memory_space<vmem>>
      %dma_start3A_386 = arith.constant 0 : i32
      %dma_start3A_387 = tpu.memref_slice %arg2[%add3A, %dma_start3A_386] : memref<50x256xf32, #tpu.memory_space<hbm>> -> memref<1x256xf32, #tpu.memory_space<hbm>>
      %dma_start3A_388 = tpu.memref_squeeze %dma_start3A_387 : memref<1x256xf32, #tpu.memory_space<hbm>> -> memref<256xf32, #tpu.memory_space<hbm>>
      %dma_start3A_389 = arith.constant 256 : i32
      %dma_start3A_390 = tpu.memref_slice %arg5[%run_scoped3A, %dma_start3A_389] : memref<32x512xf32, #tpu.memory_space<vmem>> -> memref<1x256xf32, #tpu.memory_space<vmem>>
      %dma_start3A_391 = tpu.memref_squeeze %dma_start3A_390 : memref<1x256xf32, #tpu.memory_space<vmem>> -> memref<256xf32, #tpu.memory_space<vmem>>
      %dma_start3A_392 = arith.constant 0 : i32
      %dma_start3A_393 = tpu.memref_slice %arg2[%add3A, %dma_start3A_392] : memref<50x256xf32, #tpu.memory_space<hbm>> -> memref<1x256xf32, #tpu.memory_space<hbm>>
      %dma_start3A_394 = tpu.memref_squeeze %dma_start3A_393 : memref<1x256xf32, #tpu.memory_space<hbm>> -> memref<256xf32, #tpu.memory_space<hbm>>
      tpu.enqueue_dma source(%dma_start3A_394 : memref<256xf32, #tpu.memory_space<hbm>>) target(%dma_start3A_391 : memref<256xf32, #tpu.memory_space<vmem>>) target_semaphore(%run_scoped3A_382 : memref<!tpu.dma_semaphore, #tpu.memory_space<semaphore_mem>>)
      %dma_wait3A_395 = arith.constant 256 : i32
      %dma_wait3A_396 = tpu.memref_slice %arg5[%run_scoped3A, %dma_wait3A_395] : memref<32x512xf32, #tpu.memory_space<vmem>> -> memref<1x256xf32, #tpu.memory_space<vmem>>
      %dma_wait3A_397 = tpu.memref_squeeze %dma_wait3A_396 : memref<1x256xf32, #tpu.memory_space<vmem>> -> memref<256xf32, #tpu.memory_space<vmem>>
      %dma_wait3A_398 = arith.constant 0 : i32
      %dma_wait3A_399 = tpu.memref_slice %arg2[%add3A, %dma_wait3A_398] : memref<50x256xf32, #tpu.memory_space<hbm>> -> memref<1x256xf32, #tpu.memory_space<hbm>>
      %dma_wait3A_400 = tpu.memref_squeeze %dma_wait3A_399 : memref<1x256xf32, #tpu.memory_space<hbm>> -> memref<256xf32, #tpu.memory_space<hbm>>
      %dma_wait3A_401 = arith.constant 256 : i32
      %dma_wait3A_402 = tpu.memref_slice %arg5[%run_scoped3A, %dma_wait3A_401] : memref<32x512xf32, #tpu.memory_space<vmem>> -> memref<1x256xf32, #tpu.memory_space<vmem>>
      %dma_wait3A_403 = tpu.memref_squeeze %dma_wait3A_402 : memref<1x256xf32, #tpu.memory_space<vmem>> -> memref<256xf32, #tpu.memory_space<vmem>>
      %dma_wait3A_404 = arith.constant 0 : i32
      %dma_wait3A_405 = tpu.memref_slice %arg2[%add3A, %dma_wait3A_404] : memref<50x256xf32, #tpu.memory_space<hbm>> -> memref<1x256xf32, #tpu.memory_space<hbm>>
      %dma_wait3A_406 = tpu.memref_squeeze %dma_wait3A_405 : memref<1x256xf32, #tpu.memory_space<hbm>> -> memref<256xf32, #tpu.memory_space<hbm>>
      tpu.wait_dma2 semaphore(%run_scoped3A_382 : memref<!tpu.dma_semaphore, #tpu.memory_space<semaphore_mem>>) src(%dma_wait3A_406 : memref<256xf32, #tpu.memory_space<hbm>>) dst(%dma_wait3A_403 : memref<256xf32, #tpu.memory_space<vmem>>)
      tpu.yield
    }) : () -> ()
    %run_scoped3A_1 = arith.constant 1 : i32
    "tpu.region"() ({
      %run_scoped3A_382 = tpu.sem_alloc : memref<!tpu.dma_semaphore, #tpu.memory_space<semaphore_mem>>
      %dma_start3A_383 = arith.constant 256 : i32
      %dma_start3A_384 = tpu.memref_slice %arg5[%run_scoped3A_1, %dma_start3A_383] : memref<32x512xf32, #tpu.memory_space<vmem>> -> memref<1x256xf32, #tpu.memory_space<vmem>>
      %dma_start3A_385 = tpu.memref_squeeze %dma_start3A_384 : memref<1x256xf32, #tpu.memory_space<vmem>> -> memref<256xf32, #tpu.memory_space<vmem>>
      %dma_start3A_386 = arith.constant 0 : i32
      %dma_start3A_387 = tpu.memref_slice %arg2[%add3A, %dma_start3A_386] : memref<50x256xf32, #tpu.memory_space<hbm>> -> memref<1x256xf32, #tpu.memory_space<hbm>>
      %dma_start3A_388 = tpu.memref_squeeze %dma_start3A_387 : memref<1x256xf32, #tpu.memory_space<hbm>> -> memref<256xf32, #tpu.memory_space<hbm>>
      %dma_start3A_389 = arith.constant 256 : i32
      %dma_start3A_390 = tpu.memref_slice %arg5[%run_scoped3A_1, %dma_start3A_389] : memref<32x512xf32, #tpu.memory_space<vmem>> -> memref<1x256xf32, #tpu.memory_space<vmem>>
      %dma_start3A_391 = tpu.memref_squeeze %dma_start3A_390 : memref<1x256xf32, #tpu.memory_space<vmem>> -> memref<256xf32, #tpu.memory_space<vmem>>
      %dma_start3A_392 = arith.constant 0 : i32
      %dma_start3A_393 = tpu.memref_slice %arg2[%add3A, %dma_start3A_392] : memref<50x256xf32, #tpu.memory_space<hbm>> -> memref<1x256xf32, #tpu.memory_space<hbm>>
      %dma_start3A_394 = tpu.memref_squeeze %dma_start3A_393 : memref<1x256xf32, #tpu.memory_space<hbm>> -> memref<256xf32, #tpu.memory_space<hbm>>
      tpu.enqueue_dma source(%dma_start3A_394 : memref<256xf32, #tpu.memory_space<hbm>>) target(%dma_start3A_391 : memref<256xf32, #tpu.memory_space<vmem>>) target_semaphore(%run_scoped3A_382 : memref<!tpu.dma_semaphore, #tpu.memory_space<semaphore_mem>>)
      %dma_wait3A_395 = arith.constant 256 : i32
      %dma_wait3A_396 = tpu.memref_slice %arg5[%run_scoped3A_1, %dma_wait3A_395] : memref<32x512xf32, #tpu.memory_space<vmem>> -> memref<1x256xf32, #tpu.memory_space<vmem>>
      %dma_wait3A_397 = tpu.memref_squeeze %dma_wait3A_396 : memref<1x256xf32, #tpu.memory_space<vmem>> -> memref<256xf32, #tpu.memory_space<vmem>>
      %dma_wait3A_398 = arith.constant 0 : i32
      %dma_wait3A_399 = tpu.memref_slice %arg2[%add3A, %dma_wait3A_398] : memref<50x256xf32, #tpu.memory_space<hbm>> -> memref<1x256xf32, #tpu.memory_space<hbm>>
      %dma_wait3A_400 = tpu.memref_squeeze %dma_wait3A_399 : memref<1x256xf32, #tpu.memory_space<hbm>> -> memref<256xf32, #tpu.memory_space<hbm>>
      %dma_wait3A_401 = arith.constant 256 : i32
      %dma_wait3A_402 = tpu.memref_slice %arg5[%run_scoped3A_1, %dma_wait3A_401] : memref<32x512xf32, #tpu.memory_space<vmem>> -> memref<1x256xf32, #tpu.memory_space<vmem>>
      %dma_wait3A_403 = tpu.memref_squeeze %dma_wait3A_402 : memref<1x256xf32, #tpu.memory_space<vmem>> -> memref<256xf32, #tpu.memory_space<vmem>>
      %dma_wait3A_404 = arith.constant 0 : i32
      %dma_wait3A_405 = tpu.memref_slice %arg2[%add3A, %dma_wait3A_404] : memref<50x256xf32, #tpu.memory_space<hbm>> -> memref<1x256xf32, #tpu.memory_space<hbm>>
      %dma_wait3A_406 = tpu.memref_squeeze %dma_wait3A_405 : memref<1x256xf32, #tpu.memory_space<hbm>> -> memref<256xf32, #tpu.memory_space<hbm>>
      tpu.wait_dma2 semaphore(%run_scoped3A_382 : memref<!tpu.dma_semaphore, #tpu.memory_space<semaphore_mem>>) src(%dma_wait3A_406 : memref<256xf32, #tpu.memory_space<hbm>>) dst(%dma_wait3A_403 : memref<256xf32, #tpu.memory_space<vmem>>)
      tpu.yield
    }) : () -> ()
    %run_scoped3A_2 = arith.constant 2 : i32
    "tpu.region"() ({
      %run_scoped3A_382 = tpu.sem_alloc : memref<!tpu.dma_semaphore, #tpu.memory_space<semaphore_mem>>
      %dma_start3A_383 = arith.constant 256 : i32
      %dma_start3A_384 = tpu.memref_slice %arg5[%run_scoped3A_2, %dma_start3A_383] : memref<32x512xf32, #tpu.memory_space<vmem>> -> memref<1x256xf32, #tpu.memory_space<vmem>>
      %dma_start3A_385 = tpu.memref_squeeze %dma_start3A_384 : memref<1x256xf32, #tpu.memory_space<vmem>> -> memref<256xf32, #tpu.memory_space<vmem>>
      %dma_start3A_386 = arith.constant 0 : i32
      %dma_start3A_387 = tpu.memref_slice %arg2[%add3A, %dma_start3A_386] : memref<50x256xf32, #tpu.memory_space<hbm>> -> memref<1x256xf32, #tpu.memory_space<hbm>>
      %dma_start3A_388 = tpu.memref_squeeze %dma_start3A_387 : memref<1x256xf32, #tpu.memory_space<hbm>> -> memref<256xf32, #tpu.memory_space<hbm>>
      %dma_start3A_389 = arith.constant 256 : i32
      %dma_start3A_390 = tpu.memref_slice %arg5[%run_scoped3A_2, %dma_start3A_389] : memref<32x512xf32, #tpu.memory_space<vmem>> -> memref<1x256xf32, #tpu.memory_space<vmem>>
      %dma_start3A_391 = tpu.memref_squeeze %dma_start3A_390 : memref<1x256xf32, #tpu.memory_space<vmem>> -> memref<256xf32, #tpu.memory_space<vmem>>
      %dma_start3A_392 = arith.constant 0 : i32
      %dma_start3A_393 = tpu.memref_slice %arg2[%add3A, %dma_start3A_392] : memref<50x256xf32, #tpu.memory_space<hbm>> -> memref<1x256xf32, #tpu.memory_space<hbm>>
      %dma_start3A_394 = tpu.memref_squeeze %dma_start3A_393 : memref<1x256xf32, #tpu.memory_space<hbm>> -> memref<256xf32, #tpu.memory_space<hbm>>
      tpu.enqueue_dma source(%dma_start3A_394 : memref<256xf32, #tpu.memory_space<hbm>>) target(%dma_start3A_391 : memref<256xf32, #tpu.memory_space<vmem>>) target_semaphore(%run_scoped3A_382 : memref<!tpu.dma_semaphore, #tpu.memory_space<semaphore_mem>>)
      %dma_wait3A_395 = arith.constant 256 : i32
      %dma_wait3A_396 = tpu.memref_slice %arg5[%run_scoped3A_2, %dma_wait3A_395] : memref<32x512xf32, #tpu.memory_space<vmem>> -> memref<1x256xf32, #tpu.memory_space<vmem>>
      %dma_wait3A_397 = tpu.memref_squeeze %dma_wait3A_396 : memref<1x256xf32, #tpu.memory_space<vmem>> -> memref<256xf32, #tpu.memory_space<vmem>>
      %dma_wait3A_398 = arith.constant 0 : i32
      %dma_wait3A_399 = tpu.memref_slice %arg2[%add3A, %dma_wait3A_398] : memref<50x256xf32, #tpu.memory_space<hbm>> -> memref<1x256xf32, #tpu.memory_space<hbm>>
      %dma_wait3A_400 = tpu.memref_squeeze %dma_wait3A_399 : memref<1x256xf32, #tpu.memory_space<hbm>> -> memref<256xf32, #tpu.memory_space<hbm>>
      %dma_wait3A_401 = arith.constant 256 : i32
      %dma_wait3A_402 = tpu.memref_slice %arg5[%run_scoped3A_2, %dma_wait3A_401] : memref<32x512xf32, #tpu.memory_space<vmem>> -> memref<1x256xf32, #tpu.memory_space<vmem>>
      %dma_wait3A_403 = tpu.memref_squeeze %dma_wait3A_402 : memref<1x256xf32, #tpu.memory_space<vmem>> -> memref<256xf32, #tpu.memory_space<vmem>>
      %dma_wait3A_404 = arith.constant 0 : i32
      %dma_wait3A_405 = tpu.memref_slice %arg2[%add3A, %dma_wait3A_404] : memref<50x256xf32, #tpu.memory_space<hbm>> -> memref<1x256xf32, #tpu.memory_space<hbm>>
      %dma_wait3A_406 = tpu.memref_squeeze %dma_wait3A_405 : memref<1x256xf32, #tpu.memory_space<hbm>> -> memref<256xf32, #tpu.memory_space<hbm>>
      tpu.wait_dma2 semaphore(%run_scoped3A_382 : memref<!tpu.dma_semaphore, #tpu.memory_space<semaphore_mem>>) src(%dma_wait3A_406 : memref<256xf32, #tpu.memory_space<hbm>>) dst(%dma_wait3A_403 : memref<256xf32, #tpu.memory_space<vmem>>)
      tpu.yield
    }) : () -> ()
    %run_scoped3A_3 = arith.constant 3 : i32
    "tpu.region"() ({
      %run_scoped3A_382 = tpu.sem_alloc : memref<!tpu.dma_semaphore, #tpu.memory_space<semaphore_mem>>
      %dma_start3A_383 = arith.constant 256 : i32
      %dma_start3A_384 = tpu.memref_slice %arg5[%run_scoped3A_3, %dma_start3A_383] : memref<32x512xf32, #tpu.memory_space<vmem>> -> memref<1x256xf32, #tpu.memory_space<vmem>>
      %dma_start3A_385 = tpu.memref_squeeze %dma_start3A_384 : memref<1x256xf32, #tpu.memory_space<vmem>> -> memref<256xf32, #tpu.memory_space<vmem>>
      %dma_start3A_386 = arith.constant 0 : i32
      %dma_start3A_387 = tpu.memref_slice %arg2[%add3A, %dma_start3A_386] : memref<50x256xf32, #tpu.memory_space<hbm>> -> memref<1x256xf32, #tpu.memory_space<hbm>>
      %dma_start3A_388 = tpu.memref_squeeze %dma_start3A_387 : memref<1x256xf32, #tpu.memory_space<hbm>> -> memref<256xf32, #tpu.memory_space<hbm>>
      %dma_start3A_389 = arith.constant 256 : i32
      %dma_start3A_390 = tpu.memref_slice %arg5[%run_scoped3A_3, %dma_start3A_389] : memref<32x512xf32, #tpu.memory_space<vmem>> -> memref<1x256xf32, #tpu.memory_space<vmem>>
      %dma_start3A_391 = tpu.memref_squeeze %dma_start3A_390 : memref<1x256xf32, #tpu.memory_space<vmem>> -> memref<256xf32, #tpu.memory_space<vmem>>
      %dma_start3A_392 = arith.constant 0 : i32
      %dma_start3A_393 = tpu.memref_slice %arg2[%add3A, %dma_start3A_392] : memref<50x256xf32, #tpu.memory_space<hbm>> -> memref<1x256xf32, #tpu.memory_space<hbm>>
      %dma_start3A_394 = tpu.memref_squeeze %dma_start3A_393 : memref<1x256xf32, #tpu.memory_space<hbm>> -> memref<256xf32, #tpu.memory_space<hbm>>
      tpu.enqueue_dma source(%dma_start3A_394 : memref<256xf32, #tpu.memory_space<hbm>>) target(%dma_start3A_391 : memref<256xf32, #tpu.memory_space<vmem>>) target_semaphore(%run_scoped3A_382 : memref<!tpu.dma_semaphore, #tpu.memory_space<semaphore_mem>>)
      %dma_wait3A_395 = arith.constant 256 : i32
      %dma_wait3A_396 = tpu.memref_slice %arg5[%run_scoped3A_3, %dma_wait3A_395] : memref<32x512xf32, #tpu.memory_space<vmem>> -> memref<1x256xf32, #tpu.memory_space<vmem>>
      %dma_wait3A_397 = tpu.memref_squeeze %dma_wait3A_396 : memref<1x256xf32, #tpu.memory_space<vmem>> -> memref<256xf32, #tpu.memory_space<vmem>>
      %dma_wait3A_398 = arith.constant 0 : i32
      %dma_wait3A_399 = tpu.memref_slice %arg2[%add3A, %dma_wait3A_398] : memref<50x256xf32, #tpu.memory_space<hbm>> -> memref<1x256xf32, #tpu.memory_space<hbm>>
      %dma_wait3A_400 = tpu.memref_squeeze %dma_wait3A_399 : memref<1x256xf32, #tpu.memory_space<hbm>> -> memref<256xf32, #tpu.memory_space<hbm>>
      %dma_wait3A_401 = arith.constant 256 : i32
      %dma_wait3A_402 = tpu.memref_slice %arg5[%run_scoped3A_3, %dma_wait3A_401] : memref<32x512xf32, #tpu.memory_space<vmem>> -> memref<1x256xf32, #tpu.memory_space<vmem>>
      %dma_wait3A_403 = tpu.memref_squeeze %dma_wait3A_402 : memref<1x256xf32, #tpu.memory_space<vmem>> -> memref<256xf32, #tpu.memory_space<vmem>>
      %dma_wait3A_404 = arith.constant 0 : i32
      %dma_wait3A_405 = tpu.memref_slice %arg2[%add3A, %dma_wait3A_404] : memref<50x256xf32, #tpu.memory_space<hbm>> -> memref<1x256xf32, #tpu.memory_space<hbm>>
      %dma_wait3A_406 = tpu.memref_squeeze %dma_wait3A_405 : memref<1x256xf32, #tpu.memory_space<hbm>> -> memref<256xf32, #tpu.memory_space<hbm>>
      tpu.wait_dma2 semaphore(%run_scoped3A_382 : memref<!tpu.dma_semaphore, #tpu.memory_space<semaphore_mem>>) src(%dma_wait3A_406 : memref<256xf32, #tpu.memory_space<hbm>>) dst(%dma_wait3A_403 : memref<256xf32, #tpu.memory_space<vmem>>)
      tpu.yield
    }) : () -> ()
    %run_scoped3A_4 = arith.constant 4 : i32
    "tpu.region"() ({
      %run_scoped3A_382 = tpu.sem_alloc : memref<!tpu.dma_semaphore, #tpu.memory_space<semaphore_mem>>
      %dma_start3A_383 = arith.constant 256 : i32
      %dma_start3A_384 = tpu.memref_slice %arg5[%run_scoped3A_4, %dma_start3A_383] : memref<32x512xf32, #tpu.memory_space<vmem>> -> memref<1x256xf32, #tpu.memory_space<vmem>>
      %dma_start3A_385 = tpu.memref_squeeze %dma_start3A_384 : memref<1x256xf32, #tpu.memory_space<vmem>> -> memref<256xf32, #tpu.memory_space<vmem>>
      %dma_start3A_386 = arith.constant 0 : i32
      %dma_start3A_387 = tpu.memref_slice %arg2[%add3A, %dma_start3A_386] : memref<50x256xf32, #tpu.memory_space<hbm>> -> memref<1x256xf32, #tpu.memory_space<hbm>>
      %dma_start3A_388 = tpu.memref_squeeze %dma_start3A_387 : memref<1x256xf32, #tpu.memory_space<hbm>> -> memref<256xf32, #tpu.memory_space<hbm>>
      %dma_start3A_389 = arith.constant 256 : i32
      %dma_start3A_390 = tpu.memref_slice %arg5[%run_scoped3A_4, %dma_start3A_389] : memref<32x512xf32, #tpu.memory_space<vmem>> -> memref<1x256xf32, #tpu.memory_space<vmem>>
      %dma_start3A_391 = tpu.memref_squeeze %dma_start3A_390 : memref<1x256xf32, #tpu.memory_space<vmem>> -> memref<256xf32, #tpu.memory_space<vmem>>
      %dma_start3A_392 = arith.constant 0 : i32
      %dma_start3A_393 = tpu.memref_slice %arg2[%add3A, %dma_start3A_392] : memref<50x256xf32, #tpu.memory_space<hbm>> -> memref<1x256xf32, #tpu.memory_space<hbm>>
      %dma_start3A_394 = tpu.memref_squeeze %dma_start3A_393 : memref<1x256xf32, #tpu.memory_space<hbm>> -> memref<256xf32, #tpu.memory_space<hbm>>
      tpu.enqueue_dma source(%dma_start3A_394 : memref<256xf32, #tpu.memory_space<hbm>>) target(%dma_start3A_391 : memref<256xf32, #tpu.memory_space<vmem>>) target_semaphore(%run_scoped3A_382 : memref<!tpu.dma_semaphore, #tpu.memory_space<semaphore_mem>>)
      %dma_wait3A_395 = arith.constant 256 : i32
      %dma_wait3A_396 = tpu.memref_slice %arg5[%run_scoped3A_4, %dma_wait3A_395] : memref<32x512xf32, #tpu.memory_space<vmem>> -> memref<1x256xf32, #tpu.memory_space<vmem>>
      %dma_wait3A_397 = tpu.memref_squeeze %dma_wait3A_396 : memref<1x256xf32, #tpu.memory_space<vmem>> -> memref<256xf32, #tpu.memory_space<vmem>>
      %dma_wait3A_398 = arith.constant 0 : i32
      %dma_wait3A_399 = tpu.memref_slice %arg2[%add3A, %dma_wait3A_398] : memref<50x256xf32, #tpu.memory_space<hbm>> -> memref<1x256xf32, #tpu.memory_space<hbm>>
      %dma_wait3A_400 = tpu.memref_squeeze %dma_wait3A_399 : memref<1x256xf32, #tpu.memory_space<hbm>> -> memref<256xf32, #tpu.memory_space<hbm>>
      %dma_wait3A_401 = arith.constant 256 : i32
      %dma_wait3A_402 = tpu.memref_slice %arg5[%run_scoped3A_4, %dma_wait3A_401] : memref<32x512xf32, #tpu.memory_space<vmem>> -> memref<1x256xf32, #tpu.memory_space<vmem>>
      %dma_wait3A_403 = tpu.memref_squeeze %dma_wait3A_402 : memref<1x256xf32, #tpu.memory_space<vmem>> -> memref<256xf32, #tpu.memory_space<vmem>>
      %dma_wait3A_404 = arith.constant 0 : i32
      %dma_wait3A_405 = tpu.memref_slice %arg2[%add3A, %dma_wait3A_404] : memref<50x256xf32, #tpu.memory_space<hbm>> -> memref<1x256xf32, #tpu.memory_space<hbm>>
      %dma_wait3A_406 = tpu.memref_squeeze %dma_wait3A_405 : memref<1x256xf32, #tpu.memory_space<hbm>> -> memref<256xf32, #tpu.memory_space<hbm>>
      tpu.wait_dma2 semaphore(%run_scoped3A_382 : memref<!tpu.dma_semaphore, #tpu.memory_space<semaphore_mem>>) src(%dma_wait3A_406 : memref<256xf32, #tpu.memory_space<hbm>>) dst(%dma_wait3A_403 : memref<256xf32, #tpu.memory_space<vmem>>)
      tpu.yield
    }) : () -> ()
    %run_scoped3A_5 = arith.constant 5 : i32
    "tpu.region"() ({
      %run_scoped3A_382 = tpu.sem_alloc : memref<!tpu.dma_semaphore, #tpu.memory_space<semaphore_mem>>
      %dma_start3A_383 = arith.constant 256 : i32
      %dma_start3A_384 = tpu.memref_slice %arg5[%run_scoped3A_5, %dma_start3A_383] : memref<32x512xf32, #tpu.memory_space<vmem>> -> memref<1x256xf32, #tpu.memory_space<vmem>>
      %dma_start3A_385 = tpu.memref_squeeze %dma_start3A_384 : memref<1x256xf32, #tpu.memory_space<vmem>> -> memref<256xf32, #tpu.memory_space<vmem>>
      %dma_start3A_386 = arith.constant 0 : i32
      %dma_start3A_387 = tpu.memref_slice %arg2[%add3A, %dma_start3A_386] : memref<50x256xf32, #tpu.memory_space<hbm>> -> memref<1x256xf32, #tpu.memory_space<hbm>>
      %dma_start3A_388 = tpu.memref_squeeze %dma_start3A_387 : memref<1x256xf32, #tpu.memory_space<hbm>> -> memref<256xf32, #tpu.memory_space<hbm>>
      %dma_start3A_389 = arith.constant 256 : i32
      %dma_start3A_390 = tpu.memref_slice %arg5[%run_scoped3A_5, %dma_start3A_389] : memref<32x512xf32, #tpu.memory_space<vmem>> -> memref<1x256xf32, #tpu.memory_space<vmem>>
      %dma_start3A_391 = tpu.memref_squeeze %dma_start3A_390 : memref<1x256xf32, #tpu.memory_space<vmem>> -> memref<256xf32, #tpu.memory_space<vmem>>
      %dma_start3A_392 = arith.constant 0 : i32
      %dma_start3A_393 = tpu.memref_slice %arg2[%add3A, %dma_start3A_392] : memref<50x256xf32, #tpu.memory_space<hbm>> -> memref<1x256xf32, #tpu.memory_space<hbm>>
      %dma_start3A_394 = tpu.memref_squeeze %dma_start3A_393 : memref<1x256xf32, #tpu.memory_space<hbm>> -> memref<256xf32, #tpu.memory_space<hbm>>
      tpu.enqueue_dma source(%dma_start3A_394 : memref<256xf32, #tpu.memory_space<hbm>>) target(%dma_start3A_391 : memref<256xf32, #tpu.memory_space<vmem>>) target_semaphore(%run_scoped3A_382 : memref<!tpu.dma_semaphore, #tpu.memory_space<semaphore_mem>>)
      %dma_wait3A_395 = arith.constant 256 : i32
      %dma_wait3A_396 = tpu.memref_slice %arg5[%run_scoped3A_5, %dma_wait3A_395] : memref<32x512xf32, #tpu.memory_space<vmem>> -> memref<1x256xf32, #tpu.memory_space<vmem>>
      %dma_wait3A_397 = tpu.memref_squeeze %dma_wait3A_396 : memref<1x256xf32, #tpu.memory_space<vmem>> -> memref<256xf32, #tpu.memory_space<vmem>>
      %dma_wait3A_398 = arith.constant 0 : i32
      %dma_wait3A_399 = tpu.memref_slice %arg2[%add3A, %dma_wait3A_398] : memref<50x256xf32, #tpu.memory_space<hbm>> -> memref<1x256xf32, #tpu.memory_space<hbm>>
      %dma_wait3A_400 = tpu.memref_squeeze %dma_wait3A_399 : memref<1x256xf32, #tpu.memory_space<hbm>> -> memref<256xf32, #tpu.memory_space<hbm>>
      %dma_wait3A_401 = arith.constant 256 : i32
      %dma_wait3A_402 = tpu.memref_slice %arg5[%run_scoped3A_5, %dma_wait3A_401] : memref<32x512xf32, #tpu.memory_space<vmem>> -> memref<1x256xf32, #tpu.memory_space<vmem>>
      %dma_wait3A_403 = tpu.memref_squeeze %dma_wait3A_402 : memref<1x256xf32, #tpu.memory_space<vmem>> -> memref<256xf32, #tpu.memory_space<vmem>>
      %dma_wait3A_404 = arith.constant 0 : i32
      %dma_wait3A_405 = tpu.memref_slice %arg2[%add3A, %dma_wait3A_404] : memref<50x256xf32, #tpu.memory_space<hbm>> -> memref<1x256xf32, #tpu.memory_space<hbm>>
      %dma_wait3A_406 = tpu.memref_squeeze %dma_wait3A_405 : memref<1x256xf32, #tpu.memory_space<hbm>> -> memref<256xf32, #tpu.memory_space<hbm>>
      tpu.wait_dma2 semaphore(%run_scoped3A_382 : memref<!tpu.dma_semaphore, #tpu.memory_space<semaphore_mem>>) src(%dma_wait3A_406 : memref<256xf32, #tpu.memory_space<hbm>>) dst(%dma_wait3A_403 : memref<256xf32, #tpu.memory_space<vmem>>)
      tpu.yield
    }) : () -> ()
    %run_scoped3A_6 = arith.constant 6 : i32
    "tpu.region"() ({
      %run_scoped3A_382 = tpu.sem_alloc : memref<!tpu.dma_semaphore, #tpu.memory_space<semaphore_mem>>
      %dma_start3A_383 = arith.constant 256 : i32
      %dma_start3A_384 = tpu.memref_slice %arg5[%run_scoped3A_6, %dma_start3A_383] : memref<32x512xf32, #tpu.memory_space<vmem>> -> memref<1x256xf32, #tpu.memory_space<vmem>>
      %dma_start3A_385 = tpu.memref_squeeze %dma_start3A_384 : memref<1x256xf32, #tpu.memory_space<vmem>> -> memref<256xf32, #tpu.memory_space<vmem>>
      %dma_start3A_386 = arith.constant 0 : i32
      %dma_start3A_387 = tpu.memref_slice %arg2[%add3A, %dma_start3A_386] : memref<50x256xf32, #tpu.memory_space<hbm>> -> memref<1x256xf32, #tpu.memory_space<hbm>>
      %dma_start3A_388 = tpu.memref_squeeze %dma_start3A_387 : memref<1x256xf32, #tpu.memory_space<hbm>> -> memref<256xf32, #tpu.memory_space<hbm>>
      %dma_start3A_389 = arith.constant 256 : i32
      %dma_start3A_390 = tpu.memref_slice %arg5[%run_scoped3A_6, %dma_start3A_389] : memref<32x512xf32, #tpu.memory_space<vmem>> -> memref<1x256xf32, #tpu.memory_space<vmem>>
      %dma_start3A_391 = tpu.memref_squeeze %dma_start3A_390 : memref<1x256xf32, #tpu.memory_space<vmem>> -> memref<256xf32, #tpu.memory_space<vmem>>
      %dma_start3A_392 = arith.constant 0 : i32
      %dma_start3A_393 = tpu.memref_slice %arg2[%add3A, %dma_start3A_392] : memref<50x256xf32, #tpu.memory_space<hbm>> -> memref<1x256xf32, #tpu.memory_space<hbm>>
      %dma_start3A_394 = tpu.memref_squeeze %dma_start3A_393 : memref<1x256xf32, #tpu.memory_space<hbm>> -> memref<256xf32, #tpu.memory_space<hbm>>
      tpu.enqueue_dma source(%dma_start3A_394 : memref<256xf32, #tpu.memory_space<hbm>>) target(%dma_start3A_391 : memref<256xf32, #tpu.memory_space<vmem>>) target_semaphore(%run_scoped3A_382 : memref<!tpu.dma_semaphore, #tpu.memory_space<semaphore_mem>>)
      %dma_wait3A_395 = arith.constant 256 : i32
      %dma_wait3A_396 = tpu.memref_slice %arg5[%run_scoped3A_6, %dma_wait3A_395] : memref<32x512xf32, #tpu.memory_space<vmem>> -> memref<1x256xf32, #tpu.memory_space<vmem>>
      %dma_wait3A_397 = tpu.memref_squeeze %dma_wait3A_396 : memref<1x256xf32, #tpu.memory_space<vmem>> -> memref<256xf32, #tpu.memory_space<vmem>>
      %dma_wait3A_398 = arith.constant 0 : i32
      %dma_wait3A_399 = tpu.memref_slice %arg2[%add3A, %dma_wait3A_398] : memref<50x256xf32, #tpu.memory_space<hbm>> -> memref<1x256xf32, #tpu.memory_space<hbm>>
      %dma_wait3A_400 = tpu.memref_squeeze %dma_wait3A_399 : memref<1x256xf32, #tpu.memory_space<hbm>> -> memref<256xf32, #tpu.memory_space<hbm>>
      %dma_wait3A_401 = arith.constant 256 : i32
      %dma_wait3A_402 = tpu.memref_slice %arg5[%run_scoped3A_6, %dma_wait3A_401] : memref<32x512xf32, #tpu.memory_space<vmem>> -> memref<1x256xf32, #tpu.memory_space<vmem>>
      %dma_wait3A_403 = tpu.memref_squeeze %dma_wait3A_402 : memref<1x256xf32, #tpu.memory_space<vmem>> -> memref<256xf32, #tpu.memory_space<vmem>>
      %dma_wait3A_404 = arith.constant 0 : i32
      %dma_wait3A_405 = tpu.memref_slice %arg2[%add3A, %dma_wait3A_404] : memref<50x256xf32, #tpu.memory_space<hbm>> -> memref<1x256xf32, #tpu.memory_space<hbm>>
      %dma_wait3A_406 = tpu.memref_squeeze %dma_wait3A_405 : memref<1x256xf32, #tpu.memory_space<hbm>> -> memref<256xf32, #tpu.memory_space<hbm>>
      tpu.wait_dma2 semaphore(%run_scoped3A_382 : memref<!tpu.dma_semaphore, #tpu.memory_space<semaphore_mem>>) src(%dma_wait3A_406 : memref<256xf32, #tpu.memory_space<hbm>>) dst(%dma_wait3A_403 : memref<256xf32, #tpu.memory_space<vmem>>)
      tpu.yield
    }) : () -> ()
    %run_scoped3A_7 = arith.constant 7 : i32
    "tpu.region"() ({
      %run_scoped3A_382 = tpu.sem_alloc : memref<!tpu.dma_semaphore, #tpu.memory_space<semaphore_mem>>
      %dma_start3A_383 = arith.constant 256 : i32
      %dma_start3A_384 = tpu.memref_slice %arg5[%run_scoped3A_7, %dma_start3A_383] : memref<32x512xf32, #tpu.memory_space<vmem>> -> memref<1x256xf32, #tpu.memory_space<vmem>>
      %dma_start3A_385 = tpu.memref_squeeze %dma_start3A_384 : memref<1x256xf32, #tpu.memory_space<vmem>> -> memref<256xf32, #tpu.memory_space<vmem>>
      %dma_start3A_386 = arith.constant 0 : i32
      %dma_start3A_387 = tpu.memref_slice %arg2[%add3A, %dma_start3A_386] : memref<50x256xf32, #tpu.memory_space<hbm>> -> memref<1x256xf32, #tpu.memory_space<hbm>>
      %dma_start3A_388 = tpu.memref_squeeze %dma_start3A_387 : memref<1x256xf32, #tpu.memory_space<hbm>> -> memref<256xf32, #tpu.memory_space<hbm>>
      %dma_start3A_389 = arith.constant 256 : i32
      %dma_start3A_390 = tpu.memref_slice %arg5[%run_scoped3A_7, %dma_start3A_389] : memref<32x512xf32, #tpu.memory_space<vmem>> -> memref<1x256xf32, #tpu.memory_space<vmem>>
      %dma_start3A_391 = tpu.memref_squeeze %dma_start3A_390 : memref<1x256xf32, #tpu.memory_space<vmem>> -> memref<256xf32, #tpu.memory_space<vmem>>
      %dma_start3A_392 = arith.constant 0 : i32
      %dma_start3A_393 = tpu.memref_slice %arg2[%add3A, %dma_start3A_392] : memref<50x256xf32, #tpu.memory_space<hbm>> -> memref<1x256xf32, #tpu.memory_space<hbm>>
      %dma_start3A_394 = tpu.memref_squeeze %dma_start3A_393 : memref<1x256xf32, #tpu.memory_space<hbm>> -> memref<256xf32, #tpu.memory_space<hbm>>
      tpu.enqueue_dma source(%dma_start3A_394 : memref<256xf32, #tpu.memory_space<hbm>>) target(%dma_start3A_391 : memref<256xf32, #tpu.memory_space<vmem>>) target_semaphore(%run_scoped3A_382 : memref<!tpu.dma_semaphore, #tpu.memory_space<semaphore_mem>>)
      %dma_wait3A_395 = arith.constant 256 : i32
      %dma_wait3A_396 = tpu.memref_slice %arg5[%run_scoped3A_7, %dma_wait3A_395] : memref<32x512xf32, #tpu.memory_space<vmem>> -> memref<1x256xf32, #tpu.memory_space<vmem>>
      %dma_wait3A_397 = tpu.memref_squeeze %dma_wait3A_396 : memref<1x256xf32, #tpu.memory_space<vmem>> -> memref<256xf32, #tpu.memory_space<vmem>>
      %dma_wait3A_398 = arith.constant 0 : i32
      %dma_wait3A_399 = tpu.memref_slice %arg2[%add3A, %dma_wait3A_398] : memref<50x256xf32, #tpu.memory_space<hbm>> -> memref<1x256xf32, #tpu.memory_space<hbm>>
      %dma_wait3A_400 = tpu.memref_squeeze %dma_wait3A_399 : memref<1x256xf32, #tpu.memory_space<hbm>> -> memref<256xf32, #tpu.memory_space<hbm>>
      %dma_wait3A_401 = arith.constant 256 : i32
      %dma_wait3A_402 = tpu.memref_slice %arg5[%run_scoped3A_7, %dma_wait3A_401] : memref<32x512xf32, #tpu.memory_space<vmem>> -> memref<1x256xf32, #tpu.memory_space<vmem>>
      %dma_wait3A_403 = tpu.memref_squeeze %dma_wait3A_402 : memref<1x256xf32, #tpu.memory_space<vmem>> -> memref<256xf32, #tpu.memory_space<vmem>>
      %dma_wait3A_404 = arith.constant 0 : i32
      %dma_wait3A_405 = tpu.memref_slice %arg2[%add3A, %dma_wait3A_404] : memref<50x256xf32, #tpu.memory_space<hbm>> -> memref<1x256xf32, #tpu.memory_space<hbm>>
      %dma_wait3A_406 = tpu.memref_squeeze %dma_wait3A_405 : memref<1x256xf32, #tpu.memory_space<hbm>> -> memref<256xf32, #tpu.memory_space<hbm>>
      tpu.wait_dma2 semaphore(%run_scoped3A_382 : memref<!tpu.dma_semaphore, #tpu.memory_space<semaphore_mem>>) src(%dma_wait3A_406 : memref<256xf32, #tpu.memory_space<hbm>>) dst(%dma_wait3A_403 : memref<256xf32, #tpu.memory_space<vmem>>)
      tpu.yield
    }) : () -> ()
    %run_scoped3A_8 = arith.constant 8 : i32
    "tpu.region"() ({
      %run_scoped3A_382 = tpu.sem_alloc : memref<!tpu.dma_semaphore, #tpu.memory_space<semaphore_mem>>
      %dma_start3A_383 = arith.constant 256 : i32
      %dma_start3A_384 = tpu.memref_slice %arg5[%run_scoped3A_8, %dma_start3A_383] : memref<32x512xf32, #tpu.memory_space<vmem>> -> memref<1x256xf32, #tpu.memory_space<vmem>>
      %dma_start3A_385 = tpu.memref_squeeze %dma_start3A_384 : memref<1x256xf32, #tpu.memory_space<vmem>> -> memref<256xf32, #tpu.memory_space<vmem>>
      %dma_start3A_386 = arith.constant 0 : i32
      %dma_start3A_387 = tpu.memref_slice %arg2[%add3A, %dma_start3A_386] : memref<50x256xf32, #tpu.memory_space<hbm>> -> memref<1x256xf32, #tpu.memory_space<hbm>>
      %dma_start3A_388 = tpu.memref_squeeze %dma_start3A_387 : memref<1x256xf32, #tpu.memory_space<hbm>> -> memref<256xf32, #tpu.memory_space<hbm>>
      %dma_start3A_389 = arith.constant 256 : i32
      %dma_start3A_390 = tpu.memref_slice %arg5[%run_scoped3A_8, %dma_start3A_389] : memref<32x512xf32, #tpu.memory_space<vmem>> -> memref<1x256xf32, #tpu.memory_space<vmem>>
      %dma_start3A_391 = tpu.memref_squeeze %dma_start3A_390 : memref<1x256xf32, #tpu.memory_space<vmem>> -> memref<256xf32, #tpu.memory_space<vmem>>
      %dma_start3A_392 = arith.constant 0 : i32
      %dma_start3A_393 = tpu.memref_slice %arg2[%add3A, %dma_start3A_392] : memref<50x256xf32, #tpu.memory_space<hbm>> -> memref<1x256xf32, #tpu.memory_space<hbm>>
      %dma_start3A_394 = tpu.memref_squeeze %dma_start3A_393 : memref<1x256xf32, #tpu.memory_space<hbm>> -> memref<256xf32, #tpu.memory_space<hbm>>
      tpu.enqueue_dma source(%dma_start3A_394 : memref<256xf32, #tpu.memory_space<hbm>>) target(%dma_start3A_391 : memref<256xf32, #tpu.memory_space<vmem>>) target_semaphore(%run_scoped3A_382 : memref<!tpu.dma_semaphore, #tpu.memory_space<semaphore_mem>>)
      %dma_wait3A_395 = arith.constant 256 : i32
      %dma_wait3A_396 = tpu.memref_slice %arg5[%run_scoped3A_8, %dma_wait3A_395] : memref<32x512xf32, #tpu.memory_space<vmem>> -> memref<1x256xf32, #tpu.memory_space<vmem>>
      %dma_wait3A_397 = tpu.memref_squeeze %dma_wait3A_396 : memref<1x256xf32, #tpu.memory_space<vmem>> -> memref<256xf32, #tpu.memory_space<vmem>>
      %dma_wait3A_398 = arith.constant 0 : i32
      %dma_wait3A_399 = tpu.memref_slice %arg2[%add3A, %dma_wait3A_398] : memref<50x256xf32, #tpu.memory_space<hbm>> -> memref<1x256xf32, #tpu.memory_space<hbm>>
      %dma_wait3A_400 = tpu.memref_squeeze %dma_wait3A_399 : memref<1x256xf32, #tpu.memory_space<hbm>> -> memref<256xf32, #tpu.memory_space<hbm>>
      %dma_wait3A_401 = arith.constant 256 : i32
      %dma_wait3A_402 = tpu.memref_slice %arg5[%run_scoped3A_8, %dma_wait3A_401] : memref<32x512xf32, #tpu.memory_space<vmem>> -> memref<1x256xf32, #tpu.memory_space<vmem>>
      %dma_wait3A_403 = tpu.memref_squeeze %dma_wait3A_402 : memref<1x256xf32, #tpu.memory_space<vmem>> -> memref<256xf32, #tpu.memory_space<vmem>>
      %dma_wait3A_404 = arith.constant 0 : i32
      %dma_wait3A_405 = tpu.memref_slice %arg2[%add3A, %dma_wait3A_404] : memref<50x256xf32, #tpu.memory_space<hbm>> -> memref<1x256xf32, #tpu.memory_space<hbm>>
      %dma_wait3A_406 = tpu.memref_squeeze %dma_wait3A_405 : memref<1x256xf32, #tpu.memory_space<hbm>> -> memref<256xf32, #tpu.memory_space<hbm>>
      tpu.wait_dma2 semaphore(%run_scoped3A_382 : memref<!tpu.dma_semaphore, #tpu.memory_space<semaphore_mem>>) src(%dma_wait3A_406 : memref<256xf32, #tpu.memory_space<hbm>>) dst(%dma_wait3A_403 : memref<256xf32, #tpu.memory_space<vmem>>)
      tpu.yield
    }) : () -> ()
    %run_scoped3A_9 = arith.constant 9 : i32
    "tpu.region"() ({
      %run_scoped3A_382 = tpu.sem_alloc : memref<!tpu.dma_semaphore, #tpu.memory_space<semaphore_mem>>
      %dma_start3A_383 = arith.constant 256 : i32
      %dma_start3A_384 = tpu.memref_slice %arg5[%run_scoped3A_9, %dma_start3A_383] : memref<32x512xf32, #tpu.memory_space<vmem>> -> memref<1x256xf32, #tpu.memory_space<vmem>>
      %dma_start3A_385 = tpu.memref_squeeze %dma_start3A_384 : memref<1x256xf32, #tpu.memory_space<vmem>> -> memref<256xf32, #tpu.memory_space<vmem>>
      %dma_start3A_386 = arith.constant 0 : i32
      %dma_start3A_387 = tpu.memref_slice %arg2[%add3A, %dma_start3A_386] : memref<50x256xf32, #tpu.memory_space<hbm>> -> memref<1x256xf32, #tpu.memory_space<hbm>>
      %dma_start3A_388 = tpu.memref_squeeze %dma_start3A_387 : memref<1x256xf32, #tpu.memory_space<hbm>> -> memref<256xf32, #tpu.memory_space<hbm>>
      %dma_start3A_389 = arith.constant 256 : i32
      %dma_start3A_390 = tpu.memref_slice %arg5[%run_scoped3A_9, %dma_start3A_389] : memref<32x512xf32, #tpu.memory_space<vmem>> -> memref<1x256xf32, #tpu.memory_space<vmem>>
      %dma_start3A_391 = tpu.memref_squeeze %dma_start3A_390 : memref<1x256xf32, #tpu.memory_space<vmem>> -> memref<256xf32, #tpu.memory_space<vmem>>
      %dma_start3A_392 = arith.constant 0 : i32
      %dma_start3A_393 = tpu.memref_slice %arg2[%add3A, %dma_start3A_392] : memref<50x256xf32, #tpu.memory_space<hbm>> -> memref<1x256xf32, #tpu.memory_space<hbm>>
      %dma_start3A_394 = tpu.memref_squeeze %dma_start3A_393 : memref<1x256xf32, #tpu.memory_space<hbm>> -> memref<256xf32, #tpu.memory_space<hbm>>
      tpu.enqueue_dma source(%dma_start3A_394 : memref<256xf32, #tpu.memory_space<hbm>>) target(%dma_start3A_391 : memref<256xf32, #tpu.memory_space<vmem>>) target_semaphore(%run_scoped3A_382 : memref<!tpu.dma_semaphore, #tpu.memory_space<semaphore_mem>>)
      %dma_wait3A_395 = arith.constant 256 : i32
      %dma_wait3A_396 = tpu.memref_slice %arg5[%run_scoped3A_9, %dma_wait3A_395] : memref<32x512xf32, #tpu.memory_space<vmem>> -> memref<1x256xf32, #tpu.memory_space<vmem>>
      %dma_wait3A_397 = tpu.memref_squeeze %dma_wait3A_396 : memref<1x256xf32, #tpu.memory_space<vmem>> -> memref<256xf32, #tpu.memory_space<vmem>>
      %dma_wait3A_398 = arith.constant 0 : i32
      %dma_wait3A_399 = tpu.memref_slice %arg2[%add3A, %dma_wait3A_398] : memref<50x256xf32, #tpu.memory_space<hbm>> -> memref<1x256xf32, #tpu.memory_space<hbm>>
      %dma_wait3A_400 = tpu.memref_squeeze %dma_wait3A_399 : memref<1x256xf32, #tpu.memory_space<hbm>> -> memref<256xf32, #tpu.memory_space<hbm>>
      %dma_wait3A_401 = arith.constant 256 : i32
      %dma_wait3A_402 = tpu.memref_slice %arg5[%run_scoped3A_9, %dma_wait3A_401] : memref<32x512xf32, #tpu.memory_space<vmem>> -> memref<1x256xf32, #tpu.memory_space<vmem>>
      %dma_wait3A_403 = tpu.memref_squeeze %dma_wait3A_402 : memref<1x256xf32, #tpu.memory_space<vmem>> -> memref<256xf32, #tpu.memory_space<vmem>>
      %dma_wait3A_404 = arith.constant 0 : i32
      %dma_wait3A_405 = tpu.memref_slice %arg2[%add3A, %dma_wait3A_404] : memref<50x256xf32, #tpu.memory_space<hbm>> -> memref<1x256xf32, #tpu.memory_space<hbm>>
      %dma_wait3A_406 = tpu.memref_squeeze %dma_wait3A_405 : memref<1x256xf32, #tpu.memory_space<hbm>> -> memref<256xf32, #tpu.memory_space<hbm>>
      tpu.wait_dma2 semaphore(%run_scoped3A_382 : memref<!tpu.dma_semaphore, #tpu.memory_space<semaphore_mem>>) src(%dma_wait3A_406 : memref<256xf32, #tpu.memory_space<hbm>>) dst(%dma_wait3A_403 : memref<256xf32, #tpu.memory_space<vmem>>)
      tpu.yield
    }) : () -> ()
    %run_scoped3A_10 = arith.constant 10 : i32
    "tpu.region"() ({
      %run_scoped3A_382 = tpu.sem_alloc : memref<!tpu.dma_semaphore, #tpu.memory_space<semaphore_mem>>
      %dma_start3A_383 = arith.constant 256 : i32
      %dma_start3A_384 = tpu.memref_slice %arg5[%run_scoped3A_10, %dma_start3A_383] : memref<32x512xf32, #tpu.memory_space<vmem>> -> memref<1x256xf32, #tpu.memory_space<vmem>>
      %dma_start3A_385 = tpu.memref_squeeze %dma_start3A_384 : memref<1x256xf32, #tpu.memory_space<vmem>> -> memref<256xf32, #tpu.memory_space<vmem>>
      %dma_start3A_386 = arith.constant 0 : i32
      %dma_start3A_387 = tpu.memref_slice %arg2[%add3A, %dma_start3A_386] : memref<50x256xf32, #tpu.memory_space<hbm>> -> memref<1x256xf32, #tpu.memory_space<hbm>>
      %dma_start3A_388 = tpu.memref_squeeze %dma_start3A_387 : memref<1x256xf32, #tpu.memory_space<hbm>> -> memref<256xf32, #tpu.memory_space<hbm>>
      %dma_start3A_389 = arith.constant 256 : i32
      %dma_start3A_390 = tpu.memref_slice %arg5[%run_scoped3A_10, %dma_start3A_389] : memref<32x512xf32, #tpu.memory_space<vmem>> -> memref<1x256xf32, #tpu.memory_space<vmem>>
      %dma_start3A_391 = tpu.memref_squeeze %dma_start3A_390 : memref<1x256xf32, #tpu.memory_space<vmem>> -> memref<256xf32, #tpu.memory_space<vmem>>
      %dma_start3A_392 = arith.constant 0 : i32
      %dma_start3A_393 = tpu.memref_slice %arg2[%add3A, %dma_start3A_392] : memref<50x256xf32, #tpu.memory_space<hbm>> -> memref<1x256xf32, #tpu.memory_space<hbm>>
      %dma_start3A_394 = tpu.memref_squeeze %dma_start3A_393 : memref<1x256xf32, #tpu.memory_space<hbm>> -> memref<256xf32, #tpu.memory_space<hbm>>
      tpu.enqueue_dma source(%dma_start3A_394 : memref<256xf32, #tpu.memory_space<hbm>>) target(%dma_start3A_391 : memref<256xf32, #tpu.memory_space<vmem>>) target_semaphore(%run_scoped3A_382 : memref<!tpu.dma_semaphore, #tpu.memory_space<semaphore_mem>>)
      %dma_wait3A_395 = arith.constant 256 : i32
      %dma_wait3A_396 = tpu.memref_slice %arg5[%run_scoped3A_10, %dma_wait3A_395] : memref<32x512xf32, #tpu.memory_space<vmem>> -> memref<1x256xf32, #tpu.memory_space<vmem>>
      %dma_wait3A_397 = tpu.memref_squeeze %dma_wait3A_396 : memref<1x256xf32, #tpu.memory_space<vmem>> -> memref<256xf32, #tpu.memory_space<vmem>>
      %dma_wait3A_398 = arith.constant 0 : i32
      %dma_wait3A_399 = tpu.memref_slice %arg2[%add3A, %dma_wait3A_398] : memref<50x256xf32, #tpu.memory_space<hbm>> -> memref<1x256xf32, #tpu.memory_space<hbm>>
      %dma_wait3A_400 = tpu.memref_squeeze %dma_wait3A_399 : memref<1x256xf32, #tpu.memory_space<hbm>> -> memref<256xf32, #tpu.memory_space<hbm>>
      %dma_wait3A_401 = arith.constant 256 : i32
      %dma_wait3A_402 = tpu.memref_slice %arg5[%run_scoped3A_10, %dma_wait3A_401] : memref<32x512xf32, #tpu.memory_space<vmem>> -> memref<1x256xf32, #tpu.memory_space<vmem>>
      %dma_wait3A_403 = tpu.memref_squeeze %dma_wait3A_402 : memref<1x256xf32, #tpu.memory_space<vmem>> -> memref<256xf32, #tpu.memory_space<vmem>>
      %dma_wait3A_404 = arith.constant 0 : i32
      %dma_wait3A_405 = tpu.memref_slice %arg2[%add3A, %dma_wait3A_404] : memref<50x256xf32, #tpu.memory_space<hbm>> -> memref<1x256xf32, #tpu.memory_space<hbm>>
      %dma_wait3A_406 = tpu.memref_squeeze %dma_wait3A_405 : memref<1x256xf32, #tpu.memory_space<hbm>> -> memref<256xf32, #tpu.memory_space<hbm>>
      tpu.wait_dma2 semaphore(%run_scoped3A_382 : memref<!tpu.dma_semaphore, #tpu.memory_space<semaphore_mem>>) src(%dma_wait3A_406 : memref<256xf32, #tpu.memory_space<hbm>>) dst(%dma_wait3A_403 : memref<256xf32, #tpu.memory_space<vmem>>)
      tpu.yield
    }) : () -> ()
    %run_scoped3A_11 = arith.constant 11 : i32
    "tpu.region"() ({
      %run_scoped3A_382 = tpu.sem_alloc : memref<!tpu.dma_semaphore, #tpu.memory_space<semaphore_mem>>
      %dma_start3A_383 = arith.constant 256 : i32
      %dma_start3A_384 = tpu.memref_slice %arg5[%run_scoped3A_11, %dma_start3A_383] : memref<32x512xf32, #tpu.memory_space<vmem>> -> memref<1x256xf32, #tpu.memory_space<vmem>>
      %dma_start3A_385 = tpu.memref_squeeze %dma_start3A_384 : memref<1x256xf32, #tpu.memory_space<vmem>> -> memref<256xf32, #tpu.memory_space<vmem>>
      %dma_start3A_386 = arith.constant 0 : i32
      %dma_start3A_387 = tpu.memref_slice %arg2[%add3A, %dma_start3A_386] : memref<50x256xf32, #tpu.memory_space<hbm>> -> memref<1x256xf32, #tpu.memory_space<hbm>>
      %dma_start3A_388 = tpu.memref_squeeze %dma_start3A_387 : memref<1x256xf32, #tpu.memory_space<hbm>> -> memref<256xf32, #tpu.memory_space<hbm>>
      %dma_start3A_389 = arith.constant 256 : i32
      %dma_start3A_390 = tpu.memref_slice %arg5[%run_scoped3A_11, %dma_start3A_389] : memref<32x512xf32, #tpu.memory_space<vmem>> -> memref<1x256xf32, #tpu.memory_space<vmem>>
      %dma_start3A_391 = tpu.memref_squeeze %dma_start3A_390 : memref<1x256xf32, #tpu.memory_space<vmem>> -> memref<256xf32, #tpu.memory_space<vmem>>
      %dma_start3A_392 = arith.constant 0 : i32
      %dma_start3A_393 = tpu.memref_slice %arg2[%add3A, %dma_start3A_392] : memref<50x256xf32, #tpu.memory_space<hbm>> -> memref<1x256xf32, #tpu.memory_space<hbm>>
      %dma_start3A_394 = tpu.memref_squeeze %dma_start3A_393 : memref<1x256xf32, #tpu.memory_space<hbm>> -> memref<256xf32, #tpu.memory_space<hbm>>
      tpu.enqueue_dma source(%dma_start3A_394 : memref<256xf32, #tpu.memory_space<hbm>>) target(%dma_start3A_391 : memref<256xf32, #tpu.memory_space<vmem>>) target_semaphore(%run_scoped3A_382 : memref<!tpu.dma_semaphore, #tpu.memory_space<semaphore_mem>>)
      %dma_wait3A_395 = arith.constant 256 : i32
      %dma_wait3A_396 = tpu.memref_slice %arg5[%run_scoped3A_11, %dma_wait3A_395] : memref<32x512xf32, #tpu.memory_space<vmem>> -> memref<1x256xf32, #tpu.memory_space<vmem>>
      %dma_wait3A_397 = tpu.memref_squeeze %dma_wait3A_396 : memref<1x256xf32, #tpu.memory_space<vmem>> -> memref<256xf32, #tpu.memory_space<vmem>>
      %dma_wait3A_398 = arith.constant 0 : i32
      %dma_wait3A_399 = tpu.memref_slice %arg2[%add3A, %dma_wait3A_398] : memref<50x256xf32, #tpu.memory_space<hbm>> -> memref<1x256xf32, #tpu.memory_space<hbm>>
      %dma_wait3A_400 = tpu.memref_squeeze %dma_wait3A_399 : memref<1x256xf32, #tpu.memory_space<hbm>> -> memref<256xf32, #tpu.memory_space<hbm>>
      %dma_wait3A_401 = arith.constant 256 : i32
      %dma_wait3A_402 = tpu.memref_slice %arg5[%run_scoped3A_11, %dma_wait3A_401] : memref<32x512xf32, #tpu.memory_space<vmem>> -> memref<1x256xf32, #tpu.memory_space<vmem>>
      %dma_wait3A_403 = tpu.memref_squeeze %dma_wait3A_402 : memref<1x256xf32, #tpu.memory_space<vmem>> -> memref<256xf32, #tpu.memory_space<vmem>>
      %dma_wait3A_404 = arith.constant 0 : i32
      %dma_wait3A_405 = tpu.memref_slice %arg2[%add3A, %dma_wait3A_404] : memref<50x256xf32, #tpu.memory_space<hbm>> -> memref<1x256xf32, #tpu.memory_space<hbm>>
      %dma_wait3A_406 = tpu.memref_squeeze %dma_wait3A_405 : memref<1x256xf32, #tpu.memory_space<hbm>> -> memref<256xf32, #tpu.memory_space<hbm>>
      tpu.wait_dma2 semaphore(%run_scoped3A_382 : memref<!tpu.dma_semaphore, #tpu.memory_space<semaphore_mem>>) src(%dma_wait3A_406 : memref<256xf32, #tpu.memory_space<hbm>>) dst(%dma_wait3A_403 : memref<256xf32, #tpu.memory_space<vmem>>)
      tpu.yield
    }) : () -> ()
    %run_scoped3A_12 = arith.constant 12 : i32
    "tpu.region"() ({
      %run_scoped3A_382 = tpu.sem_alloc : memref<!tpu.dma_semaphore, #tpu.memory_space<semaphore_mem>>
      %dma_start3A_383 = arith.constant 256 : i32
      %dma_start3A_384 = tpu.memref_slice %arg5[%run_scoped3A_12, %dma_start3A_383] : memref<32x512xf32, #tpu.memory_space<vmem>> -> memref<1x256xf32, #tpu.memory_space<vmem>>
      %dma_start3A_385 = tpu.memref_squeeze %dma_start3A_384 : memref<1x256xf32, #tpu.memory_space<vmem>> -> memref<256xf32, #tpu.memory_space<vmem>>
      %dma_start3A_386 = arith.constant 0 : i32
      %dma_start3A_387 = tpu.memref_slice %arg2[%add3A, %dma_start3A_386] : memref<50x256xf32, #tpu.memory_space<hbm>> -> memref<1x256xf32, #tpu.memory_space<hbm>>
      %dma_start3A_388 = tpu.memref_squeeze %dma_start3A_387 : memref<1x256xf32, #tpu.memory_space<hbm>> -> memref<256xf32, #tpu.memory_space<hbm>>
      %dma_start3A_389 = arith.constant 256 : i32
      %dma_start3A_390 = tpu.memref_slice %arg5[%run_scoped3A_12, %dma_start3A_389] : memref<32x512xf32, #tpu.memory_space<vmem>> -> memref<1x256xf32, #tpu.memory_space<vmem>>
      %dma_start3A_391 = tpu.memref_squeeze %dma_start3A_390 : memref<1x256xf32, #tpu.memory_space<vmem>> -> memref<256xf32, #tpu.memory_space<vmem>>
      %dma_start3A_392 = arith.constant 0 : i32
      %dma_start3A_393 = tpu.memref_slice %arg2[%add3A, %dma_start3A_392] : memref<50x256xf32, #tpu.memory_space<hbm>> -> memref<1x256xf32, #tpu.memory_space<hbm>>
      %dma_start3A_394 = tpu.memref_squeeze %dma_start3A_393 : memref<1x256xf32, #tpu.memory_space<hbm>> -> memref<256xf32, #tpu.memory_space<hbm>>
      tpu.enqueue_dma source(%dma_start3A_394 : memref<256xf32, #tpu.memory_space<hbm>>) target(%dma_start3A_391 : memref<256xf32, #tpu.memory_space<vmem>>) target_semaphore(%run_scoped3A_382 : memref<!tpu.dma_semaphore, #tpu.memory_space<semaphore_mem>>)
      %dma_wait3A_395 = arith.constant 256 : i32
      %dma_wait3A_396 = tpu.memref_slice %arg5[%run_scoped3A_12, %dma_wait3A_395] : memref<32x512xf32, #tpu.memory_space<vmem>> -> memref<1x256xf32, #tpu.memory_space<vmem>>
      %dma_wait3A_397 = tpu.memref_squeeze %dma_wait3A_396 : memref<1x256xf32, #tpu.memory_space<vmem>> -> memref<256xf32, #tpu.memory_space<vmem>>
      %dma_wait3A_398 = arith.constant 0 : i32
      %dma_wait3A_399 = tpu.memref_slice %arg2[%add3A, %dma_wait3A_398] : memref<50x256xf32, #tpu.memory_space<hbm>> -> memref<1x256xf32, #tpu.memory_space<hbm>>
      %dma_wait3A_400 = tpu.memref_squeeze %dma_wait3A_399 : memref<1x256xf32, #tpu.memory_space<hbm>> -> memref<256xf32, #tpu.memory_space<hbm>>
      %dma_wait3A_401 = arith.constant 256 : i32
      %dma_wait3A_402 = tpu.memref_slice %arg5[%run_scoped3A_12, %dma_wait3A_401] : memref<32x512xf32, #tpu.memory_space<vmem>> -> memref<1x256xf32, #tpu.memory_space<vmem>>
      %dma_wait3A_403 = tpu.memref_squeeze %dma_wait3A_402 : memref<1x256xf32, #tpu.memory_space<vmem>> -> memref<256xf32, #tpu.memory_space<vmem>>
      %dma_wait3A_404 = arith.constant 0 : i32
      %dma_wait3A_405 = tpu.memref_slice %arg2[%add3A, %dma_wait3A_404] : memref<50x256xf32, #tpu.memory_space<hbm>> -> memref<1x256xf32, #tpu.memory_space<hbm>>
      %dma_wait3A_406 = tpu.memref_squeeze %dma_wait3A_405 : memref<1x256xf32, #tpu.memory_space<hbm>> -> memref<256xf32, #tpu.memory_space<hbm>>
      tpu.wait_dma2 semaphore(%run_scoped3A_382 : memref<!tpu.dma_semaphore, #tpu.memory_space<semaphore_mem>>) src(%dma_wait3A_406 : memref<256xf32, #tpu.memory_space<hbm>>) dst(%dma_wait3A_403 : memref<256xf32, #tpu.memory_space<vmem>>)
      tpu.yield
    }) : () -> ()
    %run_scoped3A_13 = arith.constant 13 : i32
    "tpu.region"() ({
      %run_scoped3A_382 = tpu.sem_alloc : memref<!tpu.dma_semaphore, #tpu.memory_space<semaphore_mem>>
      %dma_start3A_383 = arith.constant 256 : i32
      %dma_start3A_384 = tpu.memref_slice %arg5[%run_scoped3A_13, %dma_start3A_383] : memref<32x512xf32, #tpu.memory_space<vmem>> -> memref<1x256xf32, #tpu.memory_space<vmem>>
      %dma_start3A_385 = tpu.memref_squeeze %dma_start3A_384 : memref<1x256xf32, #tpu.memory_space<vmem>> -> memref<256xf32, #tpu.memory_space<vmem>>
      %dma_start3A_386 = arith.constant 0 : i32
      %dma_start3A_387 = tpu.memref_slice %arg2[%add3A, %dma_start3A_386] : memref<50x256xf32, #tpu.memory_space<hbm>> -> memref<1x256xf32, #tpu.memory_space<hbm>>
      %dma_start3A_388 = tpu.memref_squeeze %dma_start3A_387 : memref<1x256xf32, #tpu.memory_space<hbm>> -> memref<256xf32, #tpu.memory_space<hbm>>
      %dma_start3A_389 = arith.constant 256 : i32
      %dma_start3A_390 = tpu.memref_slice %arg5[%run_scoped3A_13, %dma_start3A_389] : memref<32x512xf32, #tpu.memory_space<vmem>> -> memref<1x256xf32, #tpu.memory_space<vmem>>
      %dma_start3A_391 = tpu.memref_squeeze %dma_start3A_390 : memref<1x256xf32, #tpu.memory_space<vmem>> -> memref<256xf32, #tpu.memory_space<vmem>>
      %dma_start3A_392 = arith.constant 0 : i32
      %dma_start3A_393 = tpu.memref_slice %arg2[%add3A, %dma_start3A_392] : memref<50x256xf32, #tpu.memory_space<hbm>> -> memref<1x256xf32, #tpu.memory_space<hbm>>
      %dma_start3A_394 = tpu.memref_squeeze %dma_start3A_393 : memref<1x256xf32, #tpu.memory_space<hbm>> -> memref<256xf32, #tpu.memory_space<hbm>>
      tpu.enqueue_dma source(%dma_start3A_394 : memref<256xf32, #tpu.memory_space<hbm>>) target(%dma_start3A_391 : memref<256xf32, #tpu.memory_space<vmem>>) target_semaphore(%run_scoped3A_382 : memref<!tpu.dma_semaphore, #tpu.memory_space<semaphore_mem>>)
      %dma_wait3A_395 = arith.constant 256 : i32
      %dma_wait3A_396 = tpu.memref_slice %arg5[%run_scoped3A_13, %dma_wait3A_395] : memref<32x512xf32, #tpu.memory_space<vmem>> -> memref<1x256xf32, #tpu.memory_space<vmem>>
      %dma_wait3A_397 = tpu.memref_squeeze %dma_wait3A_396 : memref<1x256xf32, #tpu.memory_space<vmem>> -> memref<256xf32, #tpu.memory_space<vmem>>
      %dma_wait3A_398 = arith.constant 0 : i32
      %dma_wait3A_399 = tpu.memref_slice %arg2[%add3A, %dma_wait3A_398] : memref<50x256xf32, #tpu.memory_space<hbm>> -> memref<1x256xf32, #tpu.memory_space<hbm>>
      %dma_wait3A_400 = tpu.memref_squeeze %dma_wait3A_399 : memref<1x256xf32, #tpu.memory_space<hbm>> -> memref<256xf32, #tpu.memory_space<hbm>>
      %dma_wait3A_401 = arith.constant 256 : i32
      %dma_wait3A_402 = tpu.memref_slice %arg5[%run_scoped3A_13, %dma_wait3A_401] : memref<32x512xf32, #tpu.memory_space<vmem>> -> memref<1x256xf32, #tpu.memory_space<vmem>>
      %dma_wait3A_403 = tpu.memref_squeeze %dma_wait3A_402 : memref<1x256xf32, #tpu.memory_space<vmem>> -> memref<256xf32, #tpu.memory_space<vmem>>
      %dma_wait3A_404 = arith.constant 0 : i32
      %dma_wait3A_405 = tpu.memref_slice %arg2[%add3A, %dma_wait3A_404] : memref<50x256xf32, #tpu.memory_space<hbm>> -> memref<1x256xf32, #tpu.memory_space<hbm>>
      %dma_wait3A_406 = tpu.memref_squeeze %dma_wait3A_405 : memref<1x256xf32, #tpu.memory_space<hbm>> -> memref<256xf32, #tpu.memory_space<hbm>>
      tpu.wait_dma2 semaphore(%run_scoped3A_382 : memref<!tpu.dma_semaphore, #tpu.memory_space<semaphore_mem>>) src(%dma_wait3A_406 : memref<256xf32, #tpu.memory_space<hbm>>) dst(%dma_wait3A_403 : memref<256xf32, #tpu.memory_space<vmem>>)
      tpu.yield
    }) : () -> ()
    %run_scoped3A_14 = arith.constant 14 : i32
    "tpu.region"() ({
      %run_scoped3A_382 = tpu.sem_alloc : memref<!tpu.dma_semaphore, #tpu.memory_space<semaphore_mem>>
      %dma_start3A_383 = arith.constant 256 : i32
      %dma_start3A_384 = tpu.memref_slice %arg5[%run_scoped3A_14, %dma_start3A_383] : memref<32x512xf32, #tpu.memory_space<vmem>> -> memref<1x256xf32, #tpu.memory_space<vmem>>
      %dma_start3A_385 = tpu.memref_squeeze %dma_start3A_384 : memref<1x256xf32, #tpu.memory_space<vmem>> -> memref<256xf32, #tpu.memory_space<vmem>>
      %dma_start3A_386 = arith.constant 0 : i32
      %dma_start3A_387 = tpu.memref_slice %arg2[%add3A, %dma_start3A_386] : memref<50x256xf32, #tpu.memory_space<hbm>> -> memref<1x256xf32, #tpu.memory_space<hbm>>
      %dma_start3A_388 = tpu.memref_squeeze %dma_start3A_387 : memref<1x256xf32, #tpu.memory_space<hbm>> -> memref<256xf32, #tpu.memory_space<hbm>>
      %dma_start3A_389 = arith.constant 256 : i32
      %dma_start3A_390 = tpu.memref_slice %arg5[%run_scoped3A_14, %dma_start3A_389] : memref<32x512xf32, #tpu.memory_space<vmem>> -> memref<1x256xf32, #tpu.memory_space<vmem>>
      %dma_start3A_391 = tpu.memref_squeeze %dma_start3A_390 : memref<1x256xf32, #tpu.memory_space<vmem>> -> memref<256xf32, #tpu.memory_space<vmem>>
      %dma_start3A_392 = arith.constant 0 : i32
      %dma_start3A_393 = tpu.memref_slice %arg2[%add3A, %dma_start3A_392] : memref<50x256xf32, #tpu.memory_space<hbm>> -> memref<1x256xf32, #tpu.memory_space<hbm>>
      %dma_start3A_394 = tpu.memref_squeeze %dma_start3A_393 : memref<1x256xf32, #tpu.memory_space<hbm>> -> memref<256xf32, #tpu.memory_space<hbm>>
      tpu.enqueue_dma source(%dma_start3A_394 : memref<256xf32, #tpu.memory_space<hbm>>) target(%dma_start3A_391 : memref<256xf32, #tpu.memory_space<vmem>>) target_semaphore(%run_scoped3A_382 : memref<!tpu.dma_semaphore, #tpu.memory_space<semaphore_mem>>)
      %dma_wait3A_395 = arith.constant 256 : i32
      %dma_wait3A_396 = tpu.memref_slice %arg5[%run_scoped3A_14, %dma_wait3A_395] : memref<32x512xf32, #tpu.memory_space<vmem>> -> memref<1x256xf32, #tpu.memory_space<vmem>>
      %dma_wait3A_397 = tpu.memref_squeeze %dma_wait3A_396 : memref<1x256xf32, #tpu.memory_space<vmem>> -> memref<256xf32, #tpu.memory_space<vmem>>
      %dma_wait3A_398 = arith.constant 0 : i32
      %dma_wait3A_399 = tpu.memref_slice %arg2[%add3A, %dma_wait3A_398] : memref<50x256xf32, #tpu.memory_space<hbm>> -> memref<1x256xf32, #tpu.memory_space<hbm>>
      %dma_wait3A_400 = tpu.memref_squeeze %dma_wait3A_399 : memref<1x256xf32, #tpu.memory_space<hbm>> -> memref<256xf32, #tpu.memory_space<hbm>>
      %dma_wait3A_401 = arith.constant 256 : i32
      %dma_wait3A_402 = tpu.memref_slice %arg5[%run_scoped3A_14, %dma_wait3A_401] : memref<32x512xf32, #tpu.memory_space<vmem>> -> memref<1x256xf32, #tpu.memory_space<vmem>>
      %dma_wait3A_403 = tpu.memref_squeeze %dma_wait3A_402 : memref<1x256xf32, #tpu.memory_space<vmem>> -> memref<256xf32, #tpu.memory_space<vmem>>
      %dma_wait3A_404 = arith.constant 0 : i32
      %dma_wait3A_405 = tpu.memref_slice %arg2[%add3A, %dma_wait3A_404] : memref<50x256xf32, #tpu.memory_space<hbm>> -> memref<1x256xf32, #tpu.memory_space<hbm>>
      %dma_wait3A_406 = tpu.memref_squeeze %dma_wait3A_405 : memref<1x256xf32, #tpu.memory_space<hbm>> -> memref<256xf32, #tpu.memory_space<hbm>>
      tpu.wait_dma2 semaphore(%run_scoped3A_382 : memref<!tpu.dma_semaphore, #tpu.memory_space<semaphore_mem>>) src(%dma_wait3A_406 : memref<256xf32, #tpu.memory_space<hbm>>) dst(%dma_wait3A_403 : memref<256xf32, #tpu.memory_space<vmem>>)
      tpu.yield
    }) : () -> ()
    %run_scoped3A_15 = arith.constant 15 : i32
    "tpu.region"() ({
      %run_scoped3A_382 = tpu.sem_alloc : memref<!tpu.dma_semaphore, #tpu.memory_space<semaphore_mem>>
      %dma_start3A_383 = arith.constant 256 : i32
      %dma_start3A_384 = tpu.memref_slice %arg5[%run_scoped3A_15, %dma_start3A_383] : memref<32x512xf32, #tpu.memory_space<vmem>> -> memref<1x256xf32, #tpu.memory_space<vmem>>
      %dma_start3A_385 = tpu.memref_squeeze %dma_start3A_384 : memref<1x256xf32, #tpu.memory_space<vmem>> -> memref<256xf32, #tpu.memory_space<vmem>>
      %dma_start3A_386 = arith.constant 0 : i32
      %dma_start3A_387 = tpu.memref_slice %arg2[%add3A, %dma_start3A_386] : memref<50x256xf32, #tpu.memory_space<hbm>> -> memref<1x256xf32, #tpu.memory_space<hbm>>
      %dma_start3A_388 = tpu.memref_squeeze %dma_start3A_387 : memref<1x256xf32, #tpu.memory_space<hbm>> -> memref<256xf32, #tpu.memory_space<hbm>>
      %dma_start3A_389 = arith.constant 256 : i32
      %dma_start3A_390 = tpu.memref_slice %arg5[%run_scoped3A_15, %dma_start3A_389] : memref<32x512xf32, #tpu.memory_space<vmem>> -> memref<1x256xf32, #tpu.memory_space<vmem>>
      %dma_start3A_391 = tpu.memref_squeeze %dma_start3A_390 : memref<1x256xf32, #tpu.memory_space<vmem>> -> memref<256xf32, #tpu.memory_space<vmem>>
      %dma_start3A_392 = arith.constant 0 : i32
      %dma_start3A_393 = tpu.memref_slice %arg2[%add3A, %dma_start3A_392] : memref<50x256xf32, #tpu.memory_space<hbm>> -> memref<1x256xf32, #tpu.memory_space<hbm>>
      %dma_start3A_394 = tpu.memref_squeeze %dma_start3A_393 : memref<1x256xf32, #tpu.memory_space<hbm>> -> memref<256xf32, #tpu.memory_space<hbm>>
      tpu.enqueue_dma source(%dma_start3A_394 : memref<256xf32, #tpu.memory_space<hbm>>) target(%dma_start3A_391 : memref<256xf32, #tpu.memory_space<vmem>>) target_semaphore(%run_scoped3A_382 : memref<!tpu.dma_semaphore, #tpu.memory_space<semaphore_mem>>)
      %dma_wait3A_395 = arith.constant 256 : i32
      %dma_wait3A_396 = tpu.memref_slice %arg5[%run_scoped3A_15, %dma_wait3A_395] : memref<32x512xf32, #tpu.memory_space<vmem>> -> memref<1x256xf32, #tpu.memory_space<vmem>>
      %dma_wait3A_397 = tpu.memref_squeeze %dma_wait3A_396 : memref<1x256xf32, #tpu.memory_space<vmem>> -> memref<256xf32, #tpu.memory_space<vmem>>
      %dma_wait3A_398 = arith.constant 0 : i32
      %dma_wait3A_399 = tpu.memref_slice %arg2[%add3A, %dma_wait3A_398] : memref<50x256xf32, #tpu.memory_space<hbm>> -> memref<1x256xf32, #tpu.memory_space<hbm>>
      %dma_wait3A_400 = tpu.memref_squeeze %dma_wait3A_399 : memref<1x256xf32, #tpu.memory_space<hbm>> -> memref<256xf32, #tpu.memory_space<hbm>>
      %dma_wait3A_401 = arith.constant 256 : i32
      %dma_wait3A_402 = tpu.memref_slice %arg5[%run_scoped3A_15, %dma_wait3A_401] : memref<32x512xf32, #tpu.memory_space<vmem>> -> memref<1x256xf32, #tpu.memory_space<vmem>>
      %dma_wait3A_403 = tpu.memref_squeeze %dma_wait3A_402 : memref<1x256xf32, #tpu.memory_space<vmem>> -> memref<256xf32, #tpu.memory_space<vmem>>
      %dma_wait3A_404 = arith.constant 0 : i32
      %dma_wait3A_405 = tpu.memref_slice %arg2[%add3A, %dma_wait3A_404] : memref<50x256xf32, #tpu.memory_space<hbm>> -> memref<1x256xf32, #tpu.memory_space<hbm>>
      %dma_wait3A_406 = tpu.memref_squeeze %dma_wait3A_405 : memref<1x256xf32, #tpu.memory_space<hbm>> -> memref<256xf32, #tpu.memory_space<hbm>>
      tpu.wait_dma2 semaphore(%run_scoped3A_382 : memref<!tpu.dma_semaphore, #tpu.memory_space<semaphore_mem>>) src(%dma_wait3A_406 : memref<256xf32, #tpu.memory_space<hbm>>) dst(%dma_wait3A_403 : memref<256xf32, #tpu.memory_space<vmem>>)
      tpu.yield
    }) : () -> ()
    %run_scoped3A_16 = arith.constant 16 : i32
    "tpu.region"() ({
      %run_scoped3A_382 = tpu.sem_alloc : memref<!tpu.dma_semaphore, #tpu.memory_space<semaphore_mem>>
      %dma_start3A_383 = arith.constant 256 : i32
      %dma_start3A_384 = tpu.memref_slice %arg5[%run_scoped3A_16, %dma_start3A_383] : memref<32x512xf32, #tpu.memory_space<vmem>> -> memref<1x256xf32, #tpu.memory_space<vmem>>
      %dma_start3A_385 = tpu.memref_squeeze %dma_start3A_384 : memref<1x256xf32, #tpu.memory_space<vmem>> -> memref<256xf32, #tpu.memory_space<vmem>>
      %dma_start3A_386 = arith.constant 0 : i32
      %dma_start3A_387 = tpu.memref_slice %arg2[%add3A, %dma_start3A_386] : memref<50x256xf32, #tpu.memory_space<hbm>> -> memref<1x256xf32, #tpu.memory_space<hbm>>
      %dma_start3A_388 = tpu.memref_squeeze %dma_start3A_387 : memref<1x256xf32, #tpu.memory_space<hbm>> -> memref<256xf32, #tpu.memory_space<hbm>>
      %dma_start3A_389 = arith.constant 256 : i32
      %dma_start3A_390 = tpu.memref_slice %arg5[%run_scoped3A_16, %dma_start3A_389] : memref<32x512xf32, #tpu.memory_space<vmem>> -> memref<1x256xf32, #tpu.memory_space<vmem>>
      %dma_start3A_391 = tpu.memref_squeeze %dma_start3A_390 : memref<1x256xf32, #tpu.memory_space<vmem>> -> memref<256xf32, #tpu.memory_space<vmem>>
      %dma_start3A_392 = arith.constant 0 : i32
      %dma_start3A_393 = tpu.memref_slice %arg2[%add3A, %dma_start3A_392] : memref<50x256xf32, #tpu.memory_space<hbm>> -> memref<1x256xf32, #tpu.memory_space<hbm>>
      %dma_start3A_394 = tpu.memref_squeeze %dma_start3A_393 : memref<1x256xf32, #tpu.memory_space<hbm>> -> memref<256xf32, #tpu.memory_space<hbm>>
      tpu.enqueue_dma source(%dma_start3A_394 : memref<256xf32, #tpu.memory_space<hbm>>) target(%dma_start3A_391 : memref<256xf32, #tpu.memory_space<vmem>>) target_semaphore(%run_scoped3A_382 : memref<!tpu.dma_semaphore, #tpu.memory_space<semaphore_mem>>)
      %dma_wait3A_395 = arith.constant 256 : i32
      %dma_wait3A_396 = tpu.memref_slice %arg5[%run_scoped3A_16, %dma_wait3A_395] : memref<32x512xf32, #tpu.memory_space<vmem>> -> memref<1x256xf32, #tpu.memory_space<vmem>>
      %dma_wait3A_397 = tpu.memref_squeeze %dma_wait3A_396 : memref<1x256xf32, #tpu.memory_space<vmem>> -> memref<256xf32, #tpu.memory_space<vmem>>
      %dma_wait3A_398 = arith.constant 0 : i32
      %dma_wait3A_399 = tpu.memref_slice %arg2[%add3A, %dma_wait3A_398] : memref<50x256xf32, #tpu.memory_space<hbm>> -> memref<1x256xf32, #tpu.memory_space<hbm>>
      %dma_wait3A_400 = tpu.memref_squeeze %dma_wait3A_399 : memref<1x256xf32, #tpu.memory_space<hbm>> -> memref<256xf32, #tpu.memory_space<hbm>>
      %dma_wait3A_401 = arith.constant 256 : i32
      %dma_wait3A_402 = tpu.memref_slice %arg5[%run_scoped3A_16, %dma_wait3A_401] : memref<32x512xf32, #tpu.memory_space<vmem>> -> memref<1x256xf32, #tpu.memory_space<vmem>>
      %dma_wait3A_403 = tpu.memref_squeeze %dma_wait3A_402 : memref<1x256xf32, #tpu.memory_space<vmem>> -> memref<256xf32, #tpu.memory_space<vmem>>
      %dma_wait3A_404 = arith.constant 0 : i32
      %dma_wait3A_405 = tpu.memref_slice %arg2[%add3A, %dma_wait3A_404] : memref<50x256xf32, #tpu.memory_space<hbm>> -> memref<1x256xf32, #tpu.memory_space<hbm>>
      %dma_wait3A_406 = tpu.memref_squeeze %dma_wait3A_405 : memref<1x256xf32, #tpu.memory_space<hbm>> -> memref<256xf32, #tpu.memory_space<hbm>>
      tpu.wait_dma2 semaphore(%run_scoped3A_382 : memref<!tpu.dma_semaphore, #tpu.memory_space<semaphore_mem>>) src(%dma_wait3A_406 : memref<256xf32, #tpu.memory_space<hbm>>) dst(%dma_wait3A_403 : memref<256xf32, #tpu.memory_space<vmem>>)
      tpu.yield
    }) : () -> ()
    %run_scoped3A_17 = arith.constant 17 : i32
    "tpu.region"() ({
      %run_scoped3A_382 = tpu.sem_alloc : memref<!tpu.dma_semaphore, #tpu.memory_space<semaphore_mem>>
      %dma_start3A_383 = arith.constant 256 : i32
      %dma_start3A_384 = tpu.memref_slice %arg5[%run_scoped3A_17, %dma_start3A_383] : memref<32x512xf32, #tpu.memory_space<vmem>> -> memref<1x256xf32, #tpu.memory_space<vmem>>
      %dma_start3A_385 = tpu.memref_squeeze %dma_start3A_384 : memref<1x256xf32, #tpu.memory_space<vmem>> -> memref<256xf32, #tpu.memory_space<vmem>>
      %dma_start3A_386 = arith.constant 0 : i32
      %dma_start3A_387 = tpu.memref_slice %arg2[%add3A, %dma_start3A_386] : memref<50x256xf32, #tpu.memory_space<hbm>> -> memref<1x256xf32, #tpu.memory_space<hbm>>
      %dma_start3A_388 = tpu.memref_squeeze %dma_start3A_387 : memref<1x256xf32, #tpu.memory_space<hbm>> -> memref<256xf32, #tpu.memory_space<hbm>>
      %dma_start3A_389 = arith.constant 256 : i32
      %dma_start3A_390 = tpu.memref_slice %arg5[%run_scoped3A_17, %dma_start3A_389] : memref<32x512xf32, #tpu.memory_space<vmem>> -> memref<1x256xf32, #tpu.memory_space<vmem>>
      %dma_start3A_391 = tpu.memref_squeeze %dma_start3A_390 : memref<1x256xf32, #tpu.memory_space<vmem>> -> memref<256xf32, #tpu.memory_space<vmem>>
      %dma_start3A_392 = arith.constant 0 : i32
      %dma_start3A_393 = tpu.memref_slice %arg2[%add3A, %dma_start3A_392] : memref<50x256xf32, #tpu.memory_space<hbm>> -> memref<1x256xf32, #tpu.memory_space<hbm>>
      %dma_start3A_394 = tpu.memref_squeeze %dma_start3A_393 : memref<1x256xf32, #tpu.memory_space<hbm>> -> memref<256xf32, #tpu.memory_space<hbm>>
      tpu.enqueue_dma source(%dma_start3A_394 : memref<256xf32, #tpu.memory_space<hbm>>) target(%dma_start3A_391 : memref<256xf32, #tpu.memory_space<vmem>>) target_semaphore(%run_scoped3A_382 : memref<!tpu.dma_semaphore, #tpu.memory_space<semaphore_mem>>)
      %dma_wait3A_395 = arith.constant 256 : i32
      %dma_wait3A_396 = tpu.memref_slice %arg5[%run_scoped3A_17, %dma_wait3A_395] : memref<32x512xf32, #tpu.memory_space<vmem>> -> memref<1x256xf32, #tpu.memory_space<vmem>>
      %dma_wait3A_397 = tpu.memref_squeeze %dma_wait3A_396 : memref<1x256xf32, #tpu.memory_space<vmem>> -> memref<256xf32, #tpu.memory_space<vmem>>
      %dma_wait3A_398 = arith.constant 0 : i32
      %dma_wait3A_399 = tpu.memref_slice %arg2[%add3A, %dma_wait3A_398] : memref<50x256xf32, #tpu.memory_space<hbm>> -> memref<1x256xf32, #tpu.memory_space<hbm>>
      %dma_wait3A_400 = tpu.memref_squeeze %dma_wait3A_399 : memref<1x256xf32, #tpu.memory_space<hbm>> -> memref<256xf32, #tpu.memory_space<hbm>>
      %dma_wait3A_401 = arith.constant 256 : i32
      %dma_wait3A_402 = tpu.memref_slice %arg5[%run_scoped3A_17, %dma_wait3A_401] : memref<32x512xf32, #tpu.memory_space<vmem>> -> memref<1x256xf32, #tpu.memory_space<vmem>>
      %dma_wait3A_403 = tpu.memref_squeeze %dma_wait3A_402 : memref<1x256xf32, #tpu.memory_space<vmem>> -> memref<256xf32, #tpu.memory_space<vmem>>
      %dma_wait3A_404 = arith.constant 0 : i32
      %dma_wait3A_405 = tpu.memref_slice %arg2[%add3A, %dma_wait3A_404] : memref<50x256xf32, #tpu.memory_space<hbm>> -> memref<1x256xf32, #tpu.memory_space<hbm>>
      %dma_wait3A_406 = tpu.memref_squeeze %dma_wait3A_405 : memref<1x256xf32, #tpu.memory_space<hbm>> -> memref<256xf32, #tpu.memory_space<hbm>>
      tpu.wait_dma2 semaphore(%run_scoped3A_382 : memref<!tpu.dma_semaphore, #tpu.memory_space<semaphore_mem>>) src(%dma_wait3A_406 : memref<256xf32, #tpu.memory_space<hbm>>) dst(%dma_wait3A_403 : memref<256xf32, #tpu.memory_space<vmem>>)
      tpu.yield
    }) : () -> ()
    %run_scoped3A_18 = arith.constant 18 : i32
    "tpu.region"() ({
      %run_scoped3A_382 = tpu.sem_alloc : memref<!tpu.dma_semaphore, #tpu.memory_space<semaphore_mem>>
      %dma_start3A_383 = arith.constant 256 : i32
      %dma_start3A_384 = tpu.memref_slice %arg5[%run_scoped3A_18, %dma_start3A_383] : memref<32x512xf32, #tpu.memory_space<vmem>> -> memref<1x256xf32, #tpu.memory_space<vmem>>
      %dma_start3A_385 = tpu.memref_squeeze %dma_start3A_384 : memref<1x256xf32, #tpu.memory_space<vmem>> -> memref<256xf32, #tpu.memory_space<vmem>>
      %dma_start3A_386 = arith.constant 0 : i32
      %dma_start3A_387 = tpu.memref_slice %arg2[%add3A, %dma_start3A_386] : memref<50x256xf32, #tpu.memory_space<hbm>> -> memref<1x256xf32, #tpu.memory_space<hbm>>
      %dma_start3A_388 = tpu.memref_squeeze %dma_start3A_387 : memref<1x256xf32, #tpu.memory_space<hbm>> -> memref<256xf32, #tpu.memory_space<hbm>>
      %dma_start3A_389 = arith.constant 256 : i32
      %dma_start3A_390 = tpu.memref_slice %arg5[%run_scoped3A_18, %dma_start3A_389] : memref<32x512xf32, #tpu.memory_space<vmem>> -> memref<1x256xf32, #tpu.memory_space<vmem>>
      %dma_start3A_391 = tpu.memref_squeeze %dma_start3A_390 : memref<1x256xf32, #tpu.memory_space<vmem>> -> memref<256xf32, #tpu.memory_space<vmem>>
      %dma_start3A_392 = arith.constant 0 : i32
      %dma_start3A_393 = tpu.memref_slice %arg2[%add3A, %dma_start3A_392] : memref<50x256xf32, #tpu.memory_space<hbm>> -> memref<1x256xf32, #tpu.memory_space<hbm>>
      %dma_start3A_394 = tpu.memref_squeeze %dma_start3A_393 : memref<1x256xf32, #tpu.memory_space<hbm>> -> memref<256xf32, #tpu.memory_space<hbm>>
      tpu.enqueue_dma source(%dma_start3A_394 : memref<256xf32, #tpu.memory_space<hbm>>) target(%dma_start3A_391 : memref<256xf32, #tpu.memory_space<vmem>>) target_semaphore(%run_scoped3A_382 : memref<!tpu.dma_semaphore, #tpu.memory_space<semaphore_mem>>)
      %dma_wait3A_395 = arith.constant 256 : i32
      %dma_wait3A_396 = tpu.memref_slice %arg5[%run_scoped3A_18, %dma_wait3A_395] : memref<32x512xf32, #tpu.memory_space<vmem>> -> memref<1x256xf32, #tpu.memory_space<vmem>>
      %dma_wait3A_397 = tpu.memref_squeeze %dma_wait3A_396 : memref<1x256xf32, #tpu.memory_space<vmem>> -> memref<256xf32, #tpu.memory_space<vmem>>
      %dma_wait3A_398 = arith.constant 0 : i32
      %dma_wait3A_399 = tpu.memref_slice %arg2[%add3A, %dma_wait3A_398] : memref<50x256xf32, #tpu.memory_space<hbm>> -> memref<1x256xf32, #tpu.memory_space<hbm>>
      %dma_wait3A_400 = tpu.memref_squeeze %dma_wait3A_399 : memref<1x256xf32, #tpu.memory_space<hbm>> -> memref<256xf32, #tpu.memory_space<hbm>>
      %dma_wait3A_401 = arith.constant 256 : i32
      %dma_wait3A_402 = tpu.memref_slice %arg5[%run_scoped3A_18, %dma_wait3A_401] : memref<32x512xf32, #tpu.memory_space<vmem>> -> memref<1x256xf32, #tpu.memory_space<vmem>>
      %dma_wait3A_403 = tpu.memref_squeeze %dma_wait3A_402 : memref<1x256xf32, #tpu.memory_space<vmem>> -> memref<256xf32, #tpu.memory_space<vmem>>
      %dma_wait3A_404 = arith.constant 0 : i32
      %dma_wait3A_405 = tpu.memref_slice %arg2[%add3A, %dma_wait3A_404] : memref<50x256xf32, #tpu.memory_space<hbm>> -> memref<1x256xf32, #tpu.memory_space<hbm>>
      %dma_wait3A_406 = tpu.memref_squeeze %dma_wait3A_405 : memref<1x256xf32, #tpu.memory_space<hbm>> -> memref<256xf32, #tpu.memory_space<hbm>>
      tpu.wait_dma2 semaphore(%run_scoped3A_382 : memref<!tpu.dma_semaphore, #tpu.memory_space<semaphore_mem>>) src(%dma_wait3A_406 : memref<256xf32, #tpu.memory_space<hbm>>) dst(%dma_wait3A_403 : memref<256xf32, #tpu.memory_space<vmem>>)
      tpu.yield
    }) : () -> ()
    %run_scoped3A_19 = arith.constant 19 : i32
    "tpu.region"() ({
      %run_scoped3A_382 = tpu.sem_alloc : memref<!tpu.dma_semaphore, #tpu.memory_space<semaphore_mem>>
      %dma_start3A_383 = arith.constant 256 : i32
      %dma_start3A_384 = tpu.memref_slice %arg5[%run_scoped3A_19, %dma_start3A_383] : memref<32x512xf32, #tpu.memory_space<vmem>> -> memref<1x256xf32, #tpu.memory_space<vmem>>
      %dma_start3A_385 = tpu.memref_squeeze %dma_start3A_384 : memref<1x256xf32, #tpu.memory_space<vmem>> -> memref<256xf32, #tpu.memory_space<vmem>>
      %dma_start3A_386 = arith.constant 0 : i32
      %dma_start3A_387 = tpu.memref_slice %arg2[%add3A, %dma_start3A_386] : memref<50x256xf32, #tpu.memory_space<hbm>> -> memref<1x256xf32, #tpu.memory_space<hbm>>
      %dma_start3A_388 = tpu.memref_squeeze %dma_start3A_387 : memref<1x256xf32, #tpu.memory_space<hbm>> -> memref<256xf32, #tpu.memory_space<hbm>>
      %dma_start3A_389 = arith.constant 256 : i32
      %dma_start3A_390 = tpu.memref_slice %arg5[%run_scoped3A_19, %dma_start3A_389] : memref<32x512xf32, #tpu.memory_space<vmem>> -> memref<1x256xf32, #tpu.memory_space<vmem>>
      %dma_start3A_391 = tpu.memref_squeeze %dma_start3A_390 : memref<1x256xf32, #tpu.memory_space<vmem>> -> memref<256xf32, #tpu.memory_space<vmem>>
      %dma_start3A_392 = arith.constant 0 : i32
      %dma_start3A_393 = tpu.memref_slice %arg2[%add3A, %dma_start3A_392] : memref<50x256xf32, #tpu.memory_space<hbm>> -> memref<1x256xf32, #tpu.memory_space<hbm>>
      %dma_start3A_394 = tpu.memref_squeeze %dma_start3A_393 : memref<1x256xf32, #tpu.memory_space<hbm>> -> memref<256xf32, #tpu.memory_space<hbm>>
      tpu.enqueue_dma source(%dma_start3A_394 : memref<256xf32, #tpu.memory_space<hbm>>) target(%dma_start3A_391 : memref<256xf32, #tpu.memory_space<vmem>>) target_semaphore(%run_scoped3A_382 : memref<!tpu.dma_semaphore, #tpu.memory_space<semaphore_mem>>)
      %dma_wait3A_395 = arith.constant 256 : i32
      %dma_wait3A_396 = tpu.memref_slice %arg5[%run_scoped3A_19, %dma_wait3A_395] : memref<32x512xf32, #tpu.memory_space<vmem>> -> memref<1x256xf32, #tpu.memory_space<vmem>>
      %dma_wait3A_397 = tpu.memref_squeeze %dma_wait3A_396 : memref<1x256xf32, #tpu.memory_space<vmem>> -> memref<256xf32, #tpu.memory_space<vmem>>
      %dma_wait3A_398 = arith.constant 0 : i32
      %dma_wait3A_399 = tpu.memref_slice %arg2[%add3A, %dma_wait3A_398] : memref<50x256xf32, #tpu.memory_space<hbm>> -> memref<1x256xf32, #tpu.memory_space<hbm>>
      %dma_wait3A_400 = tpu.memref_squeeze %dma_wait3A_399 : memref<1x256xf32, #tpu.memory_space<hbm>> -> memref<256xf32, #tpu.memory_space<hbm>>
      %dma_wait3A_401 = arith.constant 256 : i32
      %dma_wait3A_402 = tpu.memref_slice %arg5[%run_scoped3A_19, %dma_wait3A_401] : memref<32x512xf32, #tpu.memory_space<vmem>> -> memref<1x256xf32, #tpu.memory_space<vmem>>
      %dma_wait3A_403 = tpu.memref_squeeze %dma_wait3A_402 : memref<1x256xf32, #tpu.memory_space<vmem>> -> memref<256xf32, #tpu.memory_space<vmem>>
      %dma_wait3A_404 = arith.constant 0 : i32
      %dma_wait3A_405 = tpu.memref_slice %arg2[%add3A, %dma_wait3A_404] : memref<50x256xf32, #tpu.memory_space<hbm>> -> memref<1x256xf32, #tpu.memory_space<hbm>>
      %dma_wait3A_406 = tpu.memref_squeeze %dma_wait3A_405 : memref<1x256xf32, #tpu.memory_space<hbm>> -> memref<256xf32, #tpu.memory_space<hbm>>
      tpu.wait_dma2 semaphore(%run_scoped3A_382 : memref<!tpu.dma_semaphore, #tpu.memory_space<semaphore_mem>>) src(%dma_wait3A_406 : memref<256xf32, #tpu.memory_space<hbm>>) dst(%dma_wait3A_403 : memref<256xf32, #tpu.memory_space<vmem>>)
      tpu.yield
    }) : () -> ()
    %run_scoped3A_20 = arith.constant 20 : i32
    "tpu.region"() ({
      %run_scoped3A_382 = tpu.sem_alloc : memref<!tpu.dma_semaphore, #tpu.memory_space<semaphore_mem>>
      %dma_start3A_383 = arith.constant 256 : i32
      %dma_start3A_384 = tpu.memref_slice %arg5[%run_scoped3A_20, %dma_start3A_383] : memref<32x512xf32, #tpu.memory_space<vmem>> -> memref<1x256xf32, #tpu.memory_space<vmem>>
      %dma_start3A_385 = tpu.memref_squeeze %dma_start3A_384 : memref<1x256xf32, #tpu.memory_space<vmem>> -> memref<256xf32, #tpu.memory_space<vmem>>
      %dma_start3A_386 = arith.constant 0 : i32
      %dma_start3A_387 = tpu.memref_slice %arg2[%add3A, %dma_start3A_386] : memref<50x256xf32, #tpu.memory_space<hbm>> -> memref<1x256xf32, #tpu.memory_space<hbm>>
      %dma_start3A_388 = tpu.memref_squeeze %dma_start3A_387 : memref<1x256xf32, #tpu.memory_space<hbm>> -> memref<256xf32, #tpu.memory_space<hbm>>
      %dma_start3A_389 = arith.constant 256 : i32
      %dma_start3A_390 = tpu.memref_slice %arg5[%run_scoped3A_20, %dma_start3A_389] : memref<32x512xf32, #tpu.memory_space<vmem>> -> memref<1x256xf32, #tpu.memory_space<vmem>>
      %dma_start3A_391 = tpu.memref_squeeze %dma_start3A_390 : memref<1x256xf32, #tpu.memory_space<vmem>> -> memref<256xf32, #tpu.memory_space<vmem>>
      %dma_start3A_392 = arith.constant 0 : i32
      %dma_start3A_393 = tpu.memref_slice %arg2[%add3A, %dma_start3A_392] : memref<50x256xf32, #tpu.memory_space<hbm>> -> memref<1x256xf32, #tpu.memory_space<hbm>>
      %dma_start3A_394 = tpu.memref_squeeze %dma_start3A_393 : memref<1x256xf32, #tpu.memory_space<hbm>> -> memref<256xf32, #tpu.memory_space<hbm>>
      tpu.enqueue_dma source(%dma_start3A_394 : memref<256xf32, #tpu.memory_space<hbm>>) target(%dma_start3A_391 : memref<256xf32, #tpu.memory_space<vmem>>) target_semaphore(%run_scoped3A_382 : memref<!tpu.dma_semaphore, #tpu.memory_space<semaphore_mem>>)
      %dma_wait3A_395 = arith.constant 256 : i32
      %dma_wait3A_396 = tpu.memref_slice %arg5[%run_scoped3A_20, %dma_wait3A_395] : memref<32x512xf32, #tpu.memory_space<vmem>> -> memref<1x256xf32, #tpu.memory_space<vmem>>
      %dma_wait3A_397 = tpu.memref_squeeze %dma_wait3A_396 : memref<1x256xf32, #tpu.memory_space<vmem>> -> memref<256xf32, #tpu.memory_space<vmem>>
      %dma_wait3A_398 = arith.constant 0 : i32
      %dma_wait3A_399 = tpu.memref_slice %arg2[%add3A, %dma_wait3A_398] : memref<50x256xf32, #tpu.memory_space<hbm>> -> memref<1x256xf32, #tpu.memory_space<hbm>>
      %dma_wait3A_400 = tpu.memref_squeeze %dma_wait3A_399 : memref<1x256xf32, #tpu.memory_space<hbm>> -> memref<256xf32, #tpu.memory_space<hbm>>
      %dma_wait3A_401 = arith.constant 256 : i32
      %dma_wait3A_402 = tpu.memref_slice %arg5[%run_scoped3A_20, %dma_wait3A_401] : memref<32x512xf32, #tpu.memory_space<vmem>> -> memref<1x256xf32, #tpu.memory_space<vmem>>
      %dma_wait3A_403 = tpu.memref_squeeze %dma_wait3A_402 : memref<1x256xf32, #tpu.memory_space<vmem>> -> memref<256xf32, #tpu.memory_space<vmem>>
      %dma_wait3A_404 = arith.constant 0 : i32
      %dma_wait3A_405 = tpu.memref_slice %arg2[%add3A, %dma_wait3A_404] : memref<50x256xf32, #tpu.memory_space<hbm>> -> memref<1x256xf32, #tpu.memory_space<hbm>>
      %dma_wait3A_406 = tpu.memref_squeeze %dma_wait3A_405 : memref<1x256xf32, #tpu.memory_space<hbm>> -> memref<256xf32, #tpu.memory_space<hbm>>
      tpu.wait_dma2 semaphore(%run_scoped3A_382 : memref<!tpu.dma_semaphore, #tpu.memory_space<semaphore_mem>>) src(%dma_wait3A_406 : memref<256xf32, #tpu.memory_space<hbm>>) dst(%dma_wait3A_403 : memref<256xf32, #tpu.memory_space<vmem>>)
      tpu.yield
    }) : () -> ()
    %run_scoped3A_21 = arith.constant 21 : i32
    "tpu.region"() ({
      %run_scoped3A_382 = tpu.sem_alloc : memref<!tpu.dma_semaphore, #tpu.memory_space<semaphore_mem>>
      %dma_start3A_383 = arith.constant 256 : i32
      %dma_start3A_384 = tpu.memref_slice %arg5[%run_scoped3A_21, %dma_start3A_383] : memref<32x512xf32, #tpu.memory_space<vmem>> -> memref<1x256xf32, #tpu.memory_space<vmem>>
      %dma_start3A_385 = tpu.memref_squeeze %dma_start3A_384 : memref<1x256xf32, #tpu.memory_space<vmem>> -> memref<256xf32, #tpu.memory_space<vmem>>
      %dma_start3A_386 = arith.constant 0 : i32
      %dma_start3A_387 = tpu.memref_slice %arg2[%add3A, %dma_start3A_386] : memref<50x256xf32, #tpu.memory_space<hbm>> -> memref<1x256xf32, #tpu.memory_space<hbm>>
      %dma_start3A_388 = tpu.memref_squeeze %dma_start3A_387 : memref<1x256xf32, #tpu.memory_space<hbm>> -> memref<256xf32, #tpu.memory_space<hbm>>
      %dma_start3A_389 = arith.constant 256 : i32
      %dma_start3A_390 = tpu.memref_slice %arg5[%run_scoped3A_21, %dma_start3A_389] : memref<32x512xf32, #tpu.memory_space<vmem>> -> memref<1x256xf32, #tpu.memory_space<vmem>>
      %dma_start3A_391 = tpu.memref_squeeze %dma_start3A_390 : memref<1x256xf32, #tpu.memory_space<vmem>> -> memref<256xf32, #tpu.memory_space<vmem>>
      %dma_start3A_392 = arith.constant 0 : i32
      %dma_start3A_393 = tpu.memref_slice %arg2[%add3A, %dma_start3A_392] : memref<50x256xf32, #tpu.memory_space<hbm>> -> memref<1x256xf32, #tpu.memory_space<hbm>>
      %dma_start3A_394 = tpu.memref_squeeze %dma_start3A_393 : memref<1x256xf32, #tpu.memory_space<hbm>> -> memref<256xf32, #tpu.memory_space<hbm>>
      tpu.enqueue_dma source(%dma_start3A_394 : memref<256xf32, #tpu.memory_space<hbm>>) target(%dma_start3A_391 : memref<256xf32, #tpu.memory_space<vmem>>) target_semaphore(%run_scoped3A_382 : memref<!tpu.dma_semaphore, #tpu.memory_space<semaphore_mem>>)
      %dma_wait3A_395 = arith.constant 256 : i32
      %dma_wait3A_396 = tpu.memref_slice %arg5[%run_scoped3A_21, %dma_wait3A_395] : memref<32x512xf32, #tpu.memory_space<vmem>> -> memref<1x256xf32, #tpu.memory_space<vmem>>
      %dma_wait3A_397 = tpu.memref_squeeze %dma_wait3A_396 : memref<1x256xf32, #tpu.memory_space<vmem>> -> memref<256xf32, #tpu.memory_space<vmem>>
      %dma_wait3A_398 = arith.constant 0 : i32
      %dma_wait3A_399 = tpu.memref_slice %arg2[%add3A, %dma_wait3A_398] : memref<50x256xf32, #tpu.memory_space<hbm>> -> memref<1x256xf32, #tpu.memory_space<hbm>>
      %dma_wait3A_400 = tpu.memref_squeeze %dma_wait3A_399 : memref<1x256xf32, #tpu.memory_space<hbm>> -> memref<256xf32, #tpu.memory_space<hbm>>
      %dma_wait3A_401 = arith.constant 256 : i32
      %dma_wait3A_402 = tpu.memref_slice %arg5[%run_scoped3A_21, %dma_wait3A_401] : memref<32x512xf32, #tpu.memory_space<vmem>> -> memref<1x256xf32, #tpu.memory_space<vmem>>
      %dma_wait3A_403 = tpu.memref_squeeze %dma_wait3A_402 : memref<1x256xf32, #tpu.memory_space<vmem>> -> memref<256xf32, #tpu.memory_space<vmem>>
      %dma_wait3A_404 = arith.constant 0 : i32
      %dma_wait3A_405 = tpu.memref_slice %arg2[%add3A, %dma_wait3A_404] : memref<50x256xf32, #tpu.memory_space<hbm>> -> memref<1x256xf32, #tpu.memory_space<hbm>>
      %dma_wait3A_406 = tpu.memref_squeeze %dma_wait3A_405 : memref<1x256xf32, #tpu.memory_space<hbm>> -> memref<256xf32, #tpu.memory_space<hbm>>
      tpu.wait_dma2 semaphore(%run_scoped3A_382 : memref<!tpu.dma_semaphore, #tpu.memory_space<semaphore_mem>>) src(%dma_wait3A_406 : memref<256xf32, #tpu.memory_space<hbm>>) dst(%dma_wait3A_403 : memref<256xf32, #tpu.memory_space<vmem>>)
      tpu.yield
    }) : () -> ()
    %run_scoped3A_22 = arith.constant 22 : i32
    "tpu.region"() ({
      %run_scoped3A_382 = tpu.sem_alloc : memref<!tpu.dma_semaphore, #tpu.memory_space<semaphore_mem>>
      %dma_start3A_383 = arith.constant 256 : i32
      %dma_start3A_384 = tpu.memref_slice %arg5[%run_scoped3A_22, %dma_start3A_383] : memref<32x512xf32, #tpu.memory_space<vmem>> -> memref<1x256xf32, #tpu.memory_space<vmem>>
      %dma_start3A_385 = tpu.memref_squeeze %dma_start3A_384 : memref<1x256xf32, #tpu.memory_space<vmem>> -> memref<256xf32, #tpu.memory_space<vmem>>
      %dma_start3A_386 = arith.constant 0 : i32
      %dma_start3A_387 = tpu.memref_slice %arg2[%add3A, %dma_start3A_386] : memref<50x256xf32, #tpu.memory_space<hbm>> -> memref<1x256xf32, #tpu.memory_space<hbm>>
      %dma_start3A_388 = tpu.memref_squeeze %dma_start3A_387 : memref<1x256xf32, #tpu.memory_space<hbm>> -> memref<256xf32, #tpu.memory_space<hbm>>
      %dma_start3A_389 = arith.constant 256 : i32
      %dma_start3A_390 = tpu.memref_slice %arg5[%run_scoped3A_22, %dma_start3A_389] : memref<32x512xf32, #tpu.memory_space<vmem>> -> memref<1x256xf32, #tpu.memory_space<vmem>>
      %dma_start3A_391 = tpu.memref_squeeze %dma_start3A_390 : memref<1x256xf32, #tpu.memory_space<vmem>> -> memref<256xf32, #tpu.memory_space<vmem>>
      %dma_start3A_392 = arith.constant 0 : i32
      %dma_start3A_393 = tpu.memref_slice %arg2[%add3A, %dma_start3A_392] : memref<50x256xf32, #tpu.memory_space<hbm>> -> memref<1x256xf32, #tpu.memory_space<hbm>>
      %dma_start3A_394 = tpu.memref_squeeze %dma_start3A_393 : memref<1x256xf32, #tpu.memory_space<hbm>> -> memref<256xf32, #tpu.memory_space<hbm>>
      tpu.enqueue_dma source(%dma_start3A_394 : memref<256xf32, #tpu.memory_space<hbm>>) target(%dma_start3A_391 : memref<256xf32, #tpu.memory_space<vmem>>) target_semaphore(%run_scoped3A_382 : memref<!tpu.dma_semaphore, #tpu.memory_space<semaphore_mem>>)
      %dma_wait3A_395 = arith.constant 256 : i32
      %dma_wait3A_396 = tpu.memref_slice %arg5[%run_scoped3A_22, %dma_wait3A_395] : memref<32x512xf32, #tpu.memory_space<vmem>> -> memref<1x256xf32, #tpu.memory_space<vmem>>
      %dma_wait3A_397 = tpu.memref_squeeze %dma_wait3A_396 : memref<1x256xf32, #tpu.memory_space<vmem>> -> memref<256xf32, #tpu.memory_space<vmem>>
      %dma_wait3A_398 = arith.constant 0 : i32
      %dma_wait3A_399 = tpu.memref_slice %arg2[%add3A, %dma_wait3A_398] : memref<50x256xf32, #tpu.memory_space<hbm>> -> memref<1x256xf32, #tpu.memory_space<hbm>>
      %dma_wait3A_400 = tpu.memref_squeeze %dma_wait3A_399 : memref<1x256xf32, #tpu.memory_space<hbm>> -> memref<256xf32, #tpu.memory_space<hbm>>
      %dma_wait3A_401 = arith.constant 256 : i32
      %dma_wait3A_402 = tpu.memref_slice %arg5[%run_scoped3A_22, %dma_wait3A_401] : memref<32x512xf32, #tpu.memory_space<vmem>> -> memref<1x256xf32, #tpu.memory_space<vmem>>
      %dma_wait3A_403 = tpu.memref_squeeze %dma_wait3A_402 : memref<1x256xf32, #tpu.memory_space<vmem>> -> memref<256xf32, #tpu.memory_space<vmem>>
      %dma_wait3A_404 = arith.constant 0 : i32
      %dma_wait3A_405 = tpu.memref_slice %arg2[%add3A, %dma_wait3A_404] : memref<50x256xf32, #tpu.memory_space<hbm>> -> memref<1x256xf32, #tpu.memory_space<hbm>>
      %dma_wait3A_406 = tpu.memref_squeeze %dma_wait3A_405 : memref<1x256xf32, #tpu.memory_space<hbm>> -> memref<256xf32, #tpu.memory_space<hbm>>
      tpu.wait_dma2 semaphore(%run_scoped3A_382 : memref<!tpu.dma_semaphore, #tpu.memory_space<semaphore_mem>>) src(%dma_wait3A_406 : memref<256xf32, #tpu.memory_space<hbm>>) dst(%dma_wait3A_403 : memref<256xf32, #tpu.memory_space<vmem>>)
      tpu.yield
    }) : () -> ()
    %run_scoped3A_23 = arith.constant 23 : i32
    "tpu.region"() ({
      %run_scoped3A_382 = tpu.sem_alloc : memref<!tpu.dma_semaphore, #tpu.memory_space<semaphore_mem>>
      %dma_start3A_383 = arith.constant 256 : i32
      %dma_start3A_384 = tpu.memref_slice %arg5[%run_scoped3A_23, %dma_start3A_383] : memref<32x512xf32, #tpu.memory_space<vmem>> -> memref<1x256xf32, #tpu.memory_space<vmem>>
      %dma_start3A_385 = tpu.memref_squeeze %dma_start3A_384 : memref<1x256xf32, #tpu.memory_space<vmem>> -> memref<256xf32, #tpu.memory_space<vmem>>
      %dma_start3A_386 = arith.constant 0 : i32
      %dma_start3A_387 = tpu.memref_slice %arg2[%add3A, %dma_start3A_386] : memref<50x256xf32, #tpu.memory_space<hbm>> -> memref<1x256xf32, #tpu.memory_space<hbm>>
      %dma_start3A_388 = tpu.memref_squeeze %dma_start3A_387 : memref<1x256xf32, #tpu.memory_space<hbm>> -> memref<256xf32, #tpu.memory_space<hbm>>
      %dma_start3A_389 = arith.constant 256 : i32
      %dma_start3A_390 = tpu.memref_slice %arg5[%run_scoped3A_23, %dma_start3A_389] : memref<32x512xf32, #tpu.memory_space<vmem>> -> memref<1x256xf32, #tpu.memory_space<vmem>>
      %dma_start3A_391 = tpu.memref_squeeze %dma_start3A_390 : memref<1x256xf32, #tpu.memory_space<vmem>> -> memref<256xf32, #tpu.memory_space<vmem>>
      %dma_start3A_392 = arith.constant 0 : i32
      %dma_start3A_393 = tpu.memref_slice %arg2[%add3A, %dma_start3A_392] : memref<50x256xf32, #tpu.memory_space<hbm>> -> memref<1x256xf32, #tpu.memory_space<hbm>>
      %dma_start3A_394 = tpu.memref_squeeze %dma_start3A_393 : memref<1x256xf32, #tpu.memory_space<hbm>> -> memref<256xf32, #tpu.memory_space<hbm>>
      tpu.enqueue_dma source(%dma_start3A_394 : memref<256xf32, #tpu.memory_space<hbm>>) target(%dma_start3A_391 : memref<256xf32, #tpu.memory_space<vmem>>) target_semaphore(%run_scoped3A_382 : memref<!tpu.dma_semaphore, #tpu.memory_space<semaphore_mem>>)
      %dma_wait3A_395 = arith.constant 256 : i32
      %dma_wait3A_396 = tpu.memref_slice %arg5[%run_scoped3A_23, %dma_wait3A_395] : memref<32x512xf32, #tpu.memory_space<vmem>> -> memref<1x256xf32, #tpu.memory_space<vmem>>
      %dma_wait3A_397 = tpu.memref_squeeze %dma_wait3A_396 : memref<1x256xf32, #tpu.memory_space<vmem>> -> memref<256xf32, #tpu.memory_space<vmem>>
      %dma_wait3A_398 = arith.constant 0 : i32
      %dma_wait3A_399 = tpu.memref_slice %arg2[%add3A, %dma_wait3A_398] : memref<50x256xf32, #tpu.memory_space<hbm>> -> memref<1x256xf32, #tpu.memory_space<hbm>>
      %dma_wait3A_400 = tpu.memref_squeeze %dma_wait3A_399 : memref<1x256xf32, #tpu.memory_space<hbm>> -> memref<256xf32, #tpu.memory_space<hbm>>
      %dma_wait3A_401 = arith.constant 256 : i32
      %dma_wait3A_402 = tpu.memref_slice %arg5[%run_scoped3A_23, %dma_wait3A_401] : memref<32x512xf32, #tpu.memory_space<vmem>> -> memref<1x256xf32, #tpu.memory_space<vmem>>
      %dma_wait3A_403 = tpu.memref_squeeze %dma_wait3A_402 : memref<1x256xf32, #tpu.memory_space<vmem>> -> memref<256xf32, #tpu.memory_space<vmem>>
      %dma_wait3A_404 = arith.constant 0 : i32
      %dma_wait3A_405 = tpu.memref_slice %arg2[%add3A, %dma_wait3A_404] : memref<50x256xf32, #tpu.memory_space<hbm>> -> memref<1x256xf32, #tpu.memory_space<hbm>>
      %dma_wait3A_406 = tpu.memref_squeeze %dma_wait3A_405 : memref<1x256xf32, #tpu.memory_space<hbm>> -> memref<256xf32, #tpu.memory_space<hbm>>
      tpu.wait_dma2 semaphore(%run_scoped3A_382 : memref<!tpu.dma_semaphore, #tpu.memory_space<semaphore_mem>>) src(%dma_wait3A_406 : memref<256xf32, #tpu.memory_space<hbm>>) dst(%dma_wait3A_403 : memref<256xf32, #tpu.memory_space<vmem>>)
      tpu.yield
    }) : () -> ()
    %run_scoped3A_24 = arith.constant 24 : i32
    "tpu.region"() ({
      %run_scoped3A_382 = tpu.sem_alloc : memref<!tpu.dma_semaphore, #tpu.memory_space<semaphore_mem>>
      %dma_start3A_383 = arith.constant 256 : i32
      %dma_start3A_384 = tpu.memref_slice %arg5[%run_scoped3A_24, %dma_start3A_383] : memref<32x512xf32, #tpu.memory_space<vmem>> -> memref<1x256xf32, #tpu.memory_space<vmem>>
      %dma_start3A_385 = tpu.memref_squeeze %dma_start3A_384 : memref<1x256xf32, #tpu.memory_space<vmem>> -> memref<256xf32, #tpu.memory_space<vmem>>
      %dma_start3A_386 = arith.constant 0 : i32
      %dma_start3A_387 = tpu.memref_slice %arg2[%add3A, %dma_start3A_386] : memref<50x256xf32, #tpu.memory_space<hbm>> -> memref<1x256xf32, #tpu.memory_space<hbm>>
      %dma_start3A_388 = tpu.memref_squeeze %dma_start3A_387 : memref<1x256xf32, #tpu.memory_space<hbm>> -> memref<256xf32, #tpu.memory_space<hbm>>
      %dma_start3A_389 = arith.constant 256 : i32
      %dma_start3A_390 = tpu.memref_slice %arg5[%run_scoped3A_24, %dma_start3A_389] : memref<32x512xf32, #tpu.memory_space<vmem>> -> memref<1x256xf32, #tpu.memory_space<vmem>>
      %dma_start3A_391 = tpu.memref_squeeze %dma_start3A_390 : memref<1x256xf32, #tpu.memory_space<vmem>> -> memref<256xf32, #tpu.memory_space<vmem>>
      %dma_start3A_392 = arith.constant 0 : i32
      %dma_start3A_393 = tpu.memref_slice %arg2[%add3A, %dma_start3A_392] : memref<50x256xf32, #tpu.memory_space<hbm>> -> memref<1x256xf32, #tpu.memory_space<hbm>>
      %dma_start3A_394 = tpu.memref_squeeze %dma_start3A_393 : memref<1x256xf32, #tpu.memory_space<hbm>> -> memref<256xf32, #tpu.memory_space<hbm>>
      tpu.enqueue_dma source(%dma_start3A_394 : memref<256xf32, #tpu.memory_space<hbm>>) target(%dma_start3A_391 : memref<256xf32, #tpu.memory_space<vmem>>) target_semaphore(%run_scoped3A_382 : memref<!tpu.dma_semaphore, #tpu.memory_space<semaphore_mem>>)
      %dma_wait3A_395 = arith.constant 256 : i32
      %dma_wait3A_396 = tpu.memref_slice %arg5[%run_scoped3A_24, %dma_wait3A_395] : memref<32x512xf32, #tpu.memory_space<vmem>> -> memref<1x256xf32, #tpu.memory_space<vmem>>
      %dma_wait3A_397 = tpu.memref_squeeze %dma_wait3A_396 : memref<1x256xf32, #tpu.memory_space<vmem>> -> memref<256xf32, #tpu.memory_space<vmem>>
      %dma_wait3A_398 = arith.constant 0 : i32
      %dma_wait3A_399 = tpu.memref_slice %arg2[%add3A, %dma_wait3A_398] : memref<50x256xf32, #tpu.memory_space<hbm>> -> memref<1x256xf32, #tpu.memory_space<hbm>>
      %dma_wait3A_400 = tpu.memref_squeeze %dma_wait3A_399 : memref<1x256xf32, #tpu.memory_space<hbm>> -> memref<256xf32, #tpu.memory_space<hbm>>
      %dma_wait3A_401 = arith.constant 256 : i32
      %dma_wait3A_402 = tpu.memref_slice %arg5[%run_scoped3A_24, %dma_wait3A_401] : memref<32x512xf32, #tpu.memory_space<vmem>> -> memref<1x256xf32, #tpu.memory_space<vmem>>
      %dma_wait3A_403 = tpu.memref_squeeze %dma_wait3A_402 : memref<1x256xf32, #tpu.memory_space<vmem>> -> memref<256xf32, #tpu.memory_space<vmem>>
      %dma_wait3A_404 = arith.constant 0 : i32
      %dma_wait3A_405 = tpu.memref_slice %arg2[%add3A, %dma_wait3A_404] : memref<50x256xf32, #tpu.memory_space<hbm>> -> memref<1x256xf32, #tpu.memory_space<hbm>>
      %dma_wait3A_406 = tpu.memref_squeeze %dma_wait3A_405 : memref<1x256xf32, #tpu.memory_space<hbm>> -> memref<256xf32, #tpu.memory_space<hbm>>
      tpu.wait_dma2 semaphore(%run_scoped3A_382 : memref<!tpu.dma_semaphore, #tpu.memory_space<semaphore_mem>>) src(%dma_wait3A_406 : memref<256xf32, #tpu.memory_space<hbm>>) dst(%dma_wait3A_403 : memref<256xf32, #tpu.memory_space<vmem>>)
      tpu.yield
    }) : () -> ()
    %run_scoped3A_25 = arith.constant 25 : i32
    "tpu.region"() ({
      %run_scoped3A_382 = tpu.sem_alloc : memref<!tpu.dma_semaphore, #tpu.memory_space<semaphore_mem>>
      %dma_start3A_383 = arith.constant 256 : i32
      %dma_start3A_384 = tpu.memref_slice %arg5[%run_scoped3A_25, %dma_start3A_383] : memref<32x512xf32, #tpu.memory_space<vmem>> -> memref<1x256xf32, #tpu.memory_space<vmem>>
      %dma_start3A_385 = tpu.memref_squeeze %dma_start3A_384 : memref<1x256xf32, #tpu.memory_space<vmem>> -> memref<256xf32, #tpu.memory_space<vmem>>
      %dma_start3A_386 = arith.constant 0 : i32
      %dma_start3A_387 = tpu.memref_slice %arg2[%add3A, %dma_start3A_386] : memref<50x256xf32, #tpu.memory_space<hbm>> -> memref<1x256xf32, #tpu.memory_space<hbm>>
      %dma_start3A_388 = tpu.memref_squeeze %dma_start3A_387 : memref<1x256xf32, #tpu.memory_space<hbm>> -> memref<256xf32, #tpu.memory_space<hbm>>
      %dma_start3A_389 = arith.constant 256 : i32
      %dma_start3A_390 = tpu.memref_slice %arg5[%run_scoped3A_25, %dma_start3A_389] : memref<32x512xf32, #tpu.memory_space<vmem>> -> memref<1x256xf32, #tpu.memory_space<vmem>>
      %dma_start3A_391 = tpu.memref_squeeze %dma_start3A_390 : memref<1x256xf32, #tpu.memory_space<vmem>> -> memref<256xf32, #tpu.memory_space<vmem>>
      %dma_start3A_392 = arith.constant 0 : i32
      %dma_start3A_393 = tpu.memref_slice %arg2[%add3A, %dma_start3A_392] : memref<50x256xf32, #tpu.memory_space<hbm>> -> memref<1x256xf32, #tpu.memory_space<hbm>>
      %dma_start3A_394 = tpu.memref_squeeze %dma_start3A_393 : memref<1x256xf32, #tpu.memory_space<hbm>> -> memref<256xf32, #tpu.memory_space<hbm>>
      tpu.enqueue_dma source(%dma_start3A_394 : memref<256xf32, #tpu.memory_space<hbm>>) target(%dma_start3A_391 : memref<256xf32, #tpu.memory_space<vmem>>) target_semaphore(%run_scoped3A_382 : memref<!tpu.dma_semaphore, #tpu.memory_space<semaphore_mem>>)
      %dma_wait3A_395 = arith.constant 256 : i32
      %dma_wait3A_396 = tpu.memref_slice %arg5[%run_scoped3A_25, %dma_wait3A_395] : memref<32x512xf32, #tpu.memory_space<vmem>> -> memref<1x256xf32, #tpu.memory_space<vmem>>
      %dma_wait3A_397 = tpu.memref_squeeze %dma_wait3A_396 : memref<1x256xf32, #tpu.memory_space<vmem>> -> memref<256xf32, #tpu.memory_space<vmem>>
      %dma_wait3A_398 = arith.constant 0 : i32
      %dma_wait3A_399 = tpu.memref_slice %arg2[%add3A, %dma_wait3A_398] : memref<50x256xf32, #tpu.memory_space<hbm>> -> memref<1x256xf32, #tpu.memory_space<hbm>>
      %dma_wait3A_400 = tpu.memref_squeeze %dma_wait3A_399 : memref<1x256xf32, #tpu.memory_space<hbm>> -> memref<256xf32, #tpu.memory_space<hbm>>
      %dma_wait3A_401 = arith.constant 256 : i32
      %dma_wait3A_402 = tpu.memref_slice %arg5[%run_scoped3A_25, %dma_wait3A_401] : memref<32x512xf32, #tpu.memory_space<vmem>> -> memref<1x256xf32, #tpu.memory_space<vmem>>
      %dma_wait3A_403 = tpu.memref_squeeze %dma_wait3A_402 : memref<1x256xf32, #tpu.memory_space<vmem>> -> memref<256xf32, #tpu.memory_space<vmem>>
      %dma_wait3A_404 = arith.constant 0 : i32
      %dma_wait3A_405 = tpu.memref_slice %arg2[%add3A, %dma_wait3A_404] : memref<50x256xf32, #tpu.memory_space<hbm>> -> memref<1x256xf32, #tpu.memory_space<hbm>>
      %dma_wait3A_406 = tpu.memref_squeeze %dma_wait3A_405 : memref<1x256xf32, #tpu.memory_space<hbm>> -> memref<256xf32, #tpu.memory_space<hbm>>
      tpu.wait_dma2 semaphore(%run_scoped3A_382 : memref<!tpu.dma_semaphore, #tpu.memory_space<semaphore_mem>>) src(%dma_wait3A_406 : memref<256xf32, #tpu.memory_space<hbm>>) dst(%dma_wait3A_403 : memref<256xf32, #tpu.memory_space<vmem>>)
      tpu.yield
    }) : () -> ()
    %run_scoped3A_26 = arith.constant 26 : i32
    "tpu.region"() ({
      %run_scoped3A_382 = tpu.sem_alloc : memref<!tpu.dma_semaphore, #tpu.memory_space<semaphore_mem>>
      %dma_start3A_383 = arith.constant 256 : i32
      %dma_start3A_384 = tpu.memref_slice %arg5[%run_scoped3A_26, %dma_start3A_383] : memref<32x512xf32, #tpu.memory_space<vmem>> -> memref<1x256xf32, #tpu.memory_space<vmem>>
      %dma_start3A_385 = tpu.memref_squeeze %dma_start3A_384 : memref<1x256xf32, #tpu.memory_space<vmem>> -> memref<256xf32, #tpu.memory_space<vmem>>
      %dma_start3A_386 = arith.constant 0 : i32
      %dma_start3A_387 = tpu.memref_slice %arg2[%add3A, %dma_start3A_386] : memref<50x256xf32, #tpu.memory_space<hbm>> -> memref<1x256xf32, #tpu.memory_space<hbm>>
      %dma_start3A_388 = tpu.memref_squeeze %dma_start3A_387 : memref<1x256xf32, #tpu.memory_space<hbm>> -> memref<256xf32, #tpu.memory_space<hbm>>
      %dma_start3A_389 = arith.constant 256 : i32
      %dma_start3A_390 = tpu.memref_slice %arg5[%run_scoped3A_26, %dma_start3A_389] : memref<32x512xf32, #tpu.memory_space<vmem>> -> memref<1x256xf32, #tpu.memory_space<vmem>>
      %dma_start3A_391 = tpu.memref_squeeze %dma_start3A_390 : memref<1x256xf32, #tpu.memory_space<vmem>> -> memref<256xf32, #tpu.memory_space<vmem>>
      %dma_start3A_392 = arith.constant 0 : i32
      %dma_start3A_393 = tpu.memref_slice %arg2[%add3A, %dma_start3A_392] : memref<50x256xf32, #tpu.memory_space<hbm>> -> memref<1x256xf32, #tpu.memory_space<hbm>>
      %dma_start3A_394 = tpu.memref_squeeze %dma_start3A_393 : memref<1x256xf32, #tpu.memory_space<hbm>> -> memref<256xf32, #tpu.memory_space<hbm>>
      tpu.enqueue_dma source(%dma_start3A_394 : memref<256xf32, #tpu.memory_space<hbm>>) target(%dma_start3A_391 : memref<256xf32, #tpu.memory_space<vmem>>) target_semaphore(%run_scoped3A_382 : memref<!tpu.dma_semaphore, #tpu.memory_space<semaphore_mem>>)
      %dma_wait3A_395 = arith.constant 256 : i32
      %dma_wait3A_396 = tpu.memref_slice %arg5[%run_scoped3A_26, %dma_wait3A_395] : memref<32x512xf32, #tpu.memory_space<vmem>> -> memref<1x256xf32, #tpu.memory_space<vmem>>
      %dma_wait3A_397 = tpu.memref_squeeze %dma_wait3A_396 : memref<1x256xf32, #tpu.memory_space<vmem>> -> memref<256xf32, #tpu.memory_space<vmem>>
      %dma_wait3A_398 = arith.constant 0 : i32
      %dma_wait3A_399 = tpu.memref_slice %arg2[%add3A, %dma_wait3A_398] : memref<50x256xf32, #tpu.memory_space<hbm>> -> memref<1x256xf32, #tpu.memory_space<hbm>>
      %dma_wait3A_400 = tpu.memref_squeeze %dma_wait3A_399 : memref<1x256xf32, #tpu.memory_space<hbm>> -> memref<256xf32, #tpu.memory_space<hbm>>
      %dma_wait3A_401 = arith.constant 256 : i32
      %dma_wait3A_402 = tpu.memref_slice %arg5[%run_scoped3A_26, %dma_wait3A_401] : memref<32x512xf32, #tpu.memory_space<vmem>> -> memref<1x256xf32, #tpu.memory_space<vmem>>
      %dma_wait3A_403 = tpu.memref_squeeze %dma_wait3A_402 : memref<1x256xf32, #tpu.memory_space<vmem>> -> memref<256xf32, #tpu.memory_space<vmem>>
      %dma_wait3A_404 = arith.constant 0 : i32
      %dma_wait3A_405 = tpu.memref_slice %arg2[%add3A, %dma_wait3A_404] : memref<50x256xf32, #tpu.memory_space<hbm>> -> memref<1x256xf32, #tpu.memory_space<hbm>>
      %dma_wait3A_406 = tpu.memref_squeeze %dma_wait3A_405 : memref<1x256xf32, #tpu.memory_space<hbm>> -> memref<256xf32, #tpu.memory_space<hbm>>
      tpu.wait_dma2 semaphore(%run_scoped3A_382 : memref<!tpu.dma_semaphore, #tpu.memory_space<semaphore_mem>>) src(%dma_wait3A_406 : memref<256xf32, #tpu.memory_space<hbm>>) dst(%dma_wait3A_403 : memref<256xf32, #tpu.memory_space<vmem>>)
      tpu.yield
    }) : () -> ()
    %run_scoped3A_27 = arith.constant 27 : i32
    "tpu.region"() ({
      %run_scoped3A_382 = tpu.sem_alloc : memref<!tpu.dma_semaphore, #tpu.memory_space<semaphore_mem>>
      %dma_start3A_383 = arith.constant 256 : i32
      %dma_start3A_384 = tpu.memref_slice %arg5[%run_scoped3A_27, %dma_start3A_383] : memref<32x512xf32, #tpu.memory_space<vmem>> -> memref<1x256xf32, #tpu.memory_space<vmem>>
      %dma_start3A_385 = tpu.memref_squeeze %dma_start3A_384 : memref<1x256xf32, #tpu.memory_space<vmem>> -> memref<256xf32, #tpu.memory_space<vmem>>
      %dma_start3A_386 = arith.constant 0 : i32
      %dma_start3A_387 = tpu.memref_slice %arg2[%add3A, %dma_start3A_386] : memref<50x256xf32, #tpu.memory_space<hbm>> -> memref<1x256xf32, #tpu.memory_space<hbm>>
      %dma_start3A_388 = tpu.memref_squeeze %dma_start3A_387 : memref<1x256xf32, #tpu.memory_space<hbm>> -> memref<256xf32, #tpu.memory_space<hbm>>
      %dma_start3A_389 = arith.constant 256 : i32
      %dma_start3A_390 = tpu.memref_slice %arg5[%run_scoped3A_27, %dma_start3A_389] : memref<32x512xf32, #tpu.memory_space<vmem>> -> memref<1x256xf32, #tpu.memory_space<vmem>>
      %dma_start3A_391 = tpu.memref_squeeze %dma_start3A_390 : memref<1x256xf32, #tpu.memory_space<vmem>> -> memref<256xf32, #tpu.memory_space<vmem>>
      %dma_start3A_392 = arith.constant 0 : i32
      %dma_start3A_393 = tpu.memref_slice %arg2[%add3A, %dma_start3A_392] : memref<50x256xf32, #tpu.memory_space<hbm>> -> memref<1x256xf32, #tpu.memory_space<hbm>>
      %dma_start3A_394 = tpu.memref_squeeze %dma_start3A_393 : memref<1x256xf32, #tpu.memory_space<hbm>> -> memref<256xf32, #tpu.memory_space<hbm>>
      tpu.enqueue_dma source(%dma_start3A_394 : memref<256xf32, #tpu.memory_space<hbm>>) target(%dma_start3A_391 : memref<256xf32, #tpu.memory_space<vmem>>) target_semaphore(%run_scoped3A_382 : memref<!tpu.dma_semaphore, #tpu.memory_space<semaphore_mem>>)
      %dma_wait3A_395 = arith.constant 256 : i32
      %dma_wait3A_396 = tpu.memref_slice %arg5[%run_scoped3A_27, %dma_wait3A_395] : memref<32x512xf32, #tpu.memory_space<vmem>> -> memref<1x256xf32, #tpu.memory_space<vmem>>
      %dma_wait3A_397 = tpu.memref_squeeze %dma_wait3A_396 : memref<1x256xf32, #tpu.memory_space<vmem>> -> memref<256xf32, #tpu.memory_space<vmem>>
      %dma_wait3A_398 = arith.constant 0 : i32
      %dma_wait3A_399 = tpu.memref_slice %arg2[%add3A, %dma_wait3A_398] : memref<50x256xf32, #tpu.memory_space<hbm>> -> memref<1x256xf32, #tpu.memory_space<hbm>>
      %dma_wait3A_400 = tpu.memref_squeeze %dma_wait3A_399 : memref<1x256xf32, #tpu.memory_space<hbm>> -> memref<256xf32, #tpu.memory_space<hbm>>
      %dma_wait3A_401 = arith.constant 256 : i32
      %dma_wait3A_402 = tpu.memref_slice %arg5[%run_scoped3A_27, %dma_wait3A_401] : memref<32x512xf32, #tpu.memory_space<vmem>> -> memref<1x256xf32, #tpu.memory_space<vmem>>
      %dma_wait3A_403 = tpu.memref_squeeze %dma_wait3A_402 : memref<1x256xf32, #tpu.memory_space<vmem>> -> memref<256xf32, #tpu.memory_space<vmem>>
      %dma_wait3A_404 = arith.constant 0 : i32
      %dma_wait3A_405 = tpu.memref_slice %arg2[%add3A, %dma_wait3A_404] : memref<50x256xf32, #tpu.memory_space<hbm>> -> memref<1x256xf32, #tpu.memory_space<hbm>>
      %dma_wait3A_406 = tpu.memref_squeeze %dma_wait3A_405 : memref<1x256xf32, #tpu.memory_space<hbm>> -> memref<256xf32, #tpu.memory_space<hbm>>
      tpu.wait_dma2 semaphore(%run_scoped3A_382 : memref<!tpu.dma_semaphore, #tpu.memory_space<semaphore_mem>>) src(%dma_wait3A_406 : memref<256xf32, #tpu.memory_space<hbm>>) dst(%dma_wait3A_403 : memref<256xf32, #tpu.memory_space<vmem>>)
      tpu.yield
    }) : () -> ()
    %run_scoped3A_28 = arith.constant 28 : i32
    "tpu.region"() ({
      %run_scoped3A_382 = tpu.sem_alloc : memref<!tpu.dma_semaphore, #tpu.memory_space<semaphore_mem>>
      %dma_start3A_383 = arith.constant 256 : i32
      %dma_start3A_384 = tpu.memref_slice %arg5[%run_scoped3A_28, %dma_start3A_383] : memref<32x512xf32, #tpu.memory_space<vmem>> -> memref<1x256xf32, #tpu.memory_space<vmem>>
      %dma_start3A_385 = tpu.memref_squeeze %dma_start3A_384 : memref<1x256xf32, #tpu.memory_space<vmem>> -> memref<256xf32, #tpu.memory_space<vmem>>
      %dma_start3A_386 = arith.constant 0 : i32
      %dma_start3A_387 = tpu.memref_slice %arg2[%add3A, %dma_start3A_386] : memref<50x256xf32, #tpu.memory_space<hbm>> -> memref<1x256xf32, #tpu.memory_space<hbm>>
      %dma_start3A_388 = tpu.memref_squeeze %dma_start3A_387 : memref<1x256xf32, #tpu.memory_space<hbm>> -> memref<256xf32, #tpu.memory_space<hbm>>
      %dma_start3A_389 = arith.constant 256 : i32
      %dma_start3A_390 = tpu.memref_slice %arg5[%run_scoped3A_28, %dma_start3A_389] : memref<32x512xf32, #tpu.memory_space<vmem>> -> memref<1x256xf32, #tpu.memory_space<vmem>>
      %dma_start3A_391 = tpu.memref_squeeze %dma_start3A_390 : memref<1x256xf32, #tpu.memory_space<vmem>> -> memref<256xf32, #tpu.memory_space<vmem>>
      %dma_start3A_392 = arith.constant 0 : i32
      %dma_start3A_393 = tpu.memref_slice %arg2[%add3A, %dma_start3A_392] : memref<50x256xf32, #tpu.memory_space<hbm>> -> memref<1x256xf32, #tpu.memory_space<hbm>>
      %dma_start3A_394 = tpu.memref_squeeze %dma_start3A_393 : memref<1x256xf32, #tpu.memory_space<hbm>> -> memref<256xf32, #tpu.memory_space<hbm>>
      tpu.enqueue_dma source(%dma_start3A_394 : memref<256xf32, #tpu.memory_space<hbm>>) target(%dma_start3A_391 : memref<256xf32, #tpu.memory_space<vmem>>) target_semaphore(%run_scoped3A_382 : memref<!tpu.dma_semaphore, #tpu.memory_space<semaphore_mem>>)
      %dma_wait3A_395 = arith.constant 256 : i32
      %dma_wait3A_396 = tpu.memref_slice %arg5[%run_scoped3A_28, %dma_wait3A_395] : memref<32x512xf32, #tpu.memory_space<vmem>> -> memref<1x256xf32, #tpu.memory_space<vmem>>
      %dma_wait3A_397 = tpu.memref_squeeze %dma_wait3A_396 : memref<1x256xf32, #tpu.memory_space<vmem>> -> memref<256xf32, #tpu.memory_space<vmem>>
      %dma_wait3A_398 = arith.constant 0 : i32
      %dma_wait3A_399 = tpu.memref_slice %arg2[%add3A, %dma_wait3A_398] : memref<50x256xf32, #tpu.memory_space<hbm>> -> memref<1x256xf32, #tpu.memory_space<hbm>>
      %dma_wait3A_400 = tpu.memref_squeeze %dma_wait3A_399 : memref<1x256xf32, #tpu.memory_space<hbm>> -> memref<256xf32, #tpu.memory_space<hbm>>
      %dma_wait3A_401 = arith.constant 256 : i32
      %dma_wait3A_402 = tpu.memref_slice %arg5[%run_scoped3A_28, %dma_wait3A_401] : memref<32x512xf32, #tpu.memory_space<vmem>> -> memref<1x256xf32, #tpu.memory_space<vmem>>
      %dma_wait3A_403 = tpu.memref_squeeze %dma_wait3A_402 : memref<1x256xf32, #tpu.memory_space<vmem>> -> memref<256xf32, #tpu.memory_space<vmem>>
      %dma_wait3A_404 = arith.constant 0 : i32
      %dma_wait3A_405 = tpu.memref_slice %arg2[%add3A, %dma_wait3A_404] : memref<50x256xf32, #tpu.memory_space<hbm>> -> memref<1x256xf32, #tpu.memory_space<hbm>>
      %dma_wait3A_406 = tpu.memref_squeeze %dma_wait3A_405 : memref<1x256xf32, #tpu.memory_space<hbm>> -> memref<256xf32, #tpu.memory_space<hbm>>
      tpu.wait_dma2 semaphore(%run_scoped3A_382 : memref<!tpu.dma_semaphore, #tpu.memory_space<semaphore_mem>>) src(%dma_wait3A_406 : memref<256xf32, #tpu.memory_space<hbm>>) dst(%dma_wait3A_403 : memref<256xf32, #tpu.memory_space<vmem>>)
      tpu.yield
    }) : () -> ()
    %run_scoped3A_29 = arith.constant 29 : i32
    "tpu.region"() ({
      %run_scoped3A_382 = tpu.sem_alloc : memref<!tpu.dma_semaphore, #tpu.memory_space<semaphore_mem>>
      %dma_start3A_383 = arith.constant 256 : i32
      %dma_start3A_384 = tpu.memref_slice %arg5[%run_scoped3A_29, %dma_start3A_383] : memref<32x512xf32, #tpu.memory_space<vmem>> -> memref<1x256xf32, #tpu.memory_space<vmem>>
      %dma_start3A_385 = tpu.memref_squeeze %dma_start3A_384 : memref<1x256xf32, #tpu.memory_space<vmem>> -> memref<256xf32, #tpu.memory_space<vmem>>
      %dma_start3A_386 = arith.constant 0 : i32
      %dma_start3A_387 = tpu.memref_slice %arg2[%add3A, %dma_start3A_386] : memref<50x256xf32, #tpu.memory_space<hbm>> -> memref<1x256xf32, #tpu.memory_space<hbm>>
      %dma_start3A_388 = tpu.memref_squeeze %dma_start3A_387 : memref<1x256xf32, #tpu.memory_space<hbm>> -> memref<256xf32, #tpu.memory_space<hbm>>
      %dma_start3A_389 = arith.constant 256 : i32
      %dma_start3A_390 = tpu.memref_slice %arg5[%run_scoped3A_29, %dma_start3A_389] : memref<32x512xf32, #tpu.memory_space<vmem>> -> memref<1x256xf32, #tpu.memory_space<vmem>>
      %dma_start3A_391 = tpu.memref_squeeze %dma_start3A_390 : memref<1x256xf32, #tpu.memory_space<vmem>> -> memref<256xf32, #tpu.memory_space<vmem>>
      %dma_start3A_392 = arith.constant 0 : i32
      %dma_start3A_393 = tpu.memref_slice %arg2[%add3A, %dma_start3A_392] : memref<50x256xf32, #tpu.memory_space<hbm>> -> memref<1x256xf32, #tpu.memory_space<hbm>>
      %dma_start3A_394 = tpu.memref_squeeze %dma_start3A_393 : memref<1x256xf32, #tpu.memory_space<hbm>> -> memref<256xf32, #tpu.memory_space<hbm>>
      tpu.enqueue_dma source(%dma_start3A_394 : memref<256xf32, #tpu.memory_space<hbm>>) target(%dma_start3A_391 : memref<256xf32, #tpu.memory_space<vmem>>) target_semaphore(%run_scoped3A_382 : memref<!tpu.dma_semaphore, #tpu.memory_space<semaphore_mem>>)
      %dma_wait3A_395 = arith.constant 256 : i32
      %dma_wait3A_396 = tpu.memref_slice %arg5[%run_scoped3A_29, %dma_wait3A_395] : memref<32x512xf32, #tpu.memory_space<vmem>> -> memref<1x256xf32, #tpu.memory_space<vmem>>
      %dma_wait3A_397 = tpu.memref_squeeze %dma_wait3A_396 : memref<1x256xf32, #tpu.memory_space<vmem>> -> memref<256xf32, #tpu.memory_space<vmem>>
      %dma_wait3A_398 = arith.constant 0 : i32
      %dma_wait3A_399 = tpu.memref_slice %arg2[%add3A, %dma_wait3A_398] : memref<50x256xf32, #tpu.memory_space<hbm>> -> memref<1x256xf32, #tpu.memory_space<hbm>>
      %dma_wait3A_400 = tpu.memref_squeeze %dma_wait3A_399 : memref<1x256xf32, #tpu.memory_space<hbm>> -> memref<256xf32, #tpu.memory_space<hbm>>
      %dma_wait3A_401 = arith.constant 256 : i32
      %dma_wait3A_402 = tpu.memref_slice %arg5[%run_scoped3A_29, %dma_wait3A_401] : memref<32x512xf32, #tpu.memory_space<vmem>> -> memref<1x256xf32, #tpu.memory_space<vmem>>
      %dma_wait3A_403 = tpu.memref_squeeze %dma_wait3A_402 : memref<1x256xf32, #tpu.memory_space<vmem>> -> memref<256xf32, #tpu.memory_space<vmem>>
      %dma_wait3A_404 = arith.constant 0 : i32
      %dma_wait3A_405 = tpu.memref_slice %arg2[%add3A, %dma_wait3A_404] : memref<50x256xf32, #tpu.memory_space<hbm>> -> memref<1x256xf32, #tpu.memory_space<hbm>>
      %dma_wait3A_406 = tpu.memref_squeeze %dma_wait3A_405 : memref<1x256xf32, #tpu.memory_space<hbm>> -> memref<256xf32, #tpu.memory_space<hbm>>
      tpu.wait_dma2 semaphore(%run_scoped3A_382 : memref<!tpu.dma_semaphore, #tpu.memory_space<semaphore_mem>>) src(%dma_wait3A_406 : memref<256xf32, #tpu.memory_space<hbm>>) dst(%dma_wait3A_403 : memref<256xf32, #tpu.memory_space<vmem>>)
      tpu.yield
    }) : () -> ()
    %run_scoped3A_30 = arith.constant 30 : i32
    "tpu.region"() ({
      %run_scoped3A_382 = tpu.sem_alloc : memref<!tpu.dma_semaphore, #tpu.memory_space<semaphore_mem>>
      %dma_start3A_383 = arith.constant 256 : i32
      %dma_start3A_384 = tpu.memref_slice %arg5[%run_scoped3A_30, %dma_start3A_383] : memref<32x512xf32, #tpu.memory_space<vmem>> -> memref<1x256xf32, #tpu.memory_space<vmem>>
      %dma_start3A_385 = tpu.memref_squeeze %dma_start3A_384 : memref<1x256xf32, #tpu.memory_space<vmem>> -> memref<256xf32, #tpu.memory_space<vmem>>
      %dma_start3A_386 = arith.constant 0 : i32
      %dma_start3A_387 = tpu.memref_slice %arg2[%add3A, %dma_start3A_386] : memref<50x256xf32, #tpu.memory_space<hbm>> -> memref<1x256xf32, #tpu.memory_space<hbm>>
      %dma_start3A_388 = tpu.memref_squeeze %dma_start3A_387 : memref<1x256xf32, #tpu.memory_space<hbm>> -> memref<256xf32, #tpu.memory_space<hbm>>
      %dma_start3A_389 = arith.constant 256 : i32
      %dma_start3A_390 = tpu.memref_slice %arg5[%run_scoped3A_30, %dma_start3A_389] : memref<32x512xf32, #tpu.memory_space<vmem>> -> memref<1x256xf32, #tpu.memory_space<vmem>>
      %dma_start3A_391 = tpu.memref_squeeze %dma_start3A_390 : memref<1x256xf32, #tpu.memory_space<vmem>> -> memref<256xf32, #tpu.memory_space<vmem>>
      %dma_start3A_392 = arith.constant 0 : i32
      %dma_start3A_393 = tpu.memref_slice %arg2[%add3A, %dma_start3A_392] : memref<50x256xf32, #tpu.memory_space<hbm>> -> memref<1x256xf32, #tpu.memory_space<hbm>>
      %dma_start3A_394 = tpu.memref_squeeze %dma_start3A_393 : memref<1x256xf32, #tpu.memory_space<hbm>> -> memref<256xf32, #tpu.memory_space<hbm>>
      tpu.enqueue_dma source(%dma_start3A_394 : memref<256xf32, #tpu.memory_space<hbm>>) target(%dma_start3A_391 : memref<256xf32, #tpu.memory_space<vmem>>) target_semaphore(%run_scoped3A_382 : memref<!tpu.dma_semaphore, #tpu.memory_space<semaphore_mem>>)
      %dma_wait3A_395 = arith.constant 256 : i32
      %dma_wait3A_396 = tpu.memref_slice %arg5[%run_scoped3A_30, %dma_wait3A_395] : memref<32x512xf32, #tpu.memory_space<vmem>> -> memref<1x256xf32, #tpu.memory_space<vmem>>
      %dma_wait3A_397 = tpu.memref_squeeze %dma_wait3A_396 : memref<1x256xf32, #tpu.memory_space<vmem>> -> memref<256xf32, #tpu.memory_space<vmem>>
      %dma_wait3A_398 = arith.constant 0 : i32
      %dma_wait3A_399 = tpu.memref_slice %arg2[%add3A, %dma_wait3A_398] : memref<50x256xf32, #tpu.memory_space<hbm>> -> memref<1x256xf32, #tpu.memory_space<hbm>>
      %dma_wait3A_400 = tpu.memref_squeeze %dma_wait3A_399 : memref<1x256xf32, #tpu.memory_space<hbm>> -> memref<256xf32, #tpu.memory_space<hbm>>
      %dma_wait3A_401 = arith.constant 256 : i32
      %dma_wait3A_402 = tpu.memref_slice %arg5[%run_scoped3A_30, %dma_wait3A_401] : memref<32x512xf32, #tpu.memory_space<vmem>> -> memref<1x256xf32, #tpu.memory_space<vmem>>
      %dma_wait3A_403 = tpu.memref_squeeze %dma_wait3A_402 : memref<1x256xf32, #tpu.memory_space<vmem>> -> memref<256xf32, #tpu.memory_space<vmem>>
      %dma_wait3A_404 = arith.constant 0 : i32
      %dma_wait3A_405 = tpu.memref_slice %arg2[%add3A, %dma_wait3A_404] : memref<50x256xf32, #tpu.memory_space<hbm>> -> memref<1x256xf32, #tpu.memory_space<hbm>>
      %dma_wait3A_406 = tpu.memref_squeeze %dma_wait3A_405 : memref<1x256xf32, #tpu.memory_space<hbm>> -> memref<256xf32, #tpu.memory_space<hbm>>
      tpu.wait_dma2 semaphore(%run_scoped3A_382 : memref<!tpu.dma_semaphore, #tpu.memory_space<semaphore_mem>>) src(%dma_wait3A_406 : memref<256xf32, #tpu.memory_space<hbm>>) dst(%dma_wait3A_403 : memref<256xf32, #tpu.memory_space<vmem>>)
      tpu.yield
    }) : () -> ()
    %run_scoped3A_31 = arith.constant 31 : i32
    "tpu.region"() ({
      %run_scoped3A_382 = tpu.sem_alloc : memref<!tpu.dma_semaphore, #tpu.memory_space<semaphore_mem>>
      %dma_start3A_383 = arith.constant 256 : i32
      %dma_start3A_384 = tpu.memref_slice %arg5[%run_scoped3A_31, %dma_start3A_383] : memref<32x512xf32, #tpu.memory_space<vmem>> -> memref<1x256xf32, #tpu.memory_space<vmem>>
      %dma_start3A_385 = tpu.memref_squeeze %dma_start3A_384 : memref<1x256xf32, #tpu.memory_space<vmem>> -> memref<256xf32, #tpu.memory_space<vmem>>
      %dma_start3A_386 = arith.constant 0 : i32
      %dma_start3A_387 = tpu.memref_slice %arg2[%add3A, %dma_start3A_386] : memref<50x256xf32, #tpu.memory_space<hbm>> -> memref<1x256xf32, #tpu.memory_space<hbm>>
      %dma_start3A_388 = tpu.memref_squeeze %dma_start3A_387 : memref<1x256xf32, #tpu.memory_space<hbm>> -> memref<256xf32, #tpu.memory_space<hbm>>
      %dma_start3A_389 = arith.constant 256 : i32
      %dma_start3A_390 = tpu.memref_slice %arg5[%run_scoped3A_31, %dma_start3A_389] : memref<32x512xf32, #tpu.memory_space<vmem>> -> memref<1x256xf32, #tpu.memory_space<vmem>>
      %dma_start3A_391 = tpu.memref_squeeze %dma_start3A_390 : memref<1x256xf32, #tpu.memory_space<vmem>> -> memref<256xf32, #tpu.memory_space<vmem>>
      %dma_start3A_392 = arith.constant 0 : i32
      %dma_start3A_393 = tpu.memref_slice %arg2[%add3A, %dma_start3A_392] : memref<50x256xf32, #tpu.memory_space<hbm>> -> memref<1x256xf32, #tpu.memory_space<hbm>>
      %dma_start3A_394 = tpu.memref_squeeze %dma_start3A_393 : memref<1x256xf32, #tpu.memory_space<hbm>> -> memref<256xf32, #tpu.memory_space<hbm>>
      tpu.enqueue_dma source(%dma_start3A_394 : memref<256xf32, #tpu.memory_space<hbm>>) target(%dma_start3A_391 : memref<256xf32, #tpu.memory_space<vmem>>) target_semaphore(%run_scoped3A_382 : memref<!tpu.dma_semaphore, #tpu.memory_space<semaphore_mem>>)
      %dma_wait3A_395 = arith.constant 256 : i32
      %dma_wait3A_396 = tpu.memref_slice %arg5[%run_scoped3A_31, %dma_wait3A_395] : memref<32x512xf32, #tpu.memory_space<vmem>> -> memref<1x256xf32, #tpu.memory_space<vmem>>
      %dma_wait3A_397 = tpu.memref_squeeze %dma_wait3A_396 : memref<1x256xf32, #tpu.memory_space<vmem>> -> memref<256xf32, #tpu.memory_space<vmem>>
      %dma_wait3A_398 = arith.constant 0 : i32
      %dma_wait3A_399 = tpu.memref_slice %arg2[%add3A, %dma_wait3A_398] : memref<50x256xf32, #tpu.memory_space<hbm>> -> memref<1x256xf32, #tpu.memory_space<hbm>>
      %dma_wait3A_400 = tpu.memref_squeeze %dma_wait3A_399 : memref<1x256xf32, #tpu.memory_space<hbm>> -> memref<256xf32, #tpu.memory_space<hbm>>
      %dma_wait3A_401 = arith.constant 256 : i32
      %dma_wait3A_402 = tpu.memref_slice %arg5[%run_scoped3A_31, %dma_wait3A_401] : memref<32x512xf32, #tpu.memory_space<vmem>> -> memref<1x256xf32, #tpu.memory_space<vmem>>
      %dma_wait3A_403 = tpu.memref_squeeze %dma_wait3A_402 : memref<1x256xf32, #tpu.memory_space<vmem>> -> memref<256xf32, #tpu.memory_space<vmem>>
      %dma_wait3A_404 = arith.constant 0 : i32
      %dma_wait3A_405 = tpu.memref_slice %arg2[%add3A, %dma_wait3A_404] : memref<50x256xf32, #tpu.memory_space<hbm>> -> memref<1x256xf32, #tpu.memory_space<hbm>>
      %dma_wait3A_406 = tpu.memref_squeeze %dma_wait3A_405 : memref<1x256xf32, #tpu.memory_space<hbm>> -> memref<256xf32, #tpu.memory_space<hbm>>
      tpu.wait_dma2 semaphore(%run_scoped3A_382 : memref<!tpu.dma_semaphore, #tpu.memory_space<semaphore_mem>>) src(%dma_wait3A_406 : memref<256xf32, #tpu.memory_space<hbm>>) dst(%dma_wait3A_403 : memref<256xf32, #tpu.memory_space<vmem>>)
      tpu.yield
    }) : () -> ()
    %mul3A_32 = arith.constant 32 : i32
    %mul3A_33 = arith.muli %add3A, %mul3A_32 : i32
    %dma_start3A = arith.constant 0 : i32
    %dma_start3A_34 = arith.constant 0 : i32
    %dma_start3A_35 = tpu.memref_slice %arg4[%dma_start3A, %mul3A_33, %dma_start3A_34] : memref<22x1024x512xf32, #tpu.memory_space<hbm>> -> memref<1x32x512xf32, #tpu.memory_space<hbm>>
    %dma_start3A_36 = tpu.memref_squeeze %dma_start3A_35 : memref<1x32x512xf32, #tpu.memory_space<hbm>> -> memref<32x512xf32, #tpu.memory_space<hbm>>
    %dma_start3A_37 = arith.constant 0 : i32
    %dma_start3A_38 = tpu.memref_slice %arg4[%dma_start3A, %mul3A_33, %dma_start3A_37] : memref<22x1024x512xf32, #tpu.memory_space<hbm>> -> memref<1x32x512xf32, #tpu.memory_space<hbm>>
    %dma_start3A_39 = tpu.memref_squeeze %dma_start3A_38 : memref<1x32x512xf32, #tpu.memory_space<hbm>> -> memref<32x512xf32, #tpu.memory_space<hbm>>
    tpu.enqueue_dma source(%arg5 : memref<32x512xf32, #tpu.memory_space<vmem>>) target(%dma_start3A_39 : memref<32x512xf32, #tpu.memory_space<hbm>>) target_semaphore(%arg6 : memref<!tpu.dma_semaphore, #tpu.memory_space<semaphore_mem>>)
    %mul3A_40 = arith.constant 32 : i32
    %mul3A_41 = arith.muli %add3A, %mul3A_40 : i32
    %dma_start3A_42 = arith.constant 1 : i32
    %dma_start3A_43 = arith.constant 0 : i32
    %dma_start3A_44 = tpu.memref_slice %arg4[%dma_start3A_42, %mul3A_41, %dma_start3A_43] : memref<22x1024x512xf32, #tpu.memory_space<hbm>> -> memref<1x32x512xf32, #tpu.memory_space<hbm>>
    %dma_start3A_45 = tpu.memref_squeeze %dma_start3A_44 : memref<1x32x512xf32, #tpu.memory_space<hbm>> -> memref<32x512xf32, #tpu.memory_space<hbm>>
    %dma_start3A_46 = arith.constant 0 : i32
    %dma_start3A_47 = tpu.memref_slice %arg4[%dma_start3A_42, %mul3A_41, %dma_start3A_46] : memref<22x1024x512xf32, #tpu.memory_space<hbm>> -> memref<1x32x512xf32, #tpu.memory_space<hbm>>
    %dma_start3A_48 = tpu.memref_squeeze %dma_start3A_47 : memref<1x32x512xf32, #tpu.memory_space<hbm>> -> memref<32x512xf32, #tpu.memory_space<hbm>>
    tpu.enqueue_dma source(%arg5 : memref<32x512xf32, #tpu.memory_space<vmem>>) target(%dma_start3A_48 : memref<32x512xf32, #tpu.memory_space<hbm>>) target_semaphore(%arg6 : memref<!tpu.dma_semaphore, #tpu.memory_space<semaphore_mem>>)
    %mul3A_49 = arith.constant 32 : i32
    %mul3A_50 = arith.muli %add3A, %mul3A_49 : i32
    %dma_start3A_51 = arith.constant 2 : i32
    %dma_start3A_52 = arith.constant 0 : i32
    %dma_start3A_53 = tpu.memref_slice %arg4[%dma_start3A_51, %mul3A_50, %dma_start3A_52] : memref<22x1024x512xf32, #tpu.memory_space<hbm>> -> memref<1x32x512xf32, #tpu.memory_space<hbm>>
    %dma_start3A_54 = tpu.memref_squeeze %dma_start3A_53 : memref<1x32x512xf32, #tpu.memory_space<hbm>> -> memref<32x512xf32, #tpu.memory_space<hbm>>
    %dma_start3A_55 = arith.constant 0 : i32
    %dma_start3A_56 = tpu.memref_slice %arg4[%dma_start3A_51, %mul3A_50, %dma_start3A_55] : memref<22x1024x512xf32, #tpu.memory_space<hbm>> -> memref<1x32x512xf32, #tpu.memory_space<hbm>>
    %dma_start3A_57 = tpu.memref_squeeze %dma_start3A_56 : memref<1x32x512xf32, #tpu.memory_space<hbm>> -> memref<32x512xf32, #tpu.memory_space<hbm>>
    tpu.enqueue_dma source(%arg5 : memref<32x512xf32, #tpu.memory_space<vmem>>) target(%dma_start3A_57 : memref<32x512xf32, #tpu.memory_space<hbm>>) target_semaphore(%arg6 : memref<!tpu.dma_semaphore, #tpu.memory_space<semaphore_mem>>)
    %mul3A_58 = arith.constant 32 : i32
    %mul3A_59 = arith.muli %add3A, %mul3A_58 : i32
    %dma_start3A_60 = arith.constant 3 : i32
    %dma_start3A_61 = arith.constant 0 : i32
    %dma_start3A_62 = tpu.memref_slice %arg4[%dma_start3A_60, %mul3A_59, %dma_start3A_61] : memref<22x1024x512xf32, #tpu.memory_space<hbm>> -> memref<1x32x512xf32, #tpu.memory_space<hbm>>
    %dma_start3A_63 = tpu.memref_squeeze %dma_start3A_62 : memref<1x32x512xf32, #tpu.memory_space<hbm>> -> memref<32x512xf32, #tpu.memory_space<hbm>>
    %dma_start3A_64 = arith.constant 0 : i32
    %dma_start3A_65 = tpu.memref_slice %arg4[%dma_start3A_60, %mul3A_59, %dma_start3A_64] : memref<22x1024x512xf32, #tpu.memory_space<hbm>> -> memref<1x32x512xf32, #tpu.memory_space<hbm>>
    %dma_start3A_66 = tpu.memref_squeeze %dma_start3A_65 : memref<1x32x512xf32, #tpu.memory_space<hbm>> -> memref<32x512xf32, #tpu.memory_space<hbm>>
    tpu.enqueue_dma source(%arg5 : memref<32x512xf32, #tpu.memory_space<vmem>>) target(%dma_start3A_66 : memref<32x512xf32, #tpu.memory_space<hbm>>) target_semaphore(%arg6 : memref<!tpu.dma_semaphore, #tpu.memory_space<semaphore_mem>>)
    %mul3A_67 = arith.constant 32 : i32
    %mul3A_68 = arith.muli %add3A, %mul3A_67 : i32
    %dma_start3A_69 = arith.constant 4 : i32
    %dma_start3A_70 = arith.constant 0 : i32
    %dma_start3A_71 = tpu.memref_slice %arg4[%dma_start3A_69, %mul3A_68, %dma_start3A_70] : memref<22x1024x512xf32, #tpu.memory_space<hbm>> -> memref<1x32x512xf32, #tpu.memory_space<hbm>>
    %dma_start3A_72 = tpu.memref_squeeze %dma_start3A_71 : memref<1x32x512xf32, #tpu.memory_space<hbm>> -> memref<32x512xf32, #tpu.memory_space<hbm>>
    %dma_start3A_73 = arith.constant 0 : i32
    %dma_start3A_74 = tpu.memref_slice %arg4[%dma_start3A_69, %mul3A_68, %dma_start3A_73] : memref<22x1024x512xf32, #tpu.memory_space<hbm>> -> memref<1x32x512xf32, #tpu.memory_space<hbm>>
    %dma_start3A_75 = tpu.memref_squeeze %dma_start3A_74 : memref<1x32x512xf32, #tpu.memory_space<hbm>> -> memref<32x512xf32, #tpu.memory_space<hbm>>
    tpu.enqueue_dma source(%arg5 : memref<32x512xf32, #tpu.memory_space<vmem>>) target(%dma_start3A_75 : memref<32x512xf32, #tpu.memory_space<hbm>>) target_semaphore(%arg6 : memref<!tpu.dma_semaphore, #tpu.memory_space<semaphore_mem>>)
    %mul3A_76 = arith.constant 32 : i32
    %mul3A_77 = arith.muli %add3A, %mul3A_76 : i32
    %dma_start3A_78 = arith.constant 5 : i32
    %dma_start3A_79 = arith.constant 0 : i32
    %dma_start3A_80 = tpu.memref_slice %arg4[%dma_start3A_78, %mul3A_77, %dma_start3A_79] : memref<22x1024x512xf32, #tpu.memory_space<hbm>> -> memref<1x32x512xf32, #tpu.memory_space<hbm>>
    %dma_start3A_81 = tpu.memref_squeeze %dma_start3A_80 : memref<1x32x512xf32, #tpu.memory_space<hbm>> -> memref<32x512xf32, #tpu.memory_space<hbm>>
    %dma_start3A_82 = arith.constant 0 : i32
    %dma_start3A_83 = tpu.memref_slice %arg4[%dma_start3A_78, %mul3A_77, %dma_start3A_82] : memref<22x1024x512xf32, #tpu.memory_space<hbm>> -> memref<1x32x512xf32, #tpu.memory_space<hbm>>
    %dma_start3A_84 = tpu.memref_squeeze %dma_start3A_83 : memref<1x32x512xf32, #tpu.memory_space<hbm>> -> memref<32x512xf32, #tpu.memory_space<hbm>>
    tpu.enqueue_dma source(%arg5 : memref<32x512xf32, #tpu.memory_space<vmem>>) target(%dma_start3A_84 : memref<32x512xf32, #tpu.memory_space<hbm>>) target_semaphore(%arg6 : memref<!tpu.dma_semaphore, #tpu.memory_space<semaphore_mem>>)
    %mul3A_85 = arith.constant 32 : i32
    %mul3A_86 = arith.muli %add3A, %mul3A_85 : i32
    %dma_start3A_87 = arith.constant 6 : i32
    %dma_start3A_88 = arith.constant 0 : i32
    %dma_start3A_89 = tpu.memref_slice %arg4[%dma_start3A_87, %mul3A_86, %dma_start3A_88] : memref<22x1024x512xf32, #tpu.memory_space<hbm>> -> memref<1x32x512xf32, #tpu.memory_space<hbm>>
    %dma_start3A_90 = tpu.memref_squeeze %dma_start3A_89 : memref<1x32x512xf32, #tpu.memory_space<hbm>> -> memref<32x512xf32, #tpu.memory_space<hbm>>
    %dma_start3A_91 = arith.constant 0 : i32
    %dma_start3A_92 = tpu.memref_slice %arg4[%dma_start3A_87, %mul3A_86, %dma_start3A_91] : memref<22x1024x512xf32, #tpu.memory_space<hbm>> -> memref<1x32x512xf32, #tpu.memory_space<hbm>>
    %dma_start3A_93 = tpu.memref_squeeze %dma_start3A_92 : memref<1x32x512xf32, #tpu.memory_space<hbm>> -> memref<32x512xf32, #tpu.memory_space<hbm>>
    tpu.enqueue_dma source(%arg5 : memref<32x512xf32, #tpu.memory_space<vmem>>) target(%dma_start3A_93 : memref<32x512xf32, #tpu.memory_space<hbm>>) target_semaphore(%arg6 : memref<!tpu.dma_semaphore, #tpu.memory_space<semaphore_mem>>)
    %mul3A_94 = arith.constant 32 : i32
    %mul3A_95 = arith.muli %add3A, %mul3A_94 : i32
    %dma_start3A_96 = arith.constant 7 : i32
    %dma_start3A_97 = arith.constant 0 : i32
    %dma_start3A_98 = tpu.memref_slice %arg4[%dma_start3A_96, %mul3A_95, %dma_start3A_97] : memref<22x1024x512xf32, #tpu.memory_space<hbm>> -> memref<1x32x512xf32, #tpu.memory_space<hbm>>
    %dma_start3A_99 = tpu.memref_squeeze %dma_start3A_98 : memref<1x32x512xf32, #tpu.memory_space<hbm>> -> memref<32x512xf32, #tpu.memory_space<hbm>>
    %dma_start3A_100 = arith.constant 0 : i32
    %dma_start3A_101 = tpu.memref_slice %arg4[%dma_start3A_96, %mul3A_95, %dma_start3A_100] : memref<22x1024x512xf32, #tpu.memory_space<hbm>> -> memref<1x32x512xf32, #tpu.memory_space<hbm>>
    %dma_start3A_102 = tpu.memref_squeeze %dma_start3A_101 : memref<1x32x512xf32, #tpu.memory_space<hbm>> -> memref<32x512xf32, #tpu.memory_space<hbm>>
    tpu.enqueue_dma source(%arg5 : memref<32x512xf32, #tpu.memory_space<vmem>>) target(%dma_start3A_102 : memref<32x512xf32, #tpu.memory_space<hbm>>) target_semaphore(%arg6 : memref<!tpu.dma_semaphore, #tpu.memory_space<semaphore_mem>>)
    %mul3A_103 = arith.constant 32 : i32
    %mul3A_104 = arith.muli %add3A, %mul3A_103 : i32
    %dma_start3A_105 = arith.constant 8 : i32
    %dma_start3A_106 = arith.constant 0 : i32
    %dma_start3A_107 = tpu.memref_slice %arg4[%dma_start3A_105, %mul3A_104, %dma_start3A_106] : memref<22x1024x512xf32, #tpu.memory_space<hbm>> -> memref<1x32x512xf32, #tpu.memory_space<hbm>>
    %dma_start3A_108 = tpu.memref_squeeze %dma_start3A_107 : memref<1x32x512xf32, #tpu.memory_space<hbm>> -> memref<32x512xf32, #tpu.memory_space<hbm>>
    %dma_start3A_109 = arith.constant 0 : i32
    %dma_start3A_110 = tpu.memref_slice %arg4[%dma_start3A_105, %mul3A_104, %dma_start3A_109] : memref<22x1024x512xf32, #tpu.memory_space<hbm>> -> memref<1x32x512xf32, #tpu.memory_space<hbm>>
    %dma_start3A_111 = tpu.memref_squeeze %dma_start3A_110 : memref<1x32x512xf32, #tpu.memory_space<hbm>> -> memref<32x512xf32, #tpu.memory_space<hbm>>
    tpu.enqueue_dma source(%arg5 : memref<32x512xf32, #tpu.memory_space<vmem>>) target(%dma_start3A_111 : memref<32x512xf32, #tpu.memory_space<hbm>>) target_semaphore(%arg6 : memref<!tpu.dma_semaphore, #tpu.memory_space<semaphore_mem>>)
    %mul3A_112 = arith.constant 32 : i32
    %mul3A_113 = arith.muli %add3A, %mul3A_112 : i32
    %dma_start3A_114 = arith.constant 9 : i32
    %dma_start3A_115 = arith.constant 0 : i32
    %dma_start3A_116 = tpu.memref_slice %arg4[%dma_start3A_114, %mul3A_113, %dma_start3A_115] : memref<22x1024x512xf32, #tpu.memory_space<hbm>> -> memref<1x32x512xf32, #tpu.memory_space<hbm>>
    %dma_start3A_117 = tpu.memref_squeeze %dma_start3A_116 : memref<1x32x512xf32, #tpu.memory_space<hbm>> -> memref<32x512xf32, #tpu.memory_space<hbm>>
    %dma_start3A_118 = arith.constant 0 : i32
    %dma_start3A_119 = tpu.memref_slice %arg4[%dma_start3A_114, %mul3A_113, %dma_start3A_118] : memref<22x1024x512xf32, #tpu.memory_space<hbm>> -> memref<1x32x512xf32, #tpu.memory_space<hbm>>
    %dma_start3A_120 = tpu.memref_squeeze %dma_start3A_119 : memref<1x32x512xf32, #tpu.memory_space<hbm>> -> memref<32x512xf32, #tpu.memory_space<hbm>>
    tpu.enqueue_dma source(%arg5 : memref<32x512xf32, #tpu.memory_space<vmem>>) target(%dma_start3A_120 : memref<32x512xf32, #tpu.memory_space<hbm>>) target_semaphore(%arg6 : memref<!tpu.dma_semaphore, #tpu.memory_space<semaphore_mem>>)
    %mul3A_121 = arith.constant 32 : i32
    %mul3A_122 = arith.muli %add3A, %mul3A_121 : i32
    %dma_start3A_123 = arith.constant 10 : i32
    %dma_start3A_124 = arith.constant 0 : i32
    %dma_start3A_125 = tpu.memref_slice %arg4[%dma_start3A_123, %mul3A_122, %dma_start3A_124] : memref<22x1024x512xf32, #tpu.memory_space<hbm>> -> memref<1x32x512xf32, #tpu.memory_space<hbm>>
    %dma_start3A_126 = tpu.memref_squeeze %dma_start3A_125 : memref<1x32x512xf32, #tpu.memory_space<hbm>> -> memref<32x512xf32, #tpu.memory_space<hbm>>
    %dma_start3A_127 = arith.constant 0 : i32
    %dma_start3A_128 = tpu.memref_slice %arg4[%dma_start3A_123, %mul3A_122, %dma_start3A_127] : memref<22x1024x512xf32, #tpu.memory_space<hbm>> -> memref<1x32x512xf32, #tpu.memory_space<hbm>>
    %dma_start3A_129 = tpu.memref_squeeze %dma_start3A_128 : memref<1x32x512xf32, #tpu.memory_space<hbm>> -> memref<32x512xf32, #tpu.memory_space<hbm>>
    tpu.enqueue_dma source(%arg5 : memref<32x512xf32, #tpu.memory_space<vmem>>) target(%dma_start3A_129 : memref<32x512xf32, #tpu.memory_space<hbm>>) target_semaphore(%arg6 : memref<!tpu.dma_semaphore, #tpu.memory_space<semaphore_mem>>)
    %mul3A_130 = arith.constant 32 : i32
    %mul3A_131 = arith.muli %add3A, %mul3A_130 : i32
    %dma_start3A_132 = arith.constant 11 : i32
    %dma_start3A_133 = arith.constant 0 : i32
    %dma_start3A_134 = tpu.memref_slice %arg4[%dma_start3A_132, %mul3A_131, %dma_start3A_133] : memref<22x1024x512xf32, #tpu.memory_space<hbm>> -> memref<1x32x512xf32, #tpu.memory_space<hbm>>
    %dma_start3A_135 = tpu.memref_squeeze %dma_start3A_134 : memref<1x32x512xf32, #tpu.memory_space<hbm>> -> memref<32x512xf32, #tpu.memory_space<hbm>>
    %dma_start3A_136 = arith.constant 0 : i32
    %dma_start3A_137 = tpu.memref_slice %arg4[%dma_start3A_132, %mul3A_131, %dma_start3A_136] : memref<22x1024x512xf32, #tpu.memory_space<hbm>> -> memref<1x32x512xf32, #tpu.memory_space<hbm>>
    %dma_start3A_138 = tpu.memref_squeeze %dma_start3A_137 : memref<1x32x512xf32, #tpu.memory_space<hbm>> -> memref<32x512xf32, #tpu.memory_space<hbm>>
    tpu.enqueue_dma source(%arg5 : memref<32x512xf32, #tpu.memory_space<vmem>>) target(%dma_start3A_138 : memref<32x512xf32, #tpu.memory_space<hbm>>) target_semaphore(%arg6 : memref<!tpu.dma_semaphore, #tpu.memory_space<semaphore_mem>>)
    %mul3A_139 = arith.constant 32 : i32
    %mul3A_140 = arith.muli %add3A, %mul3A_139 : i32
    %dma_start3A_141 = arith.constant 12 : i32
    %dma_start3A_142 = arith.constant 0 : i32
    %dma_start3A_143 = tpu.memref_slice %arg4[%dma_start3A_141, %mul3A_140, %dma_start3A_142] : memref<22x1024x512xf32, #tpu.memory_space<hbm>> -> memref<1x32x512xf32, #tpu.memory_space<hbm>>
    %dma_start3A_144 = tpu.memref_squeeze %dma_start3A_143 : memref<1x32x512xf32, #tpu.memory_space<hbm>> -> memref<32x512xf32, #tpu.memory_space<hbm>>
    %dma_start3A_145 = arith.constant 0 : i32
    %dma_start3A_146 = tpu.memref_slice %arg4[%dma_start3A_141, %mul3A_140, %dma_start3A_145] : memref<22x1024x512xf32, #tpu.memory_space<hbm>> -> memref<1x32x512xf32, #tpu.memory_space<hbm>>
    %dma_start3A_147 = tpu.memref_squeeze %dma_start3A_146 : memref<1x32x512xf32, #tpu.memory_space<hbm>> -> memref<32x512xf32, #tpu.memory_space<hbm>>
    tpu.enqueue_dma source(%arg5 : memref<32x512xf32, #tpu.memory_space<vmem>>) target(%dma_start3A_147 : memref<32x512xf32, #tpu.memory_space<hbm>>) target_semaphore(%arg6 : memref<!tpu.dma_semaphore, #tpu.memory_space<semaphore_mem>>)
    %mul3A_148 = arith.constant 32 : i32
    %mul3A_149 = arith.muli %add3A, %mul3A_148 : i32
    %dma_start3A_150 = arith.constant 13 : i32
    %dma_start3A_151 = arith.constant 0 : i32
    %dma_start3A_152 = tpu.memref_slice %arg4[%dma_start3A_150, %mul3A_149, %dma_start3A_151] : memref<22x1024x512xf32, #tpu.memory_space<hbm>> -> memref<1x32x512xf32, #tpu.memory_space<hbm>>
    %dma_start3A_153 = tpu.memref_squeeze %dma_start3A_152 : memref<1x32x512xf32, #tpu.memory_space<hbm>> -> memref<32x512xf32, #tpu.memory_space<hbm>>
    %dma_start3A_154 = arith.constant 0 : i32
    %dma_start3A_155 = tpu.memref_slice %arg4[%dma_start3A_150, %mul3A_149, %dma_start3A_154] : memref<22x1024x512xf32, #tpu.memory_space<hbm>> -> memref<1x32x512xf32, #tpu.memory_space<hbm>>
    %dma_start3A_156 = tpu.memref_squeeze %dma_start3A_155 : memref<1x32x512xf32, #tpu.memory_space<hbm>> -> memref<32x512xf32, #tpu.memory_space<hbm>>
    tpu.enqueue_dma source(%arg5 : memref<32x512xf32, #tpu.memory_space<vmem>>) target(%dma_start3A_156 : memref<32x512xf32, #tpu.memory_space<hbm>>) target_semaphore(%arg6 : memref<!tpu.dma_semaphore, #tpu.memory_space<semaphore_mem>>)
    %mul3A_157 = arith.constant 32 : i32
    %mul3A_158 = arith.muli %add3A, %mul3A_157 : i32
    %dma_start3A_159 = arith.constant 14 : i32
    %dma_start3A_160 = arith.constant 0 : i32
    %dma_start3A_161 = tpu.memref_slice %arg4[%dma_start3A_159, %mul3A_158, %dma_start3A_160] : memref<22x1024x512xf32, #tpu.memory_space<hbm>> -> memref<1x32x512xf32, #tpu.memory_space<hbm>>
    %dma_start3A_162 = tpu.memref_squeeze %dma_start3A_161 : memref<1x32x512xf32, #tpu.memory_space<hbm>> -> memref<32x512xf32, #tpu.memory_space<hbm>>
    %dma_start3A_163 = arith.constant 0 : i32
    %dma_start3A_164 = tpu.memref_slice %arg4[%dma_start3A_159, %mul3A_158, %dma_start3A_163] : memref<22x1024x512xf32, #tpu.memory_space<hbm>> -> memref<1x32x512xf32, #tpu.memory_space<hbm>>
    %dma_start3A_165 = tpu.memref_squeeze %dma_start3A_164 : memref<1x32x512xf32, #tpu.memory_space<hbm>> -> memref<32x512xf32, #tpu.memory_space<hbm>>
    tpu.enqueue_dma source(%arg5 : memref<32x512xf32, #tpu.memory_space<vmem>>) target(%dma_start3A_165 : memref<32x512xf32, #tpu.memory_space<hbm>>) target_semaphore(%arg6 : memref<!tpu.dma_semaphore, #tpu.memory_space<semaphore_mem>>)
    %mul3A_166 = arith.constant 32 : i32
    %mul3A_167 = arith.muli %add3A, %mul3A_166 : i32
    %dma_start3A_168 = arith.constant 15 : i32
    %dma_start3A_169 = arith.constant 0 : i32
    %dma_start3A_170 = tpu.memref_slice %arg4[%dma_start3A_168, %mul3A_167, %dma_start3A_169] : memref<22x1024x512xf32, #tpu.memory_space<hbm>> -> memref<1x32x512xf32, #tpu.memory_space<hbm>>
    %dma_start3A_171 = tpu.memref_squeeze %dma_start3A_170 : memref<1x32x512xf32, #tpu.memory_space<hbm>> -> memref<32x512xf32, #tpu.memory_space<hbm>>
    %dma_start3A_172 = arith.constant 0 : i32
    %dma_start3A_173 = tpu.memref_slice %arg4[%dma_start3A_168, %mul3A_167, %dma_start3A_172] : memref<22x1024x512xf32, #tpu.memory_space<hbm>> -> memref<1x32x512xf32, #tpu.memory_space<hbm>>
    %dma_start3A_174 = tpu.memref_squeeze %dma_start3A_173 : memref<1x32x512xf32, #tpu.memory_space<hbm>> -> memref<32x512xf32, #tpu.memory_space<hbm>>
    tpu.enqueue_dma source(%arg5 : memref<32x512xf32, #tpu.memory_space<vmem>>) target(%dma_start3A_174 : memref<32x512xf32, #tpu.memory_space<hbm>>) target_semaphore(%arg6 : memref<!tpu.dma_semaphore, #tpu.memory_space<semaphore_mem>>)
    %mul3A_175 = arith.constant 32 : i32
    %mul3A_176 = arith.muli %add3A, %mul3A_175 : i32
    %dma_start3A_177 = arith.constant 16 : i32
    %dma_start3A_178 = arith.constant 0 : i32
    %dma_start3A_179 = tpu.memref_slice %arg4[%dma_start3A_177, %mul3A_176, %dma_start3A_178] : memref<22x1024x512xf32, #tpu.memory_space<hbm>> -> memref<1x32x512xf32, #tpu.memory_space<hbm>>
    %dma_start3A_180 = tpu.memref_squeeze %dma_start3A_179 : memref<1x32x512xf32, #tpu.memory_space<hbm>> -> memref<32x512xf32, #tpu.memory_space<hbm>>
    %dma_start3A_181 = arith.constant 0 : i32
    %dma_start3A_182 = tpu.memref_slice %arg4[%dma_start3A_177, %mul3A_176, %dma_start3A_181] : memref<22x1024x512xf32, #tpu.memory_space<hbm>> -> memref<1x32x512xf32, #tpu.memory_space<hbm>>
    %dma_start3A_183 = tpu.memref_squeeze %dma_start3A_182 : memref<1x32x512xf32, #tpu.memory_space<hbm>> -> memref<32x512xf32, #tpu.memory_space<hbm>>
    tpu.enqueue_dma source(%arg5 : memref<32x512xf32, #tpu.memory_space<vmem>>) target(%dma_start3A_183 : memref<32x512xf32, #tpu.memory_space<hbm>>) target_semaphore(%arg6 : memref<!tpu.dma_semaphore, #tpu.memory_space<semaphore_mem>>)
    %mul3A_184 = arith.constant 32 : i32
    %mul3A_185 = arith.muli %add3A, %mul3A_184 : i32
    %dma_start3A_186 = arith.constant 17 : i32
    %dma_start3A_187 = arith.constant 0 : i32
    %dma_start3A_188 = tpu.memref_slice %arg4[%dma_start3A_186, %mul3A_185, %dma_start3A_187] : memref<22x1024x512xf32, #tpu.memory_space<hbm>> -> memref<1x32x512xf32, #tpu.memory_space<hbm>>
    %dma_start3A_189 = tpu.memref_squeeze %dma_start3A_188 : memref<1x32x512xf32, #tpu.memory_space<hbm>> -> memref<32x512xf32, #tpu.memory_space<hbm>>
    %dma_start3A_190 = arith.constant 0 : i32
    %dma_start3A_191 = tpu.memref_slice %arg4[%dma_start3A_186, %mul3A_185, %dma_start3A_190] : memref<22x1024x512xf32, #tpu.memory_space<hbm>> -> memref<1x32x512xf32, #tpu.memory_space<hbm>>
    %dma_start3A_192 = tpu.memref_squeeze %dma_start3A_191 : memref<1x32x512xf32, #tpu.memory_space<hbm>> -> memref<32x512xf32, #tpu.memory_space<hbm>>
    tpu.enqueue_dma source(%arg5 : memref<32x512xf32, #tpu.memory_space<vmem>>) target(%dma_start3A_192 : memref<32x512xf32, #tpu.memory_space<hbm>>) target_semaphore(%arg6 : memref<!tpu.dma_semaphore, #tpu.memory_space<semaphore_mem>>)
    %mul3A_193 = arith.constant 32 : i32
    %mul3A_194 = arith.muli %add3A, %mul3A_193 : i32
    %dma_start3A_195 = arith.constant 18 : i32
    %dma_start3A_196 = arith.constant 0 : i32
    %dma_start3A_197 = tpu.memref_slice %arg4[%dma_start3A_195, %mul3A_194, %dma_start3A_196] : memref<22x1024x512xf32, #tpu.memory_space<hbm>> -> memref<1x32x512xf32, #tpu.memory_space<hbm>>
    %dma_start3A_198 = tpu.memref_squeeze %dma_start3A_197 : memref<1x32x512xf32, #tpu.memory_space<hbm>> -> memref<32x512xf32, #tpu.memory_space<hbm>>
    %dma_start3A_199 = arith.constant 0 : i32
    %dma_start3A_200 = tpu.memref_slice %arg4[%dma_start3A_195, %mul3A_194, %dma_start3A_199] : memref<22x1024x512xf32, #tpu.memory_space<hbm>> -> memref<1x32x512xf32, #tpu.memory_space<hbm>>
    %dma_start3A_201 = tpu.memref_squeeze %dma_start3A_200 : memref<1x32x512xf32, #tpu.memory_space<hbm>> -> memref<32x512xf32, #tpu.memory_space<hbm>>
    tpu.enqueue_dma source(%arg5 : memref<32x512xf32, #tpu.memory_space<vmem>>) target(%dma_start3A_201 : memref<32x512xf32, #tpu.memory_space<hbm>>) target_semaphore(%arg6 : memref<!tpu.dma_semaphore, #tpu.memory_space<semaphore_mem>>)
    %mul3A_202 = arith.constant 32 : i32
    %mul3A_203 = arith.muli %add3A, %mul3A_202 : i32
    %dma_start3A_204 = arith.constant 19 : i32
    %dma_start3A_205 = arith.constant 0 : i32
    %dma_start3A_206 = tpu.memref_slice %arg4[%dma_start3A_204, %mul3A_203, %dma_start3A_205] : memref<22x1024x512xf32, #tpu.memory_space<hbm>> -> memref<1x32x512xf32, #tpu.memory_space<hbm>>
    %dma_start3A_207 = tpu.memref_squeeze %dma_start3A_206 : memref<1x32x512xf32, #tpu.memory_space<hbm>> -> memref<32x512xf32, #tpu.memory_space<hbm>>
    %dma_start3A_208 = arith.constant 0 : i32
    %dma_start3A_209 = tpu.memref_slice %arg4[%dma_start3A_204, %mul3A_203, %dma_start3A_208] : memref<22x1024x512xf32, #tpu.memory_space<hbm>> -> memref<1x32x512xf32, #tpu.memory_space<hbm>>
    %dma_start3A_210 = tpu.memref_squeeze %dma_start3A_209 : memref<1x32x512xf32, #tpu.memory_space<hbm>> -> memref<32x512xf32, #tpu.memory_space<hbm>>
    tpu.enqueue_dma source(%arg5 : memref<32x512xf32, #tpu.memory_space<vmem>>) target(%dma_start3A_210 : memref<32x512xf32, #tpu.memory_space<hbm>>) target_semaphore(%arg6 : memref<!tpu.dma_semaphore, #tpu.memory_space<semaphore_mem>>)
    %mul3A_211 = arith.constant 32 : i32
    %mul3A_212 = arith.muli %add3A, %mul3A_211 : i32
    %dma_start3A_213 = arith.constant 20 : i32
    %dma_start3A_214 = arith.constant 0 : i32
    %dma_start3A_215 = tpu.memref_slice %arg4[%dma_start3A_213, %mul3A_212, %dma_start3A_214] : memref<22x1024x512xf32, #tpu.memory_space<hbm>> -> memref<1x32x512xf32, #tpu.memory_space<hbm>>
    %dma_start3A_216 = tpu.memref_squeeze %dma_start3A_215 : memref<1x32x512xf32, #tpu.memory_space<hbm>> -> memref<32x512xf32, #tpu.memory_space<hbm>>
    %dma_start3A_217 = arith.constant 0 : i32
    %dma_start3A_218 = tpu.memref_slice %arg4[%dma_start3A_213, %mul3A_212, %dma_start3A_217] : memref<22x1024x512xf32, #tpu.memory_space<hbm>> -> memref<1x32x512xf32, #tpu.memory_space<hbm>>
    %dma_start3A_219 = tpu.memref_squeeze %dma_start3A_218 : memref<1x32x512xf32, #tpu.memory_space<hbm>> -> memref<32x512xf32, #tpu.memory_space<hbm>>
    tpu.enqueue_dma source(%arg5 : memref<32x512xf32, #tpu.memory_space<vmem>>) target(%dma_start3A_219 : memref<32x512xf32, #tpu.memory_space<hbm>>) target_semaphore(%arg6 : memref<!tpu.dma_semaphore, #tpu.memory_space<semaphore_mem>>)
    %mul3A_220 = arith.constant 32 : i32
    %mul3A_221 = arith.muli %add3A, %mul3A_220 : i32
    %dma_start3A_222 = arith.constant 21 : i32
    %dma_start3A_223 = arith.constant 0 : i32
    %dma_start3A_224 = tpu.memref_slice %arg4[%dma_start3A_222, %mul3A_221, %dma_start3A_223] : memref<22x1024x512xf32, #tpu.memory_space<hbm>> -> memref<1x32x512xf32, #tpu.memory_space<hbm>>
    %dma_start3A_225 = tpu.memref_squeeze %dma_start3A_224 : memref<1x32x512xf32, #tpu.memory_space<hbm>> -> memref<32x512xf32, #tpu.memory_space<hbm>>
    %dma_start3A_226 = arith.constant 0 : i32
    %dma_start3A_227 = tpu.memref_slice %arg4[%dma_start3A_222, %mul3A_221, %dma_start3A_226] : memref<22x1024x512xf32, #tpu.memory_space<hbm>> -> memref<1x32x512xf32, #tpu.memory_space<hbm>>
    %dma_start3A_228 = tpu.memref_squeeze %dma_start3A_227 : memref<1x32x512xf32, #tpu.memory_space<hbm>> -> memref<32x512xf32, #tpu.memory_space<hbm>>
    tpu.enqueue_dma source(%arg5 : memref<32x512xf32, #tpu.memory_space<vmem>>) target(%dma_start3A_228 : memref<32x512xf32, #tpu.memory_space<hbm>>) target_semaphore(%arg6 : memref<!tpu.dma_semaphore, #tpu.memory_space<semaphore_mem>>)
    %dma_wait3A = arith.constant 0 : i32
    %dma_wait3A_229 = arith.constant 0 : i32
    %dma_wait3A_230 = tpu.memref_slice %arg4[%dma_wait3A, %mul3A_33, %dma_wait3A_229] : memref<22x1024x512xf32, #tpu.memory_space<hbm>> -> memref<1x32x512xf32, #tpu.memory_space<hbm>>
    %dma_wait3A_231 = tpu.memref_squeeze %dma_wait3A_230 : memref<1x32x512xf32, #tpu.memory_space<hbm>> -> memref<32x512xf32, #tpu.memory_space<hbm>>
    %dma_wait3A_232 = arith.constant 0 : i32
    %dma_wait3A_233 = tpu.memref_slice %arg4[%dma_wait3A, %mul3A_33, %dma_wait3A_232] : memref<22x1024x512xf32, #tpu.memory_space<hbm>> -> memref<1x32x512xf32, #tpu.memory_space<hbm>>
    %dma_wait3A_234 = tpu.memref_squeeze %dma_wait3A_233 : memref<1x32x512xf32, #tpu.memory_space<hbm>> -> memref<32x512xf32, #tpu.memory_space<hbm>>
    tpu.wait_dma2 semaphore(%arg6 : memref<!tpu.dma_semaphore, #tpu.memory_space<semaphore_mem>>) src(%arg5 : memref<32x512xf32, #tpu.memory_space<vmem>>) dst(%dma_wait3A_234 : memref<32x512xf32, #tpu.memory_space<hbm>>)
    %dma_wait3A_235 = arith.constant 1 : i32
    %dma_wait3A_236 = arith.constant 0 : i32
    %dma_wait3A_237 = tpu.memref_slice %arg4[%dma_wait3A_235, %mul3A_41, %dma_wait3A_236] : memref<22x1024x512xf32, #tpu.memory_space<hbm>> -> memref<1x32x512xf32, #tpu.memory_space<hbm>>
    %dma_wait3A_238 = tpu.memref_squeeze %dma_wait3A_237 : memref<1x32x512xf32, #tpu.memory_space<hbm>> -> memref<32x512xf32, #tpu.memory_space<hbm>>
    %dma_wait3A_239 = arith.constant 0 : i32
    %dma_wait3A_240 = tpu.memref_slice %arg4[%dma_wait3A_235, %mul3A_41, %dma_wait3A_239] : memref<22x1024x512xf32, #tpu.memory_space<hbm>> -> memref<1x32x512xf32, #tpu.memory_space<hbm>>
    %dma_wait3A_241 = tpu.memref_squeeze %dma_wait3A_240 : memref<1x32x512xf32, #tpu.memory_space<hbm>> -> memref<32x512xf32, #tpu.memory_space<hbm>>
    tpu.wait_dma2 semaphore(%arg6 : memref<!tpu.dma_semaphore, #tpu.memory_space<semaphore_mem>>) src(%arg5 : memref<32x512xf32, #tpu.memory_space<vmem>>) dst(%dma_wait3A_241 : memref<32x512xf32, #tpu.memory_space<hbm>>)
    %dma_wait3A_242 = arith.constant 2 : i32
    %dma_wait3A_243 = arith.constant 0 : i32
    %dma_wait3A_244 = tpu.memref_slice %arg4[%dma_wait3A_242, %mul3A_50, %dma_wait3A_243] : memref<22x1024x512xf32, #tpu.memory_space<hbm>> -> memref<1x32x512xf32, #tpu.memory_space<hbm>>
    %dma_wait3A_245 = tpu.memref_squeeze %dma_wait3A_244 : memref<1x32x512xf32, #tpu.memory_space<hbm>> -> memref<32x512xf32, #tpu.memory_space<hbm>>
    %dma_wait3A_246 = arith.constant 0 : i32
    %dma_wait3A_247 = tpu.memref_slice %arg4[%dma_wait3A_242, %mul3A_50, %dma_wait3A_246] : memref<22x1024x512xf32, #tpu.memory_space<hbm>> -> memref<1x32x512xf32, #tpu.memory_space<hbm>>
    %dma_wait3A_248 = tpu.memref_squeeze %dma_wait3A_247 : memref<1x32x512xf32, #tpu.memory_space<hbm>> -> memref<32x512xf32, #tpu.memory_space<hbm>>
    tpu.wait_dma2 semaphore(%arg6 : memref<!tpu.dma_semaphore, #tpu.memory_space<semaphore_mem>>) src(%arg5 : memref<32x512xf32, #tpu.memory_space<vmem>>) dst(%dma_wait3A_248 : memref<32x512xf32, #tpu.memory_space<hbm>>)
    %dma_wait3A_249 = arith.constant 3 : i32
    %dma_wait3A_250 = arith.constant 0 : i32
    %dma_wait3A_251 = tpu.memref_slice %arg4[%dma_wait3A_249, %mul3A_59, %dma_wait3A_250] : memref<22x1024x512xf32, #tpu.memory_space<hbm>> -> memref<1x32x512xf32, #tpu.memory_space<hbm>>
    %dma_wait3A_252 = tpu.memref_squeeze %dma_wait3A_251 : memref<1x32x512xf32, #tpu.memory_space<hbm>> -> memref<32x512xf32, #tpu.memory_space<hbm>>
    %dma_wait3A_253 = arith.constant 0 : i32
    %dma_wait3A_254 = tpu.memref_slice %arg4[%dma_wait3A_249, %mul3A_59, %dma_wait3A_253] : memref<22x1024x512xf32, #tpu.memory_space<hbm>> -> memref<1x32x512xf32, #tpu.memory_space<hbm>>
    %dma_wait3A_255 = tpu.memref_squeeze %dma_wait3A_254 : memref<1x32x512xf32, #tpu.memory_space<hbm>> -> memref<32x512xf32, #tpu.memory_space<hbm>>
    tpu.wait_dma2 semaphore(%arg6 : memref<!tpu.dma_semaphore, #tpu.memory_space<semaphore_mem>>) src(%arg5 : memref<32x512xf32, #tpu.memory_space<vmem>>) dst(%dma_wait3A_255 : memref<32x512xf32, #tpu.memory_space<hbm>>)
    %dma_wait3A_256 = arith.constant 4 : i32
    %dma_wait3A_257 = arith.constant 0 : i32
    %dma_wait3A_258 = tpu.memref_slice %arg4[%dma_wait3A_256, %mul3A_68, %dma_wait3A_257] : memref<22x1024x512xf32, #tpu.memory_space<hbm>> -> memref<1x32x512xf32, #tpu.memory_space<hbm>>
    %dma_wait3A_259 = tpu.memref_squeeze %dma_wait3A_258 : memref<1x32x512xf32, #tpu.memory_space<hbm>> -> memref<32x512xf32, #tpu.memory_space<hbm>>
    %dma_wait3A_260 = arith.constant 0 : i32
    %dma_wait3A_261 = tpu.memref_slice %arg4[%dma_wait3A_256, %mul3A_68, %dma_wait3A_260] : memref<22x1024x512xf32, #tpu.memory_space<hbm>> -> memref<1x32x512xf32, #tpu.memory_space<hbm>>
    %dma_wait3A_262 = tpu.memref_squeeze %dma_wait3A_261 : memref<1x32x512xf32, #tpu.memory_space<hbm>> -> memref<32x512xf32, #tpu.memory_space<hbm>>
    tpu.wait_dma2 semaphore(%arg6 : memref<!tpu.dma_semaphore, #tpu.memory_space<semaphore_mem>>) src(%arg5 : memref<32x512xf32, #tpu.memory_space<vmem>>) dst(%dma_wait3A_262 : memref<32x512xf32, #tpu.memory_space<hbm>>)
    %dma_wait3A_263 = arith.constant 5 : i32
    %dma_wait3A_264 = arith.constant 0 : i32
    %dma_wait3A_265 = tpu.memref_slice %arg4[%dma_wait3A_263, %mul3A_77, %dma_wait3A_264] : memref<22x1024x512xf32, #tpu.memory_space<hbm>> -> memref<1x32x512xf32, #tpu.memory_space<hbm>>
    %dma_wait3A_266 = tpu.memref_squeeze %dma_wait3A_265 : memref<1x32x512xf32, #tpu.memory_space<hbm>> -> memref<32x512xf32, #tpu.memory_space<hbm>>
    %dma_wait3A_267 = arith.constant 0 : i32
    %dma_wait3A_268 = tpu.memref_slice %arg4[%dma_wait3A_263, %mul3A_77, %dma_wait3A_267] : memref<22x1024x512xf32, #tpu.memory_space<hbm>> -> memref<1x32x512xf32, #tpu.memory_space<hbm>>
    %dma_wait3A_269 = tpu.memref_squeeze %dma_wait3A_268 : memref<1x32x512xf32, #tpu.memory_space<hbm>> -> memref<32x512xf32, #tpu.memory_space<hbm>>
    tpu.wait_dma2 semaphore(%arg6 : memref<!tpu.dma_semaphore, #tpu.memory_space<semaphore_mem>>) src(%arg5 : memref<32x512xf32, #tpu.memory_space<vmem>>) dst(%dma_wait3A_269 : memref<32x512xf32, #tpu.memory_space<hbm>>)
    %dma_wait3A_270 = arith.constant 6 : i32
    %dma_wait3A_271 = arith.constant 0 : i32
    %dma_wait3A_272 = tpu.memref_slice %arg4[%dma_wait3A_270, %mul3A_86, %dma_wait3A_271] : memref<22x1024x512xf32, #tpu.memory_space<hbm>> -> memref<1x32x512xf32, #tpu.memory_space<hbm>>
    %dma_wait3A_273 = tpu.memref_squeeze %dma_wait3A_272 : memref<1x32x512xf32, #tpu.memory_space<hbm>> -> memref<32x512xf32, #tpu.memory_space<hbm>>
    %dma_wait3A_274 = arith.constant 0 : i32
    %dma_wait3A_275 = tpu.memref_slice %arg4[%dma_wait3A_270, %mul3A_86, %dma_wait3A_274] : memref<22x1024x512xf32, #tpu.memory_space<hbm>> -> memref<1x32x512xf32, #tpu.memory_space<hbm>>
    %dma_wait3A_276 = tpu.memref_squeeze %dma_wait3A_275 : memref<1x32x512xf32, #tpu.memory_space<hbm>> -> memref<32x512xf32, #tpu.memory_space<hbm>>
    tpu.wait_dma2 semaphore(%arg6 : memref<!tpu.dma_semaphore, #tpu.memory_space<semaphore_mem>>) src(%arg5 : memref<32x512xf32, #tpu.memory_space<vmem>>) dst(%dma_wait3A_276 : memref<32x512xf32, #tpu.memory_space<hbm>>)
    %dma_wait3A_277 = arith.constant 7 : i32
    %dma_wait3A_278 = arith.constant 0 : i32
    %dma_wait3A_279 = tpu.memref_slice %arg4[%dma_wait3A_277, %mul3A_95, %dma_wait3A_278] : memref<22x1024x512xf32, #tpu.memory_space<hbm>> -> memref<1x32x512xf32, #tpu.memory_space<hbm>>
    %dma_wait3A_280 = tpu.memref_squeeze %dma_wait3A_279 : memref<1x32x512xf32, #tpu.memory_space<hbm>> -> memref<32x512xf32, #tpu.memory_space<hbm>>
    %dma_wait3A_281 = arith.constant 0 : i32
    %dma_wait3A_282 = tpu.memref_slice %arg4[%dma_wait3A_277, %mul3A_95, %dma_wait3A_281] : memref<22x1024x512xf32, #tpu.memory_space<hbm>> -> memref<1x32x512xf32, #tpu.memory_space<hbm>>
    %dma_wait3A_283 = tpu.memref_squeeze %dma_wait3A_282 : memref<1x32x512xf32, #tpu.memory_space<hbm>> -> memref<32x512xf32, #tpu.memory_space<hbm>>
    tpu.wait_dma2 semaphore(%arg6 : memref<!tpu.dma_semaphore, #tpu.memory_space<semaphore_mem>>) src(%arg5 : memref<32x512xf32, #tpu.memory_space<vmem>>) dst(%dma_wait3A_283 : memref<32x512xf32, #tpu.memory_space<hbm>>)
    %dma_wait3A_284 = arith.constant 8 : i32
    %dma_wait3A_285 = arith.constant 0 : i32
    %dma_wait3A_286 = tpu.memref_slice %arg4[%dma_wait3A_284, %mul3A_104, %dma_wait3A_285] : memref<22x1024x512xf32, #tpu.memory_space<hbm>> -> memref<1x32x512xf32, #tpu.memory_space<hbm>>
    %dma_wait3A_287 = tpu.memref_squeeze %dma_wait3A_286 : memref<1x32x512xf32, #tpu.memory_space<hbm>> -> memref<32x512xf32, #tpu.memory_space<hbm>>
    %dma_wait3A_288 = arith.constant 0 : i32
    %dma_wait3A_289 = tpu.memref_slice %arg4[%dma_wait3A_284, %mul3A_104, %dma_wait3A_288] : memref<22x1024x512xf32, #tpu.memory_space<hbm>> -> memref<1x32x512xf32, #tpu.memory_space<hbm>>
    %dma_wait3A_290 = tpu.memref_squeeze %dma_wait3A_289 : memref<1x32x512xf32, #tpu.memory_space<hbm>> -> memref<32x512xf32, #tpu.memory_space<hbm>>
    tpu.wait_dma2 semaphore(%arg6 : memref<!tpu.dma_semaphore, #tpu.memory_space<semaphore_mem>>) src(%arg5 : memref<32x512xf32, #tpu.memory_space<vmem>>) dst(%dma_wait3A_290 : memref<32x512xf32, #tpu.memory_space<hbm>>)
    %dma_wait3A_291 = arith.constant 9 : i32
    %dma_wait3A_292 = arith.constant 0 : i32
    %dma_wait3A_293 = tpu.memref_slice %arg4[%dma_wait3A_291, %mul3A_113, %dma_wait3A_292] : memref<22x1024x512xf32, #tpu.memory_space<hbm>> -> memref<1x32x512xf32, #tpu.memory_space<hbm>>
    %dma_wait3A_294 = tpu.memref_squeeze %dma_wait3A_293 : memref<1x32x512xf32, #tpu.memory_space<hbm>> -> memref<32x512xf32, #tpu.memory_space<hbm>>
    %dma_wait3A_295 = arith.constant 0 : i32
    %dma_wait3A_296 = tpu.memref_slice %arg4[%dma_wait3A_291, %mul3A_113, %dma_wait3A_295] : memref<22x1024x512xf32, #tpu.memory_space<hbm>> -> memref<1x32x512xf32, #tpu.memory_space<hbm>>
    %dma_wait3A_297 = tpu.memref_squeeze %dma_wait3A_296 : memref<1x32x512xf32, #tpu.memory_space<hbm>> -> memref<32x512xf32, #tpu.memory_space<hbm>>
    tpu.wait_dma2 semaphore(%arg6 : memref<!tpu.dma_semaphore, #tpu.memory_space<semaphore_mem>>) src(%arg5 : memref<32x512xf32, #tpu.memory_space<vmem>>) dst(%dma_wait3A_297 : memref<32x512xf32, #tpu.memory_space<hbm>>)
    %dma_wait3A_298 = arith.constant 10 : i32
    %dma_wait3A_299 = arith.constant 0 : i32
    %dma_wait3A_300 = tpu.memref_slice %arg4[%dma_wait3A_298, %mul3A_122, %dma_wait3A_299] : memref<22x1024x512xf32, #tpu.memory_space<hbm>> -> memref<1x32x512xf32, #tpu.memory_space<hbm>>
    %dma_wait3A_301 = tpu.memref_squeeze %dma_wait3A_300 : memref<1x32x512xf32, #tpu.memory_space<hbm>> -> memref<32x512xf32, #tpu.memory_space<hbm>>
    %dma_wait3A_302 = arith.constant 0 : i32
    %dma_wait3A_303 = tpu.memref_slice %arg4[%dma_wait3A_298, %mul3A_122, %dma_wait3A_302] : memref<22x1024x512xf32, #tpu.memory_space<hbm>> -> memref<1x32x512xf32, #tpu.memory_space<hbm>>
    %dma_wait3A_304 = tpu.memref_squeeze %dma_wait3A_303 : memref<1x32x512xf32, #tpu.memory_space<hbm>> -> memref<32x512xf32, #tpu.memory_space<hbm>>
    tpu.wait_dma2 semaphore(%arg6 : memref<!tpu.dma_semaphore, #tpu.memory_space<semaphore_mem>>) src(%arg5 : memref<32x512xf32, #tpu.memory_space<vmem>>) dst(%dma_wait3A_304 : memref<32x512xf32, #tpu.memory_space<hbm>>)
    %dma_wait3A_305 = arith.constant 11 : i32
    %dma_wait3A_306 = arith.constant 0 : i32
    %dma_wait3A_307 = tpu.memref_slice %arg4[%dma_wait3A_305, %mul3A_131, %dma_wait3A_306] : memref<22x1024x512xf32, #tpu.memory_space<hbm>> -> memref<1x32x512xf32, #tpu.memory_space<hbm>>
    %dma_wait3A_308 = tpu.memref_squeeze %dma_wait3A_307 : memref<1x32x512xf32, #tpu.memory_space<hbm>> -> memref<32x512xf32, #tpu.memory_space<hbm>>
    %dma_wait3A_309 = arith.constant 0 : i32
    %dma_wait3A_310 = tpu.memref_slice %arg4[%dma_wait3A_305, %mul3A_131, %dma_wait3A_309] : memref<22x1024x512xf32, #tpu.memory_space<hbm>> -> memref<1x32x512xf32, #tpu.memory_space<hbm>>
    %dma_wait3A_311 = tpu.memref_squeeze %dma_wait3A_310 : memref<1x32x512xf32, #tpu.memory_space<hbm>> -> memref<32x512xf32, #tpu.memory_space<hbm>>
    tpu.wait_dma2 semaphore(%arg6 : memref<!tpu.dma_semaphore, #tpu.memory_space<semaphore_mem>>) src(%arg5 : memref<32x512xf32, #tpu.memory_space<vmem>>) dst(%dma_wait3A_311 : memref<32x512xf32, #tpu.memory_space<hbm>>)
    %dma_wait3A_312 = arith.constant 12 : i32
    %dma_wait3A_313 = arith.constant 0 : i32
    %dma_wait3A_314 = tpu.memref_slice %arg4[%dma_wait3A_312, %mul3A_140, %dma_wait3A_313] : memref<22x1024x512xf32, #tpu.memory_space<hbm>> -> memref<1x32x512xf32, #tpu.memory_space<hbm>>
    %dma_wait3A_315 = tpu.memref_squeeze %dma_wait3A_314 : memref<1x32x512xf32, #tpu.memory_space<hbm>> -> memref<32x512xf32, #tpu.memory_space<hbm>>
    %dma_wait3A_316 = arith.constant 0 : i32
    %dma_wait3A_317 = tpu.memref_slice %arg4[%dma_wait3A_312, %mul3A_140, %dma_wait3A_316] : memref<22x1024x512xf32, #tpu.memory_space<hbm>> -> memref<1x32x512xf32, #tpu.memory_space<hbm>>
    %dma_wait3A_318 = tpu.memref_squeeze %dma_wait3A_317 : memref<1x32x512xf32, #tpu.memory_space<hbm>> -> memref<32x512xf32, #tpu.memory_space<hbm>>
    tpu.wait_dma2 semaphore(%arg6 : memref<!tpu.dma_semaphore, #tpu.memory_space<semaphore_mem>>) src(%arg5 : memref<32x512xf32, #tpu.memory_space<vmem>>) dst(%dma_wait3A_318 : memref<32x512xf32, #tpu.memory_space<hbm>>)
    %dma_wait3A_319 = arith.constant 13 : i32
    %dma_wait3A_320 = arith.constant 0 : i32
    %dma_wait3A_321 = tpu.memref_slice %arg4[%dma_wait3A_319, %mul3A_149, %dma_wait3A_320] : memref<22x1024x512xf32, #tpu.memory_space<hbm>> -> memref<1x32x512xf32, #tpu.memory_space<hbm>>
    %dma_wait3A_322 = tpu.memref_squeeze %dma_wait3A_321 : memref<1x32x512xf32, #tpu.memory_space<hbm>> -> memref<32x512xf32, #tpu.memory_space<hbm>>
    %dma_wait3A_323 = arith.constant 0 : i32
    %dma_wait3A_324 = tpu.memref_slice %arg4[%dma_wait3A_319, %mul3A_149, %dma_wait3A_323] : memref<22x1024x512xf32, #tpu.memory_space<hbm>> -> memref<1x32x512xf32, #tpu.memory_space<hbm>>
    %dma_wait3A_325 = tpu.memref_squeeze %dma_wait3A_324 : memref<1x32x512xf32, #tpu.memory_space<hbm>> -> memref<32x512xf32, #tpu.memory_space<hbm>>
    tpu.wait_dma2 semaphore(%arg6 : memref<!tpu.dma_semaphore, #tpu.memory_space<semaphore_mem>>) src(%arg5 : memref<32x512xf32, #tpu.memory_space<vmem>>) dst(%dma_wait3A_325 : memref<32x512xf32, #tpu.memory_space<hbm>>)
    %dma_wait3A_326 = arith.constant 14 : i32
    %dma_wait3A_327 = arith.constant 0 : i32
    %dma_wait3A_328 = tpu.memref_slice %arg4[%dma_wait3A_326, %mul3A_158, %dma_wait3A_327] : memref<22x1024x512xf32, #tpu.memory_space<hbm>> -> memref<1x32x512xf32, #tpu.memory_space<hbm>>
    %dma_wait3A_329 = tpu.memref_squeeze %dma_wait3A_328 : memref<1x32x512xf32, #tpu.memory_space<hbm>> -> memref<32x512xf32, #tpu.memory_space<hbm>>
    %dma_wait3A_330 = arith.constant 0 : i32
    %dma_wait3A_331 = tpu.memref_slice %arg4[%dma_wait3A_326, %mul3A_158, %dma_wait3A_330] : memref<22x1024x512xf32, #tpu.memory_space<hbm>> -> memref<1x32x512xf32, #tpu.memory_space<hbm>>
    %dma_wait3A_332 = tpu.memref_squeeze %dma_wait3A_331 : memref<1x32x512xf32, #tpu.memory_space<hbm>> -> memref<32x512xf32, #tpu.memory_space<hbm>>
    tpu.wait_dma2 semaphore(%arg6 : memref<!tpu.dma_semaphore, #tpu.memory_space<semaphore_mem>>) src(%arg5 : memref<32x512xf32, #tpu.memory_space<vmem>>) dst(%dma_wait3A_332 : memref<32x512xf32, #tpu.memory_space<hbm>>)
    %dma_wait3A_333 = arith.constant 15 : i32
    %dma_wait3A_334 = arith.constant 0 : i32
    %dma_wait3A_335 = tpu.memref_slice %arg4[%dma_wait3A_333, %mul3A_167, %dma_wait3A_334] : memref<22x1024x512xf32, #tpu.memory_space<hbm>> -> memref<1x32x512xf32, #tpu.memory_space<hbm>>
    %dma_wait3A_336 = tpu.memref_squeeze %dma_wait3A_335 : memref<1x32x512xf32, #tpu.memory_space<hbm>> -> memref<32x512xf32, #tpu.memory_space<hbm>>
    %dma_wait3A_337 = arith.constant 0 : i32
    %dma_wait3A_338 = tpu.memref_slice %arg4[%dma_wait3A_333, %mul3A_167, %dma_wait3A_337] : memref<22x1024x512xf32, #tpu.memory_space<hbm>> -> memref<1x32x512xf32, #tpu.memory_space<hbm>>
    %dma_wait3A_339 = tpu.memref_squeeze %dma_wait3A_338 : memref<1x32x512xf32, #tpu.memory_space<hbm>> -> memref<32x512xf32, #tpu.memory_space<hbm>>
    tpu.wait_dma2 semaphore(%arg6 : memref<!tpu.dma_semaphore, #tpu.memory_space<semaphore_mem>>) src(%arg5 : memref<32x512xf32, #tpu.memory_space<vmem>>) dst(%dma_wait3A_339 : memref<32x512xf32, #tpu.memory_space<hbm>>)
    %dma_wait3A_340 = arith.constant 16 : i32
    %dma_wait3A_341 = arith.constant 0 : i32
    %dma_wait3A_342 = tpu.memref_slice %arg4[%dma_wait3A_340, %mul3A_176, %dma_wait3A_341] : memref<22x1024x512xf32, #tpu.memory_space<hbm>> -> memref<1x32x512xf32, #tpu.memory_space<hbm>>
    %dma_wait3A_343 = tpu.memref_squeeze %dma_wait3A_342 : memref<1x32x512xf32, #tpu.memory_space<hbm>> -> memref<32x512xf32, #tpu.memory_space<hbm>>
    %dma_wait3A_344 = arith.constant 0 : i32
    %dma_wait3A_345 = tpu.memref_slice %arg4[%dma_wait3A_340, %mul3A_176, %dma_wait3A_344] : memref<22x1024x512xf32, #tpu.memory_space<hbm>> -> memref<1x32x512xf32, #tpu.memory_space<hbm>>
    %dma_wait3A_346 = tpu.memref_squeeze %dma_wait3A_345 : memref<1x32x512xf32, #tpu.memory_space<hbm>> -> memref<32x512xf32, #tpu.memory_space<hbm>>
    tpu.wait_dma2 semaphore(%arg6 : memref<!tpu.dma_semaphore, #tpu.memory_space<semaphore_mem>>) src(%arg5 : memref<32x512xf32, #tpu.memory_space<vmem>>) dst(%dma_wait3A_346 : memref<32x512xf32, #tpu.memory_space<hbm>>)
    %dma_wait3A_347 = arith.constant 17 : i32
    %dma_wait3A_348 = arith.constant 0 : i32
    %dma_wait3A_349 = tpu.memref_slice %arg4[%dma_wait3A_347, %mul3A_185, %dma_wait3A_348] : memref<22x1024x512xf32, #tpu.memory_space<hbm>> -> memref<1x32x512xf32, #tpu.memory_space<hbm>>
    %dma_wait3A_350 = tpu.memref_squeeze %dma_wait3A_349 : memref<1x32x512xf32, #tpu.memory_space<hbm>> -> memref<32x512xf32, #tpu.memory_space<hbm>>
    %dma_wait3A_351 = arith.constant 0 : i32
    %dma_wait3A_352 = tpu.memref_slice %arg4[%dma_wait3A_347, %mul3A_185, %dma_wait3A_351] : memref<22x1024x512xf32, #tpu.memory_space<hbm>> -> memref<1x32x512xf32, #tpu.memory_space<hbm>>
    %dma_wait3A_353 = tpu.memref_squeeze %dma_wait3A_352 : memref<1x32x512xf32, #tpu.memory_space<hbm>> -> memref<32x512xf32, #tpu.memory_space<hbm>>
    tpu.wait_dma2 semaphore(%arg6 : memref<!tpu.dma_semaphore, #tpu.memory_space<semaphore_mem>>) src(%arg5 : memref<32x512xf32, #tpu.memory_space<vmem>>) dst(%dma_wait3A_353 : memref<32x512xf32, #tpu.memory_space<hbm>>)
    %dma_wait3A_354 = arith.constant 18 : i32
    %dma_wait3A_355 = arith.constant 0 : i32
    %dma_wait3A_356 = tpu.memref_slice %arg4[%dma_wait3A_354, %mul3A_194, %dma_wait3A_355] : memref<22x1024x512xf32, #tpu.memory_space<hbm>> -> memref<1x32x512xf32, #tpu.memory_space<hbm>>
    %dma_wait3A_357 = tpu.memref_squeeze %dma_wait3A_356 : memref<1x32x512xf32, #tpu.memory_space<hbm>> -> memref<32x512xf32, #tpu.memory_space<hbm>>
    %dma_wait3A_358 = arith.constant 0 : i32
    %dma_wait3A_359 = tpu.memref_slice %arg4[%dma_wait3A_354, %mul3A_194, %dma_wait3A_358] : memref<22x1024x512xf32, #tpu.memory_space<hbm>> -> memref<1x32x512xf32, #tpu.memory_space<hbm>>
    %dma_wait3A_360 = tpu.memref_squeeze %dma_wait3A_359 : memref<1x32x512xf32, #tpu.memory_space<hbm>> -> memref<32x512xf32, #tpu.memory_space<hbm>>
    tpu.wait_dma2 semaphore(%arg6 : memref<!tpu.dma_semaphore, #tpu.memory_space<semaphore_mem>>) src(%arg5 : memref<32x512xf32, #tpu.memory_space<vmem>>) dst(%dma_wait3A_360 : memref<32x512xf32, #tpu.memory_space<hbm>>)
    %dma_wait3A_361 = arith.constant 19 : i32
    %dma_wait3A_362 = arith.constant 0 : i32
    %dma_wait3A_363 = tpu.memref_slice %arg4[%dma_wait3A_361, %mul3A_203, %dma_wait3A_362] : memref<22x1024x512xf32, #tpu.memory_space<hbm>> -> memref<1x32x512xf32, #tpu.memory_space<hbm>>
    %dma_wait3A_364 = tpu.memref_squeeze %dma_wait3A_363 : memref<1x32x512xf32, #tpu.memory_space<hbm>> -> memref<32x512xf32, #tpu.memory_space<hbm>>
    %dma_wait3A_365 = arith.constant 0 : i32
    %dma_wait3A_366 = tpu.memref_slice %arg4[%dma_wait3A_361, %mul3A_203, %dma_wait3A_365] : memref<22x1024x512xf32, #tpu.memory_space<hbm>> -> memref<1x32x512xf32, #tpu.memory_space<hbm>>
    %dma_wait3A_367 = tpu.memref_squeeze %dma_wait3A_366 : memref<1x32x512xf32, #tpu.memory_space<hbm>> -> memref<32x512xf32, #tpu.memory_space<hbm>>
    tpu.wait_dma2 semaphore(%arg6 : memref<!tpu.dma_semaphore, #tpu.memory_space<semaphore_mem>>) src(%arg5 : memref<32x512xf32, #tpu.memory_space<vmem>>) dst(%dma_wait3A_367 : memref<32x512xf32, #tpu.memory_space<hbm>>)
    %dma_wait3A_368 = arith.constant 20 : i32
    %dma_wait3A_369 = arith.constant 0 : i32
    %dma_wait3A_370 = tpu.memref_slice %arg4[%dma_wait3A_368, %mul3A_212, %dma_wait3A_369] : memref<22x1024x512xf32, #tpu.memory_space<hbm>> -> memref<1x32x512xf32, #tpu.memory_space<hbm>>
    %dma_wait3A_371 = tpu.memref_squeeze %dma_wait3A_370 : memref<1x32x512xf32, #tpu.memory_space<hbm>> -> memref<32x512xf32, #tpu.memory_space<hbm>>
    %dma_wait3A_372 = arith.constant 0 : i32
    %dma_wait3A_373 = tpu.memref_slice %arg4[%dma_wait3A_368, %mul3A_212, %dma_wait3A_372] : memref<22x1024x512xf32, #tpu.memory_space<hbm>> -> memref<1x32x512xf32, #tpu.memory_space<hbm>>
    %dma_wait3A_374 = tpu.memref_squeeze %dma_wait3A_373 : memref<1x32x512xf32, #tpu.memory_space<hbm>> -> memref<32x512xf32, #tpu.memory_space<hbm>>
    tpu.wait_dma2 semaphore(%arg6 : memref<!tpu.dma_semaphore, #tpu.memory_space<semaphore_mem>>) src(%arg5 : memref<32x512xf32, #tpu.memory_space<vmem>>) dst(%dma_wait3A_374 : memref<32x512xf32, #tpu.memory_space<hbm>>)
    %dma_wait3A_375 = arith.constant 21 : i32
    %dma_wait3A_376 = arith.constant 0 : i32
    %dma_wait3A_377 = tpu.memref_slice %arg4[%dma_wait3A_375, %mul3A_221, %dma_wait3A_376] : memref<22x1024x512xf32, #tpu.memory_space<hbm>> -> memref<1x32x512xf32, #tpu.memory_space<hbm>>
    %dma_wait3A_378 = tpu.memref_squeeze %dma_wait3A_377 : memref<1x32x512xf32, #tpu.memory_space<hbm>> -> memref<32x512xf32, #tpu.memory_space<hbm>>
    %dma_wait3A_379 = arith.constant 0 : i32
    %dma_wait3A_380 = tpu.memref_slice %arg4[%dma_wait3A_375, %mul3A_221, %dma_wait3A_379] : memref<22x1024x512xf32, #tpu.memory_space<hbm>> -> memref<1x32x512xf32, #tpu.memory_space<hbm>>
    %dma_wait3A_381 = tpu.memref_squeeze %dma_wait3A_380 : memref<1x32x512xf32, #tpu.memory_space<hbm>> -> memref<32x512xf32, #tpu.memory_space<hbm>>
    tpu.wait_dma2 semaphore(%arg6 : memref<!tpu.dma_semaphore, #tpu.memory_space<semaphore_mem>>) src(%arg5 : memref<32x512xf32, #tpu.memory_space<vmem>>) dst(%dma_wait3A_381 : memref<32x512xf32, #tpu.memory_space<hbm>>)
    return
  }
}

module attributes {stable_mosaic.version = 14 : i64} {
  func.func @_tc_body(%arg0: i32, %arg1: memref<50x256xf32, #tpu.memory_space<vmem>>, %arg2: memref<50x256xf32, #tpu.memory_space<vmem>>, %arg3: memref<2x1024x512xf32, #tpu.memory_space<vmem>>) attributes {dimension_semantics = [#tpu.dimension_semantics<arbitrary>], iteration_bounds = array<i64: 21>, scalar_prefetch = 0 : i64, scratch_operands = 0 : i64, tpu.core_type = #tpu.core_type<tc>, window_params = [{pipeline_mode = #tpu.pipeline_mode<synchronous>, transform_indices = @transform_0, window_bounds = array<i64: 50, 256>}, {pipeline_mode = #tpu.pipeline_mode<synchronous>, transform_indices = @transform_1, window_bounds = array<i64: 50, 256>}, {transform_indices = @transform_2, window_bounds = array<i64: 2, 1024, 512>}]} {
    %get3A = arith.constant 0 : index
    %get3A_0 = arith.constant 0 : index
    %get3A_1 = vector.load %arg2[%get3A, %get3A_0] : memref<50x256xf32, #tpu.memory_space<vmem>>, vector<32x256xf32>
    %get3A_2 = arith.constant 0 : index
    %get3A_3 = arith.constant 0 : index
    %get3A_4 = vector.load %arg1[%get3A_2, %get3A_3] : memref<50x256xf32, #tpu.memory_space<vmem>>, vector<32x256xf32>
    %broadcast_in_dim3A = vector.shape_cast %get3A_1 : vector<32x256xf32> to vector<1x32x256xf32>
    %broadcast_in_dim3A_5 = vector.shape_cast %broadcast_in_dim3A : vector<1x32x256xf32> to vector<1x32x256xf32>
    %broadcast_in_dim3A_6 = vector.broadcast %broadcast_in_dim3A_5 : vector<1x32x256xf32> to vector<32x32x256xf32>
    %reshape3A = vector.shape_cast %broadcast_in_dim3A_6 : vector<32x32x256xf32> to vector<1024x256xf32>
    %broadcast_in_dim3A_7 = vector.shape_cast %get3A_4 : vector<32x256xf32> to vector<32x1x256xf32>
    %broadcast_in_dim3A_8 = vector.shape_cast %broadcast_in_dim3A_7 : vector<32x1x256xf32> to vector<32x1x256xf32>
    %broadcast_in_dim3A_9 = vector.broadcast %broadcast_in_dim3A_8 : vector<32x1x256xf32> to vector<32x32x256xf32>
    %reshape3A_10 = vector.shape_cast %broadcast_in_dim3A_9 : vector<32x32x256xf32> to vector<1024x256xf32>
    %concatenate3A = tpu.concatenate %reshape3A, %reshape3A_10 in 1 : vector<1024x256xf32>, vector<1024x256xf32> -> vector<1024x512xf32>
    %broadcast_in_dim3A_11 = vector.shape_cast %concatenate3A : vector<1024x512xf32> to vector<1x1024x512xf32>
    %broadcast_in_dim3A_12 = vector.shape_cast %broadcast_in_dim3A_11 : vector<1x1024x512xf32> to vector<1x1024x512xf32>
    %broadcast_in_dim3A_13 = vector.broadcast %broadcast_in_dim3A_12 : vector<1x1024x512xf32> to vector<2x1024x512xf32>
    %swap3A = arith.constant 0 : index
    %swap3A_14 = arith.constant 0 : index
    %swap3A_15 = arith.constant 0 : index
    %swap3A_16 = vector.load %arg3[%swap3A, %swap3A_14, %swap3A_15] : memref<2x1024x512xf32, #tpu.memory_space<vmem>>, vector<2x1024x512xf32>
    tpu.vector_store %arg3[%swap3A, %swap3A_14, %swap3A_15], %broadcast_in_dim3A_13 {strides = array<i32>} : memref<2x1024x512xf32, #tpu.memory_space<vmem>>, vector<2x1024x512xf32>,
    return
  }
  func.func @transform_0(%arg0: i32) -> (i32, i32) {
    %c0_i32 = arith.constant 0 : i32
    %c0_i32_0 = arith.constant 0 : i32
    %c0_i32_1 = arith.constant 0 : i32
    return %c0_i32, %c0_i32_0 : i32, i32
  }
  func.func @transform_1(%arg0: i32) -> (i32, i32) {
    %c0_i32 = arith.constant 0 : i32
    %c0_i32_0 = arith.constant 0 : i32
    %c0_i32_1 = arith.constant 0 : i32
    return %c0_i32, %c0_i32_0 : i32, i32
  }
  func.func @transform_2(%arg0: i32) -> (i32, i32, i32) {
    %c0_i32 = arith.constant 0 : i32
    %c0_i32_0 = arith.constant 0 : i32
    %c0_i32_1 = arith.constant 0 : i32
    return %arg0, %c0_i32, %c0_i32_0 : i32, i32, i32
  }
}

</mosaic_0001>

<sc_bundles>
// kernel: kernel.4.cloned.1.call-start
scs
__scs_entry_jumppad:
0x0: {  	(pc) =	sbr.rel $0x88, $3  }
0x1: {  	(tag) =	ssettag $0x0;
	lr =	simm.s32 $0x1  }
0x2: {  	[smem:$0x3F9F] =	sst lr;
	_ =	strace $0xD0000000  }
0x3: {  	_ = 	snop  }
0x4: {  	_ = 	snop  }
0x5: {  	_ = 	snop  }
0x6: {  	_ = 	snop  }
0x7: {  	_ = 	snop  }
__scs_overlays_trampoline_lowered:
0x8: {  	[smem:$0x3FAE] =	sst s0  }
0x9: {  	[smem:$0x3FAF] =	sst s1  }
0xa: {  	[smem:$0x3FB0] =	sst s2  }
0xb: {  	[smem:$0x3FB1] =	sst s3  }
0xc: {  	[smem:$0x3FB2] =	sst s4  }
0xd: {  	[smem:$0x3FB3] =	sst s5  }
0xe: {  	[smem:$0x3FB4] =	sst s6  }
0xf: {  	[smem:$0x3FB5] =	sst s7  }
0x10: {  	[smem:$0x3FB6] =	sst s8  }
0x11: {  	[smem:$0x3FB7] =	sst s9;
	s0 =	simm.s32 @!p0 $0x0  }
0x12: {  	s1 =	sld [smem:$0x3F9D];
	s0 =	simm.s32 @p0 $0x1  }
0x13: {  	[smem:$0x3FB8] =	sst s0;
	s0 =	simm.s32 @!p1 $0x0  }
0x14: {  	s2 =	sld [smem:$0x3F9C];
	s0 =	simm.s32 @p1 $0x1  }
0x15: {  	[smem:$0x3FB9] =	sst s0;
	s0 =	simm.s32 @!p2 $0x0  }
0x16: {  	s3 =	sld [smem:$0x3FDB];
	s0 =	simm.s32 @p2 $0x1  }
0x17: {  	s4 =	simm.s32 $0x1BF5;
	[smem:$0x3FBB] =	sst s0  }
0x18: {  	s0 =	sld [smem:$0x3F9E];
	_ =	swait.ge [sflag:s4], $0x0  }
0x19: {  	s7 =	sld [smem:$0x3F9F]  }
0x1a: {  	s8 =	sadd.s32 $0xFFFFE003, lr  }
0x1b: {  	s9 =	sadd.s32 $0xFFFFFEF7, lr;
	s5 =	simm.s32 $0xFFFFFFFF;
	p2 =	slt.u32 s8, $0xFFFFF086  }
0x1c: {  	p1 =	slt.u32 s9, $0xF7A;
	s5 =	simm.s32 @!p2 $0x0  }
0x1d: {  	s5 =	simm.s32 @p1 $0x1;
	p0 =	seq.s32 s7, s2  }
0x1e: {  	s7 =	smul.u32 @!p0 $0xF7A, s2;
	p2 =	seq.s32 @!p0 s5, $0x0  }
0x1f: {  	s9 =	smul.u32 $0xF7A, s1;
	s8 =	simm.s32 @!p0 $0x1BF5;
	p2 =	por !p2, p0  }
0x20: {  	[sflag:s8] =	ssyncset.s32 @!p0 $0xFFFFF086;
	s6 =	sadd.s32 @!p0 s3, s7;
	s7 =	simm.s32 @!p0 $0x108  }
0x21: {  	s3 =	sadd.s32 s3, s9;
	s6 =	sadd.s32 @!p0 $0x88, s6;
	s7 =	simm.s32 @p2 $0x1082  }
0x22: {  	[simem:s7], [sflag:s8] =	dma.local @!p0 [hbm:s6], $0xF7A  }
0x23: {  	s9 =	sor.u32 $0xD0000000, s2;
	s6 =	simm.s32 $0x108;
	_ =	swait.ge @!p0 [sflag:s8], $0x0  }
0x24: {  	s3 =	sadd.s32 $0x88, s3;
	s6 =	simm.s32 @!p1 $0x1082;
	[sflag:s4] =	ssyncset.s32 $0xFFFFF086  }
0x25: {  	[simem:s6], [sflag:s4] =	dma.local [hbm:s3], $0xF7A  }
0x26: {  	[smem:$0x3F9F] =	sst s1;
	(tag) =	ssettag s2;
	_ =	strace s9  }
0x27: {  	s1 =	sld [smem:$0x3FAF]  }
0x28: {  	s2 =	sld [smem:$0x3FB0]  }
0x29: {  	s4 =	sld [smem:$0x3FB2]  }
0x2a: {  	p0 =	seq.s32 s5, $0x0;
	s5 =	sld [smem:$0x3FB3]  }
0x2b: {  	s6 =	sld [smem:$0x3FB4]  }
0x2c: {  	s7 =	sld [smem:$0x3FB5]  }
0x2d: {  	s3 =	simm.s32 $0x108;
	s8 =	sld [smem:$0x3FB6]  }
0x2e: {  	s3 =	simm.s32 @!p0 $0x1082;
	s9 =	sld [smem:$0x3FB7]  }
0x2f: {  	lr =	sadd.s32 s0, s3;
	s0 =	sld [smem:$0x3FAE]  }
0x30: {  	s3 =	sld [smem:$0x3FB1]  }
0x31: {  	[smem:$0x3FBA] =	sst s10  }
0x32: {  	s10 =	sld [smem:$0x3FB8];
	_ =	sdelay $0x3  }
0x33: {  	p0 =	seq.s32 s10, $0x1;
	s10 =	sld [smem:$0x3FBA];
	_ =	sdelay $0x3  }
0x34: {  	[smem:$0x3FBA] =	sst s10  }
0x35: {  	s10 =	sld [smem:$0x3FB9];
	_ =	sdelay $0x3  }
0x36: {  	p1 =	seq.s32 s10, $0x1;
	s10 =	sld [smem:$0x3FBA];
	_ =	sdelay $0x3  }
0x37: {  	[smem:$0x3FBA] =	sst s10  }
0x38: {  	s10 =	sld [smem:$0x3FBB]  }
0x39: {  	_ = 	snop;
	(pc) =	sbr.ind lr, $3  }
0x3a: {  	_ = 	snop  }
0x3b: {  	_ = 	snop  }
0x3c: {  	p2 =	seq.s32 s10, $0x1;
	s10 =	sld [smem:$0x3FBA]  }
0x3d: {  	_ =	shalt  }
0x3e: {  	_ =	shalt  }
0x3f: {  	_ =	shalt  }
0x40: {  	_ =	shalt  }
0x41: {  	_ =	shalt  }
0x42: {  	_ =	shalt  }
0x43: {  	_ =	shalt  }
0x44: {  	_ =	shalt  }
0x45: {  	_ =	shalt  }
0x46: {  	_ =	shalt  }
0x47: {  	_ =	shalt  }
0x48: {  	_ =	shalt  }
0x49: {  	_ =	shalt  }
0x4a: {  	_ =	shalt  }
0x4b: {  	_ =	shalt  }
0x4c: {  	_ =	shalt  }
0x4d: {  	_ =	shalt  }
0x4e: {  	_ =	shalt  }
0x4f: {  	_ =	shalt  }
0x50: {  	_ =	shalt  }
0x51: {  	_ =	shalt  }
0x52: {  	_ =	shalt  }
0x53: {  	_ =	shalt  }
0x54: {  	_ =	shalt  }
0x55: {  	_ =	shalt  }
0x56: {  	_ =	shalt  }
0x57: {  	_ =	shalt  }
0x58: {  	_ =	shalt  }
0x59: {  	_ =	shalt  }
0x5a: {  	_ =	shalt  }
0x5b: {  	_ =	shalt  }
0x5c: {  	_ =	shalt  }
0x5d: {  	_ =	shalt  }
0x5e: {  	_ =	shalt  }
0x5f: {  	_ =	shalt  }
0x60: {  	_ =	shalt  }
0x61: {  	_ =	shalt  }
0x62: {  	_ =	shalt  }
0x63: {  	_ =	shalt  }
0x64: {  	_ =	shalt  }
0x65: {  	_ =	shalt  }
0x66: {  	_ =	shalt  }
0x67: {  	_ =	shalt  }
0x68: {  	_ =	shalt  }
0x69: {  	_ =	shalt  }
0x6a: {  	_ =	shalt  }
0x6b: {  	_ =	shalt  }
0x6c: {  	_ =	shalt  }
0x6d: {  	_ =	shalt  }
0x6e: {  	_ =	shalt  }
0x6f: {  	_ =	shalt  }
0x70: {  	_ =	shalt  }
0x71: {  	_ =	shalt  }
0x72: {  	_ =	shalt  }
0x73: {  	_ =	shalt  }
0x74: {  	_ =	shalt  }
0x75: {  	_ =	shalt  }
0x76: {  	_ =	shalt  }
0x77: {  	_ =	shalt  }
0x78: {  	_ =	shalt  }
0x79: {  	_ =	shalt  }
0x7a: {  	_ =	shalt  }
0x7b: {  	_ =	shalt  }
0x7c: {  	_ =	shalt  }
0x7d: {  	_ =	shalt  }
0x7e: {  	_ =	shalt  }
0x7f: {  	_ =	shalt  }
0x80: {  	_ =	shalt  }
0x81: {  	_ =	shalt  }
0x82: {  	_ =	shalt  }
0x83: {  	_ =	shalt  }
0x84: {  	_ =	shalt  }
0x85: {  	_ =	shalt  }
0x86: {  	_ =	shalt  }
0x87: {  	_ =	shalt  }
.Lfunc_end0:
.L_simem_size_0:
called_computation_lowered:
.L_overlay_start_0:
0x88: {  	s2 =	sld [smem:$0x3FD9]  }
0x89: {  	s3 =	sld [smem:$0x3FFE];
	_ =	sdelay $0x1  }
0x8a: {  	s1 =	srdreg.scid  }
0x8b: {  	s0 =	sand.u32 $0x1, s1  }
0x8c: {  	s17 =	sshll.u32 s0, $0xA;
	s2 =	sadd.s32 s3, s2  }
0x8d: {  	s2 =	sadd.s32 s2, s17  }
0x8e: {  	[smem:$0x3FC6] =	sst s2  }
0x8f: {  	_ = 	snop  }
0x90: {  	s2 =	sld [smem:$0x3FC9]  }
0x91: {  	s18 =	sld [smem:$0x3FC8];
	(tm) =	ssettm $0x1  }
0x92: {  	s4 =	sld [smem:$0x3FFB];
	_ =	sdelay $0x3  }
0x93: {  	_ =	strace s4  }
0x94: {  	s4 =	sld [smem:$0x3FFC];
	_ =	sdelay $0x3  }
0x95: {  	_ =	strace s4  }
0x96: {  	s4 =	sld [smem:$0x3FFD];
	_ =	sdelay $0x3  }
0x97: {  	_ =	strace s4  }
0x98: {  	_ =	strace $0x8FFFFFFF  }
0x99: {  	s19 =	sld [smem:$0x3FDB];
	_ =	sdelay $0x1  }
0x9a: {  	s5 =	simm.s32 $_scs_section_size  }
0x9b: {  	s6 =	simm.s32 $_size__tile_overlayer_lowered;
	s7 =	simm.s32 $_tile_overlayer_lowered  }
0x9c: {  	s22 =	simm.s32 $0x1BFF;
	s21 =	sshll.u32 s7, $0x1;
	s4 =	sadd.s32 s5, s19  }
0x9d: {  	s8 =	simm.s32 $0x0;
	s20 =	sshll.u32 s6, $0x1;
	s6 =	sadd.s32 s21, s4  }
0x9e: {  	[timem:s8], [sflag:s22] =	dma.local [hbm:s6], s20  }
0x9f: {  	_ =	swait.ge [sflag:s22], s20  }
0xa0: {  	s5 =	ssub.s32 $0x0, s20;
	[sflag:s22] =	ssyncset.done $0x0  }
0xa1: {  	[sflag:s22] =	ssyncadd.s32 s5;
	_ =	sdelay $0x1  }
0xa2: {  	s23 =	simm.s32 $0x1B8B  }
0xa3: {  	_ =	swait.ge [sflag:s23], $0x1  }
0xa4: {  	[sflag:s23] =	ssyncset.done $0x0  }
0xa5: {  	s25 =	simm.s32 $0x1B8E;
	s24 =	sld [smem:$0x3FFE];
	[sflag:s23] =	ssyncadd.s32 $0xFFFFFFFF  }
0xa6: {  	s26 =	simm.s32 $execute0_lowered;
	[smem:$0x3FD2] =	sst s25  }
0xa7: {  	s6 =	sshll.u32 s26, $0x1;
	_ =	strace $0x80000046;
	[dreg:$0x1] =	wrdreg $0xFFFFFFFF  }
0xa8: {  	s28 =	simm.s32 $_size_execute0_lowered;
	s4 =	sadd.s32 s4, s6;
	[dreg:$0x0] =	wrdreg $0x0  }
0xa9: {  	s6 =	sshll.u32 s28, $0x1;
	[dreg:$0x2] =	wrdreg s4  }
0xaa: {  	[dreg:$0x3] =	wrdreg s6  }
0xab: {  	[dreg:$0x4] =	wrdreg $0xC0  }
0xac: {  	_ =	task [dreg:s8], $0x5FFFF  }
0xad: {  	[dreg:$0x1] =	wrdreg $0xFFFFFFFF  }
0xae: {  	[dreg:$0x0] =	wrdreg $0x60  }
0xaf: {  	[dreg:$0x2] =	wrdreg s2  }
0xb0: {  	[dreg:$0x3] =	wrdreg s18  }
0xb1: {  	[dreg:$0x4] =	wrdreg s24  }
0xb2: {  	[dreg:$0x5] =	wrdreg $0x9  }
0xb3: {  	_ =	task.clear_ibuf [dreg:s8], $0x6FFFF;
	_ =	strace $0x90000046  }
0xb4: {  	s29 =	simm.s32 $0x9;
	_ =	strace $0x80000048  }
0xb5: {  	_ =	swait.ge [sflag:s29], $0x1  }
0xb6: {  	[sflag:s29] =	ssyncadd.s32 $0xFFFFFFFF  }
0xb7: {  	_ =	strace $0x90000048  }
0xb8: {  	_ =	sfence  }
0xb9: {  	s30 =	sld [smem:$0x0];
	_ =	sdelay $0x2  }
0xba: {  	s31 =	sshll.u32 s1, $0xD;
	s1 =	sshrl.u32 s1, $0x2  }
0xbb: {  	s3 =	sand.u32 $0x4000, s31;
	s1 =	sadd.s32 s1, s30  }
0xbc: {  	s0 =	sor.u32 s3, s0;
	s1 =	sshll.u32 s1, $0x11  }
0xbd: {  	s0 =	sor.u32 s1, s0  }
0xbe: {  	s0 =	sadd.s32 $0x8F2B, s0  }
0xbf: {  	[sflag:s0] =	ssyncadd.remote.s32 $0x1  }
0xc0: {  	_ =	sfence.sel $0xFFFF  }
0xc1: {  	[dreg:$0x0] =	wrdreg $0xFFFFFFFF;
	(pc) =	sbr.abs _section_cstart, $3  }
0xc2: {  	[dreg:$0x1] =	wrdreg $0xFFFFFFFF  }
0xc3: {  	_ =	task.clear_ibuf [dreg:s8], $0x2FFFF;
	_ =	strace $0x9FFFFFFF  }
0xc4: {  	(tm) =	ssettm $0x7FFFFFFF  }
0xc5: {  	_ =	shalt  }
tec
execute0_lowered:
.L_overlay_start_1:
0x0: {  	(tag) =	ssettag $0x1  }
0x1: {  	s1 =	srdreg.scid;
	s0 =	stileid.u32  }
0x2: {  	s1 =	sand.u32 $0x1, s1;
	s3 =	sshll.u32 s0, $0x1  }
0x3: {  	s5 =	rddreg [dreg:$0x0];
	s6 =	sor.u32 s1, s3  }
0x4: {  	s4 =	rddreg [dreg:$0x2];
	s3 =	simm.s32 $0x0;
	s7 =	sshll.u32 s6, $0xB  }
0x5: {  	[smem:$0x7FF] =	sst s3;
	s4 =	sadd.s32 s7, s4  }
0x6: {  	s2 =	rddreg [dreg:$0x1];
	_ =	strace $0x80000047;
	s7 =	sadd.s32 $0x800, s4  }
0x7: {  	[tilespmem:s3], [sflag:$0x2] =	stream.linear.gather [hbm4b:s2+s3], $0x800, $0x38;
	[tilespmem:$0x4000] =	vst v63  }
0x8: {  	s11 =	sadd.s32 $0x10800, s4;
	[dreg:$0x4] =	wrdreg s7  }
0x9: {  	s12 =	sadd.s32 $0x20800, s4;
	[dreg:$0x5] =	wrdreg s11  }
0xa: {  	s13 =	sadd.s32 $0x30800, s4;
	[dreg:$0x6] =	wrdreg s12  }
0xb: {  	s14 =	sadd.s32 $0x40800, s4;
	[dreg:$0x7] =	wrdreg s13  }
0xc: {  	s15 =	sadd.s32 $0x50800, s4;
	[dreg:$0x8] =	wrdreg s14  }
0xd: {  	s16 =	sadd.s32 $0x60800, s4;
	[dreg:$0x9] =	wrdreg s15  }
0xe: {  	s17 =	sadd.s32 $0x70800, s4;
	[dreg:$0xa] =	wrdreg s16  }
0xf: {  	s18 =	sadd.s32 $0x80800, s4;
	[dreg:$0xb] =	wrdreg s17  }
0x10: {  	s19 =	sadd.s32 $0x90800, s4;
	[dreg:$0xc] =	wrdreg s18  }
0x11: {  	s20 =	sadd.s32 $0xA0800, s4;
	[dreg:$0xd] =	wrdreg s19  }
0x12: {  	s21 =	sadd.s32 $0xB0800, s4;
	[dreg:$0xe] =	wrdreg s20  }
0x13: {  	s22 =	sadd.s32 $0xC0800, s4;
	[dreg:$0xf] =	wrdreg s21  }
0x14: {  	s23 =	sadd.s32 $0xD0800, s4;
	[dreg:$0x10] =	wrdreg s22  }
0x15: {  	s24 =	sadd.s32 $0xE0800, s4;
	[dreg:$0x11] =	wrdreg s23  }
0x16: {  	s25 =	sadd.s32 $0xF0800, s4;
	[dreg:$0x12] =	wrdreg s24  }
0x17: {  	s26 =	sadd.s32 $0x100800, s4;
	[dreg:$0x13] =	wrdreg s25  }
0x18: {  	s8 =	sadd.s32 $0x110800, s4;
	[dreg:$0x14] =	wrdreg s26  }
0x19: {  	s9 =	sadd.s32 $0x120800, s4;
	[dreg:$0x15] =	wrdreg s8  }
0x1a: {  	s10 =	sadd.s32 $0x130800, s4;
	[dreg:$0x16] =	wrdreg s9  }
0x1b: {  	[dreg:$0x17] =	wrdreg s10;
	s11 =	sadd.s32 $0x140800, s4  }
0x1c: {  	s4 =	sadd.s32 $0x150800, s4;
	[dreg:$0x18] =	wrdreg s11  }
0x1d: {  	s12 =	sadd.s32 $0x100, s2;
	[dreg:$0x19] =	wrdreg s4  }
0x1e: {  	s13 =	sadd.s32 $0x200, s2;
	[dreg:$0x1a] =	wrdreg s12  }
0x1f: {  	s14 =	sadd.s32 $0x300, s2;
	[dreg:$0x1b] =	wrdreg s13  }
0x20: {  	s15 =	simm.s32 $0x1000;
	[dreg:$0x1c] =	wrdreg s14  }
0x21: {  	s16 =	simm.s32 $0x2000;
	[dreg:$0x1d] =	wrdreg s15  }
0x22: {  	s17 =	simm.s32 $0x3000;
	[dreg:$0x1e] =	wrdreg s16  }
0x23: {  	s18 =	simm.s32 $0x800;
	[dreg:$0x1f] =	wrdreg s17  }
0x24: {  	s19 =	simm.s32 $0xC00;
	[smem:$0x7D5] =	sst s18  }
0x25: {  	s20 =	simm.s32 $0x880;
	[smem:$0x7D6] =	sst s19  }
0x26: {  	s21 =	simm.s32 $0xC80;
	[smem:$0x7D7] =	sst s20  }
0x27: {  	s22 =	simm.s32 $0x900;
	[smem:$0x7D8] =	sst s21  }
0x28: {  	s23 =	simm.s32 $0xD00;
	[smem:$0x7D9] =	sst s22  }
0x29: {  	s24 =	simm.s32 $0x980;
	[smem:$0x7DA] =	sst s23  }
0x2a: {  	s25 =	simm.s32 $0xD80;
	[smem:$0x7DB] =	sst s24  }
0x2b: {  	s26 =	simm.s32 $0xA00;
	[smem:$0x7DC] =	sst s25  }
0x2c: {  	s7 =	simm.s32 $0xE00;
	[smem:$0x7DD] =	sst s26  }
0x2d: {  	s8 =	simm.s32 $0xA80;
	[smem:$0x7DE] =	sst s7  }
0x2e: {  	s9 =	simm.s32 $0xE80;
	[smem:$0x7DF] =	sst s8  }
0x2f: {  	s10 =	simm.s32 $0xB00;
	[smem:$0x7E0] =	sst s9  }
0x30: {  	[smem:$0x7E1] =	sst s10;
	s11 =	simm.s32 $0xF00  }
0x31: {  	s12 =	simm.s32 $0xB80;
	[smem:$0x7E2] =	sst s11  }
0x32: {  	s13 =	simm.s32 $0xF80;
	[smem:$0x7E3] =	sst s12  }
0x33: {  	s14 =	simm.s32 $0x1800;
	[smem:$0x7E4] =	sst s13  }
0x34: {  	s15 =	simm.s32 $0x1C00;
	[smem:$0x7E5] =	sst s14  }
0x35: {  	s16 =	simm.s32 $0x1880;
	[smem:$0x7E6] =	sst s15  }
0x36: {  	s17 =	simm.s32 $0x1C80;
	[smem:$0x7E7] =	sst s16  }
0x37: {  	s18 =	simm.s32 $0x1900;
	[smem:$0x7E8] =	sst s17  }
0x38: {  	s19 =	simm.s32 $0x1D00;
	[smem:$0x7E9] =	sst s18  }
0x39: {  	s20 =	simm.s32 $0x1980;
	[smem:$0x7EA] =	sst s19  }
0x3a: {  	s21 =	simm.s32 $0x1D80;
	[smem:$0x7EB] =	sst s20  }
0x3b: {  	s22 =	simm.s32 $0x1A00;
	[smem:$0x7EC] =	sst s21  }
0x3c: {  	s23 =	simm.s32 $0x1E00;
	[smem:$0x7ED] =	sst s22  }
0x3d: {  	s24 =	simm.s32 $0x1A80;
	[smem:$0x7EE] =	sst s23  }
0x3e: {  	s25 =	simm.s32 $0x1E80;
	[smem:$0x7EF] =	sst s24  }
0x3f: {  	s26 =	simm.s32 $0x1B00;
	[smem:$0x7F0] =	sst s25  }
0x40: {  	s7 =	simm.s32 $0x1F00;
	[smem:$0x7F1] =	sst s26  }
0x41: {  	s8 =	simm.s32 $0x1B80;
	[smem:$0x7F2] =	sst s7  }
0x42: {  	s9 =	simm.s32 $0x1F80;
	[smem:$0x7F3] =	sst s8  }
0x43: {  	s10 =	simm.s32 $0x2800;
	[smem:$0x7F4] =	sst s9  }
0x44: {  	[smem:$0x7F5] =	sst s10  }
0x45: {  	s18 =	rddreg [dreg:$0x1e]  }
0x46: {  	s19 =	rddreg [dreg:$0x1a]  }
0x47: {  	s8 =	rddreg [dreg:$0x1d]  }
0x48: {  	s9 =	rddreg [dreg:$0x1b]  }
0x49: {  	s10 =	rddreg [dreg:$0x1f]  }
0x4a: {  	s11 =	simm.s32 $0x2C00;
	s21 =	rddreg [dreg:$0x1c]  }
0x4b: {  	s12 =	simm.s32 $0x2880;
	[smem:$0x7F6] =	sst s11  }
0x4c: {  	s13 =	simm.s32 $0x2C80;
	[smem:$0x7F7] =	sst s12  }
0x4d: {  	s14 =	simm.s32 $0x2900;
	[smem:$0x7F8] =	sst s13  }
0x4e: {  	s15 =	simm.s32 $0x2D00;
	[smem:$0x7F9] =	sst s14  }
0x4f: {  	s16 =	simm.s32 $0x2980;
	[smem:$0x7FA] =	sst s15  }
0x50: {  	s17 =	simm.s32 $0x2D80;
	[smem:$0x7FB] =	sst s16  }
0x51: {  	[tilespmem:s8], [sflag:$0x2] =	stream.linear.gather [hbm4b:s19+s3], $0x800, $0x38;
	[tilespmem:$0x4000] =	vst v63  }
0x52: {  	s20 =	simm.s32 $0x2A00;
	[smem:$0x7FC] =	sst s17  }
0x53: {  	[tilespmem:s18], [sflag:$0x2] =	stream.linear.gather [hbm4b:s9+s3], $0x800, $0x38;
	[tilespmem:$0x4000] =	vst v63  }
0x54: {  	s4 =	simm.s32 $0x2;
	[smem:$0x7FD] =	sst s20  }
0x55: {  	[tilespmem:s10], [sflag:$0x2] =	stream.linear.gather [hbm4b:s21+s3], $0x800, $0x38;
	[tilespmem:$0x4000] =	vst v63  }
0x56: {  	s22 =	sshll.u32 s0, $0x6;
	_ =	swait.ge [sflag:s4], $0x2000  }
0x57: {  	s6 =	sshll.u32 s6, $0x4;
	s7 =	sand.u32 $0x300, s22;
	s23 =	sld [smem:$0x7D5]  }
0x58: {  	s6 =	sand.u32 $0x70, s6;
	s5 =	sadd.s32 s5, s7;
	[sflag:s4] =	ssyncset.done $0x0  }
0x59: {  	s5 =	sadd.s32 s6, s5;
	s24 =	sld [smem:$0x7D6];
	[sflag:s4] =	ssyncadd.s32 $0xFFFFE000  }
0x5a: {  	[tilespmem:s23], [sflag:$0x2] =	stream.linear.gather [hbm4b:s5+s3], $0x80, $0x38;
	[tilespmem:$0x4000] =	vst v63  }
0x5b: {  	s6 =	sadd.s32 $0x80, s5  }
0x5c: {  	[tilespmem:s24], [sflag:$0x2] =	stream.linear.gather [hbm4b:s6+s3], $0x80, $0x38;
	[tilespmem:$0x4000] =	vst v63  }
0x5d: {  	_ =	swait.ge [sflag:s4], $0x100  }
0x5e: {  	s25 =	sld [smem:$0x7D7]  }
0x5f: {  	[sflag:s4] =	ssyncset.done $0x0  }
0x60: {  	s26 =	sld [smem:$0x7D8];
	[sflag:s4] =	ssyncadd.s32 $0xFFFFFF00  }
0x61: {  	[tilespmem:s25], [sflag:$0x2] =	stream.linear.gather [hbm4b:s5+s3], $0x80, $0x38;
	[tilespmem:$0x4000] =	vst v63  }
0x62: {  	_ = 	snop  }
0x63: {  	[tilespmem:s26], [sflag:$0x2] =	stream.linear.gather [hbm4b:s6+s3], $0x80, $0x38;
	[tilespmem:$0x4000] =	vst v63  }
0x64: {  	_ =	swait.ge [sflag:s4], $0x100  }
0x65: {  	s0 =	sld [smem:$0x7D9]  }
0x66: {  	[sflag:s4] =	ssyncset.done $0x0  }
0x67: {  	s2 =	sld [smem:$0x7DA];
	[sflag:s4] =	ssyncadd.s32 $0xFFFFFF00  }
0x68: {  	[tilespmem:s0], [sflag:$0x2] =	stream.linear.gather [hbm4b:s5+s3], $0x80, $0x38;
	[tilespmem:$0x4000] =	vst v63  }
0x69: {  	_ = 	snop  }
0x6a: {  	[tilespmem:s2], [sflag:$0x2] =	stream.linear.gather [hbm4b:s6+s3], $0x80, $0x38;
	[tilespmem:$0x4000] =	vst v63  }
0x6b: {  	_ =	swait.ge [sflag:s4], $0x100  }
0x6c: {  	s9 =	sld [smem:$0x7DB]  }
0x6d: {  	[sflag:s4] =	ssyncset.done $0x0  }
0x6e: {  	s10 =	sld [smem:$0x7DC];
	[sflag:s4] =	ssyncadd.s32 $0xFFFFFF00  }
0x6f: {  	[tilespmem:s9], [sflag:$0x2] =	stream.linear.gather [hbm4b:s5+s3], $0x80, $0x38;
	[tilespmem:$0x4000] =	vst v63  }
0x70: {  	_ = 	snop  }
0x71: {  	[tilespmem:s10], [sflag:$0x2] =	stream.linear.gather [hbm4b:s6+s3], $0x80, $0x38;
	[tilespmem:$0x4000] =	vst v63  }
0x72: {  	_ =	swait.ge [sflag:s4], $0x100  }
0x73: {  	s11 =	sld [smem:$0x7DD]  }
0x74: {  	[sflag:s4] =	ssyncset.done $0x0  }
0x75: {  	s12 =	sld [smem:$0x7DE];
	[sflag:s4] =	ssyncadd.s32 $0xFFFFFF00  }
0x76: {  	[tilespmem:s11], [sflag:$0x2] =	stream.linear.gather [hbm4b:s5+s3], $0x80, $0x38;
	[tilespmem:$0x4000] =	vst v63  }
0x77: {  	_ = 	snop  }
0x78: {  	[tilespmem:s12], [sflag:$0x2] =	stream.linear.gather [hbm4b:s6+s3], $0x80, $0x38;
	[tilespmem:$0x4000] =	vst v63  }
0x79: {  	_ =	swait.ge [sflag:s4], $0x100  }
0x7a: {  	s13 =	sld [smem:$0x7DF]  }
0x7b: {  	[sflag:s4] =	ssyncset.done $0x0  }
0x7c: {  	s14 =	sld [smem:$0x7E0];
	[sflag:s4] =	ssyncadd.s32 $0xFFFFFF00  }
0x7d: {  	[tilespmem:s13], [sflag:$0x2] =	stream.linear.gather [hbm4b:s5+s3], $0x80, $0x38;
	[tilespmem:$0x4000] =	vst v63  }
0x7e: {  	_ = 	snop  }
0x7f: {  	[tilespmem:s14], [sflag:$0x2] =	stream.linear.gather [hbm4b:s6+s3], $0x80, $0x38;
	[tilespmem:$0x4000] =	vst v63  }
0x80: {  	_ =	swait.ge [sflag:s4], $0x100  }
0x81: {  	s15 =	sld [smem:$0x7E1]  }
0x82: {  	[sflag:s4] =	ssyncset.done $0x0  }
0x83: {  	s16 =	sld [smem:$0x7E2];
	[sflag:s4] =	ssyncadd.s32 $0xFFFFFF00  }
0x84: {  	[tilespmem:s15], [sflag:$0x2] =	stream.linear.gather [hbm4b:s5+s3], $0x80, $0x38;
	[tilespmem:$0x4000] =	vst v63  }
0x85: {  	_ = 	snop  }
0x86: {  	[tilespmem:s16], [sflag:$0x2] =	stream.linear.gather [hbm4b:s6+s3], $0x80, $0x38;
	[tilespmem:$0x4000] =	vst v63  }
0x87: {  	_ =	swait.ge [sflag:s4], $0x100  }
0x88: {  	s17 =	sld [smem:$0x7E3]  }
0x89: {  	[sflag:s4] =	ssyncset.done $0x0  }
0x8a: {  	s18 =	sld [smem:$0x7E4];
	[sflag:s4] =	ssyncadd.s32 $0xFFFFFF00  }
0x8b: {  	[tilespmem:s17], [sflag:$0x2] =	stream.linear.gather [hbm4b:s5+s3], $0x80, $0x38;
	[tilespmem:$0x4000] =	vst v63  }
0x8c: {  	_ = 	snop  }
0x8d: {  	[tilespmem:s18], [sflag:$0x2] =	stream.linear.gather [hbm4b:s6+s3], $0x80, $0x38;
	[tilespmem:$0x4000] =	vst v63  }
0x8e: {  	_ =	swait.ge [sflag:s4], $0x100  }
0x8f: {  	s19 =	sld [smem:$0x7E5]  }
0x90: {  	[sflag:s4] =	ssyncset.done $0x0  }
0x91: {  	s20 =	sld [smem:$0x7E6];
	[sflag:s4] =	ssyncadd.s32 $0xFFFFFF00  }
0x92: {  	[tilespmem:s19], [sflag:$0x2] =	stream.linear.gather [hbm4b:s5+s3], $0x80, $0x38;
	[tilespmem:$0x4000] =	vst v63  }
0x93: {  	_ = 	snop  }
0x94: {  	[tilespmem:s20], [sflag:$0x2] =	stream.linear.gather [hbm4b:s6+s3], $0x80, $0x38;
	[tilespmem:$0x4000] =	vst v63  }
0x95: {  	_ =	swait.ge [sflag:s4], $0x100  }
0x96: {  	s21 =	sld [smem:$0x7E7]  }
0x97: {  	[sflag:s4] =	ssyncset.done $0x0  }
0x98: {  	s22 =	sld [smem:$0x7E8];
	[sflag:s4] =	ssyncadd.s32 $0xFFFFFF00  }
0x99: {  	[tilespmem:s21], [sflag:$0x2] =	stream.linear.gather [hbm4b:s5+s3], $0x80, $0x38;
	[tilespmem:$0x4000] =	vst v63  }
0x9a: {  	_ = 	snop  }
0x9b: {  	[tilespmem:s22], [sflag:$0x2] =	stream.linear.gather [hbm4b:s6+s3], $0x80, $0x38;
	[tilespmem:$0x4000] =	vst v63  }
0x9c: {  	_ =	swait.ge [sflag:s4], $0x100  }
0x9d: {  	s23 =	sld [smem:$0x7E9]  }
0x9e: {  	[sflag:s4] =	ssyncset.done $0x0  }
0x9f: {  	s24 =	sld [smem:$0x7EA];
	[sflag:s4] =	ssyncadd.s32 $0xFFFFFF00  }
0xa0: {  	[tilespmem:s23], [sflag:$0x2] =	stream.linear.gather [hbm4b:s5+s3], $0x80, $0x38;
	[tilespmem:$0x4000] =	vst v63  }
0xa1: {  	_ = 	snop  }
0xa2: {  	[tilespmem:s24], [sflag:$0x2] =	stream.linear.gather [hbm4b:s6+s3], $0x80, $0x38;
	[tilespmem:$0x4000] =	vst v63  }
0xa3: {  	_ =	swait.ge [sflag:s4], $0x100  }
0xa4: {  	s25 =	sld [smem:$0x7EB]  }
0xa5: {  	[sflag:s4] =	ssyncset.done $0x0  }
0xa6: {  	s26 =	sld [smem:$0x7EC];
	[sflag:s4] =	ssyncadd.s32 $0xFFFFFF00  }
0xa7: {  	[tilespmem:s25], [sflag:$0x2] =	stream.linear.gather [hbm4b:s5+s3], $0x80, $0x38;
	[tilespmem:$0x4000] =	vst v63  }
0xa8: {  	_ = 	snop  }
0xa9: {  	[tilespmem:s26], [sflag:$0x2] =	stream.linear.gather [hbm4b:s6+s3], $0x80, $0x38;
	[tilespmem:$0x4000] =	vst v63  }
0xaa: {  	_ =	swait.ge [sflag:s4], $0x100  }
0xab: {  	s0 =	sld [smem:$0x7ED]  }
0xac: {  	[sflag:s4] =	ssyncset.done $0x0  }
0xad: {  	s2 =	sld [smem:$0x7EE];
	[sflag:s4] =	ssyncadd.s32 $0xFFFFFF00  }
0xae: {  	[tilespmem:s0], [sflag:$0x2] =	stream.linear.gather [hbm4b:s5+s3], $0x80, $0x38;
	[tilespmem:$0x4000] =	vst v63  }
0xaf: {  	_ = 	snop  }
0xb0: {  	[tilespmem:s2], [sflag:$0x2] =	stream.linear.gather [hbm4b:s6+s3], $0x80, $0x38;
	[tilespmem:$0x4000] =	vst v63  }
0xb1: {  	_ =	swait.ge [sflag:s4], $0x100  }
0xb2: {  	s9 =	sld [smem:$0x7EF]  }
0xb3: {  	[sflag:s4] =	ssyncset.done $0x0  }
0xb4: {  	s10 =	sld [smem:$0x7F0];
	[sflag:s4] =	ssyncadd.s32 $0xFFFFFF00  }
0xb5: {  	[tilespmem:s9], [sflag:$0x2] =	stream.linear.gather [hbm4b:s5+s3], $0x80, $0x38;
	[tilespmem:$0x4000] =	vst v63  }
0xb6: {  	_ = 	snop  }
0xb7: {  	[tilespmem:s10], [sflag:$0x2] =	stream.linear.gather [hbm4b:s6+s3], $0x80, $0x38;
	[tilespmem:$0x4000] =	vst v63  }
0xb8: {  	_ =	swait.ge [sflag:s4], $0x100  }
0xb9: {  	s11 =	sld [smem:$0x7F1]  }
0xba: {  	[sflag:s4] =	ssyncset.done $0x0  }
0xbb: {  	s12 =	sld [smem:$0x7F2];
	[sflag:s4] =	ssyncadd.s32 $0xFFFFFF00  }
0xbc: {  	[tilespmem:s11], [sflag:$0x2] =	stream.linear.gather [hbm4b:s5+s3], $0x80, $0x38;
	[tilespmem:$0x4000] =	vst v63  }
0xbd: {  	_ = 	snop  }
0xbe: {  	[tilespmem:s12], [sflag:$0x2] =	stream.linear.gather [hbm4b:s6+s3], $0x80, $0x38;
	[tilespmem:$0x4000] =	vst v63  }
0xbf: {  	_ =	swait.ge [sflag:s4], $0x100  }
0xc0: {  	s13 =	sld [smem:$0x7F3]  }
0xc1: {  	[sflag:s4] =	ssyncset.done $0x0  }
0xc2: {  	s14 =	sld [smem:$0x7F4];
	[sflag:s4] =	ssyncadd.s32 $0xFFFFFF00  }
0xc3: {  	[tilespmem:s13], [sflag:$0x2] =	stream.linear.gather [hbm4b:s5+s3], $0x80, $0x38;
	[tilespmem:$0x4000] =	vst v63  }
0xc4: {  	_ = 	snop  }
0xc5: {  	[tilespmem:s14], [sflag:$0x2] =	stream.linear.gather [hbm4b:s6+s3], $0x80, $0x38;
	[tilespmem:$0x4000] =	vst v63  }
0xc6: {  	_ =	swait.ge [sflag:s4], $0x100  }
0xc7: {  	s15 =	sld [smem:$0x7F5]  }
0xc8: {  	[sflag:s4] =	ssyncset.done $0x0  }
0xc9: {  	s16 =	sld [smem:$0x7F6];
	[sflag:s4] =	ssyncadd.s32 $0xFFFFFF00  }
0xca: {  	[tilespmem:s15], [sflag:$0x2] =	stream.linear.gather [hbm4b:s5+s3], $0x80, $0x38;
	[tilespmem:$0x4000] =	vst v63  }
0xcb: {  	_ = 	snop  }
0xcc: {  	[tilespmem:s16], [sflag:$0x2] =	stream.linear.gather [hbm4b:s6+s3], $0x80, $0x38;
	[tilespmem:$0x4000] =	vst v63  }
0xcd: {  	_ =	swait.ge [sflag:s4], $0x100  }
0xce: {  	s17 =	sld [smem:$0x7F7]  }
0xcf: {  	[sflag:s4] =	ssyncset.done $0x0  }
0xd0: {  	s18 =	sld [smem:$0x7F8];
	[sflag:s4] =	ssyncadd.s32 $0xFFFFFF00  }
0xd1: {  	[tilespmem:s17], [sflag:$0x2] =	stream.linear.gather [hbm4b:s5+s3], $0x80, $0x38;
	[tilespmem:$0x4000] =	vst v63  }
0xd2: {  	_ = 	snop  }
0xd3: {  	[tilespmem:s18], [sflag:$0x2] =	stream.linear.gather [hbm4b:s6+s3], $0x80, $0x38;
	[tilespmem:$0x4000] =	vst v63  }
0xd4: {  	_ =	swait.ge [sflag:s4], $0x100  }
0xd5: {  	s19 =	sld [smem:$0x7F9]  }
0xd6: {  	[sflag:s4] =	ssyncset.done $0x0  }
0xd7: {  	s20 =	sld [smem:$0x7FA];
	[sflag:s4] =	ssyncadd.s32 $0xFFFFFF00  }
0xd8: {  	[tilespmem:s19], [sflag:$0x2] =	stream.linear.gather [hbm4b:s5+s3], $0x80, $0x38;
	[tilespmem:$0x4000] =	vst v63  }
0xd9: {  	_ = 	snop  }
0xda: {  	[tilespmem:s20], [sflag:$0x2] =	stream.linear.gather [hbm4b:s6+s3], $0x80, $0x38;
	[tilespmem:$0x4000] =	vst v63  }
0xdb: {  	_ =	swait.ge [sflag:s4], $0x100  }
0xdc: {  	s21 =	sld [smem:$0x7FB]  }
0xdd: {  	[sflag:s4] =	ssyncset.done $0x0  }
0xde: {  	s22 =	sld [smem:$0x7FC];
	[sflag:s4] =	ssyncadd.s32 $0xFFFFFF00  }
0xdf: {  	[tilespmem:s21], [sflag:$0x2] =	stream.linear.gather [hbm4b:s5+s3], $0x80, $0x38;
	[tilespmem:$0x4000] =	vst v63  }
0xe0: {  	_ = 	snop  }
0xe1: {  	[tilespmem:s22], [sflag:$0x2] =	stream.linear.gather [hbm4b:s6+s3], $0x80, $0x38;
	[tilespmem:$0x4000] =	vst v63  }
0xe2: {  	_ =	swait.ge [sflag:s4], $0x100  }
0xe3: {  	s23 =	sld [smem:$0x7FD]  }
0xe4: {  	[sflag:s4] =	ssyncset.done $0x0  }
0xe5: {  	[sflag:s4] =	ssyncadd.s32 $0xFFFFFF00  }
0xe6: {  	[tilespmem:s23], [sflag:$0x2] =	stream.linear.gather [hbm4b:s5+s3], $0x80, $0x38;
	[tilespmem:$0x4000] =	vst v63  }
0xe7: {  	s24 =	simm.s32 $0x2E00  }
0xe8: {  	[tilespmem:s24], [sflag:$0x2] =	stream.linear.gather [hbm4b:s6+s3], $0x80, $0x38;
	[tilespmem:$0x4000] =	vst v63  }
0xe9: {  	_ =	swait.ge [sflag:s4], $0x100  }
0xea: {  	[sflag:s4] =	ssyncset.done $0x0  }
0xeb: {  	s25 =	simm.s32 $0x2A80;
	[sflag:s4] =	ssyncadd.s32 $0xFFFFFF00  }
0xec: {  	[tilespmem:s25], [sflag:$0x2] =	stream.linear.gather [hbm4b:s5+s3], $0x80, $0x38;
	[tilespmem:$0x4000] =	vst v63  }
0xed: {  	s26 =	simm.s32 $0x2E80  }
0xee: {  	[tilespmem:s26], [sflag:$0x2] =	stream.linear.gather [hbm4b:s6+s3], $0x80, $0x38;
	[tilespmem:$0x4000] =	vst v63  }
0xef: {  	_ =	swait.ge [sflag:s4], $0x100  }
0xf0: {  	[sflag:s4] =	ssyncset.done $0x0  }
0xf1: {  	s10 =	simm.s32 $0x2B00;
	[sflag:s4] =	ssyncadd.s32 $0xFFFFFF00  }
0xf2: {  	[tilespmem:s10], [sflag:$0x2] =	stream.linear.gather [hbm4b:s5+s3], $0x80, $0x38;
	[tilespmem:$0x4000] =	vst v63  }
0xf3: {  	s11 =	simm.s32 $0x2F00  }
0xf4: {  	[tilespmem:s11], [sflag:$0x2] =	stream.linear.gather [hbm4b:s6+s3], $0x80, $0x38;
	[tilespmem:$0x4000] =	vst v63  }
0xf5: {  	_ =	swait.ge [sflag:s4], $0x100  }
0xf6: {  	[sflag:s4] =	ssyncset.done $0x0  }
0xf7: {  	s12 =	simm.s32 $0x2B80;
	[sflag:s4] =	ssyncadd.s32 $0xFFFFFF00  }
0xf8: {  	[tilespmem:s12], [sflag:$0x2] =	stream.linear.gather [hbm4b:s5+s3], $0x80, $0x38;
	[tilespmem:$0x4000] =	vst v63  }
0xf9: {  	s13 =	simm.s32 $0x2F80  }
0xfa: {  	[tilespmem:s13], [sflag:$0x2] =	stream.linear.gather [hbm4b:s6+s3], $0x80, $0x38;
	[tilespmem:$0x4000] =	vst v63  }
0xfb: {  	_ =	swait.ge [sflag:s4], $0x100  }
0xfc: {  	[sflag:s4] =	ssyncset.done $0x0  }
0xfd: {  	s14 =	simm.s32 $0x3800;
	[sflag:s4] =	ssyncadd.s32 $0xFFFFFF00  }
0xfe: {  	[tilespmem:s14], [sflag:$0x2] =	stream.linear.gather [hbm4b:s5+s3], $0x80, $0x38;
	[tilespmem:$0x4000] =	vst v63  }
0xff: {  	s15 =	simm.s32 $0x3C00  }
0x100: {  	[tilespmem:s15], [sflag:$0x2] =	stream.linear.gather [hbm4b:s6+s3], $0x80, $0x38;
	[tilespmem:$0x4000] =	vst v63  }
0x101: {  	_ =	swait.ge [sflag:s4], $0x100  }
0x102: {  	[sflag:s4] =	ssyncset.done $0x0  }
0x103: {  	s16 =	simm.s32 $0x3880;
	[sflag:s4] =	ssyncadd.s32 $0xFFFFFF00  }
0x104: {  	[tilespmem:s16], [sflag:$0x2] =	stream.linear.gather [hbm4b:s5+s3], $0x80, $0x38;
	[tilespmem:$0x4000] =	vst v63  }
0x105: {  	s17 =	simm.s32 $0x3C80  }
0x106: {  	[tilespmem:s17], [sflag:$0x2] =	stream.linear.gather [hbm4b:s6+s3], $0x80, $0x38;
	[tilespmem:$0x4000] =	vst v63  }
0x107: {  	_ =	swait.ge [sflag:s4], $0x100  }
0x108: {  	[sflag:s4] =	ssyncset.done $0x0  }
0x109: {  	s18 =	simm.s32 $0x3900;
	[sflag:s4] =	ssyncadd.s32 $0xFFFFFF00  }
0x10a: {  	[tilespmem:s18], [sflag:$0x2] =	stream.linear.gather [hbm4b:s5+s3], $0x80, $0x38;
	[tilespmem:$0x4000] =	vst v63  }
0x10b: {  	s19 =	simm.s32 $0x3D00  }
0x10c: {  	[tilespmem:s19], [sflag:$0x2] =	stream.linear.gather [hbm4b:s6+s3], $0x80, $0x38;
	[tilespmem:$0x4000] =	vst v63  }
0x10d: {  	_ =	swait.ge [sflag:s4], $0x100  }
0x10e: {  	[sflag:s4] =	ssyncset.done $0x0  }
0x10f: {  	s20 =	simm.s32 $0x3980;
	[sflag:s4] =	ssyncadd.s32 $0xFFFFFF00  }
0x110: {  	[tilespmem:s20], [sflag:$0x2] =	stream.linear.gather [hbm4b:s5+s3], $0x80, $0x38;
	[tilespmem:$0x4000] =	vst v63  }
0x111: {  	s21 =	simm.s32 $0x3D80  }
0x112: {  	[tilespmem:s21], [sflag:$0x2] =	stream.linear.gather [hbm4b:s6+s3], $0x80, $0x38;
	[tilespmem:$0x4000] =	vst v63  }
0x113: {  	_ =	swait.ge [sflag:s4], $0x100  }
0x114: {  	[sflag:s4] =	ssyncset.done $0x0  }
0x115: {  	s22 =	simm.s32 $0x3A00;
	[sflag:s4] =	ssyncadd.s32 $0xFFFFFF00  }
0x116: {  	[tilespmem:s22], [sflag:$0x2] =	stream.linear.gather [hbm4b:s5+s3], $0x80, $0x38;
	[tilespmem:$0x4000] =	vst v63  }
0x117: {  	s23 =	simm.s32 $0x3E00  }
0x118: {  	[tilespmem:s23], [sflag:$0x2] =	stream.linear.gather [hbm4b:s6+s3], $0x80, $0x38;
	[tilespmem:$0x4000] =	vst v63  }
0x119: {  	_ =	swait.ge [sflag:s4], $0x100  }
0x11a: {  	[sflag:s4] =	ssyncset.done $0x0  }
0x11b: {  	s24 =	simm.s32 $0x3A80;
	[sflag:s4] =	ssyncadd.s32 $0xFFFFFF00  }
0x11c: {  	[tilespmem:s24], [sflag:$0x2] =	stream.linear.gather [hbm4b:s5+s3], $0x80, $0x38;
	[tilespmem:$0x4000] =	vst v63  }
0x11d: {  	s25 =	simm.s32 $0x3E80  }
0x11e: {  	[tilespmem:s25], [sflag:$0x2] =	stream.linear.gather [hbm4b:s6+s3], $0x80, $0x38;
	[tilespmem:$0x4000] =	vst v63  }
0x11f: {  	_ =	swait.ge [sflag:s4], $0x100  }
0x120: {  	[sflag:s4] =	ssyncset.done $0x0  }
0x121: {  	s26 =	simm.s32 $0x3B00;
	[sflag:s4] =	ssyncadd.s32 $0xFFFFFF00  }
0x122: {  	[tilespmem:s26], [sflag:$0x2] =	stream.linear.gather [hbm4b:s5+s3], $0x80, $0x38;
	[tilespmem:$0x4000] =	vst v63  }
0x123: {  	s28 =	simm.s32 $0x3F00  }
0x124: {  	[tilespmem:s28], [sflag:$0x2] =	stream.linear.gather [hbm4b:s6+s3], $0x80, $0x38;
	[tilespmem:$0x4000] =	vst v63  }
0x125: {  	_ =	swait.ge [sflag:s4], $0x100  }
0x126: {  	[sflag:s4] =	ssyncset.done $0x0  }
0x127: {  	s29 =	simm.s32 $0x3B80;
	[sflag:s4] =	ssyncadd.s32 $0xFFFFFF00  }
0x128: {  	[tilespmem:s29], [sflag:$0x2] =	stream.linear.gather [hbm4b:s5+s3], $0x80, $0x38;
	[tilespmem:$0x4000] =	vst v63  }
0x129: {  	s30 =	simm.s32 $0x3F80  }
0x12a: {  	[tilespmem:s30], [sflag:$0x2] =	stream.linear.gather [hbm4b:s6+s3], $0x80, $0x38;
	[tilespmem:$0x4000] =	vst v63  }
0x12b: {  	_ =	swait.ge [sflag:s4], $0x100  }
0x12c: {  	[sflag:s4] =	ssyncset.done $0x0  }
0x12d: {  	s31 =	rddreg [dreg:$0x4];
	[sflag:s4] =	ssyncadd.s32 $0xFFFFFF00  }
0x12e: {  	[hbm4b:s31+s3] =	stream.linear.scatter [tilespmem:s3], [sflag:$0x1], $0x4000, $0x38;
	[tilespmem:$0x4000] =	vst v63  }
0x12f: {  	s2 =	rddreg [dreg:$0x5]  }
0x130: {  	[hbm4b:s2+s3] =	stream.linear.scatter [tilespmem:s3], [sflag:$0x1], $0x4000, $0x38;
	[tilespmem:$0x4000] =	vst v63  }
0x131: {  	s31 =	rddreg [dreg:$0x6]  }
0x132: {  	[hbm4b:s31+s3] =	stream.linear.scatter [tilespmem:s3], [sflag:$0x1], $0x4000, $0x38;
	[tilespmem:$0x4000] =	vst v63  }
0x133: {  	s7 =	rddreg [dreg:$0x7]  }
0x134: {  	[hbm4b:s7+s3] =	stream.linear.scatter [tilespmem:s3], [sflag:$0x1], $0x4000, $0x38;
	[tilespmem:$0x4000] =	vst v63  }
0x135: {  	s31 =	rddreg [dreg:$0x8]  }
0x136: {  	[hbm4b:s31+s3] =	stream.linear.scatter [tilespmem:s3], [sflag:$0x1], $0x4000, $0x38;
	[tilespmem:$0x4000] =	vst v63  }
0x137: {  	s8 =	rddreg [dreg:$0x9]  }
0x138: {  	[hbm4b:s8+s3] =	stream.linear.scatter [tilespmem:s3], [sflag:$0x1], $0x4000, $0x38;
	[tilespmem:$0x4000] =	vst v63  }
0x139: {  	s31 =	rddreg [dreg:$0xa]  }
0x13a: {  	[hbm4b:s31+s3] =	stream.linear.scatter [tilespmem:s3], [sflag:$0x1], $0x4000, $0x38;
	[tilespmem:$0x4000] =	vst v63  }
0x13b: {  	s9 =	rddreg [dreg:$0xb]  }
0x13c: {  	[hbm4b:s9+s3] =	stream.linear.scatter [tilespmem:s3], [sflag:$0x1], $0x4000, $0x38;
	[tilespmem:$0x4000] =	vst v63  }
0x13d: {  	s31 =	rddreg [dreg:$0xc]  }
0x13e: {  	[hbm4b:s31+s3] =	stream.linear.scatter [tilespmem:s3], [sflag:$0x1], $0x4000, $0x38;
	[tilespmem:$0x4000] =	vst v63  }
0x13f: {  	s2 =	rddreg [dreg:$0xd]  }
0x140: {  	[hbm4b:s2+s3] =	stream.linear.scatter [tilespmem:s3], [sflag:$0x1], $0x4000, $0x38;
	[tilespmem:$0x4000] =	vst v63  }
0x141: {  	s31 =	rddreg [dreg:$0xe]  }
0x142: {  	[hbm4b:s31+s3] =	stream.linear.scatter [tilespmem:s3], [sflag:$0x1], $0x4000, $0x38;
	[tilespmem:$0x4000] =	vst v63  }
0x143: {  	s7 =	rddreg [dreg:$0xf]  }
0x144: {  	[hbm4b:s7+s3] =	stream.linear.scatter [tilespmem:s3], [sflag:$0x1], $0x4000, $0x38;
	[tilespmem:$0x4000] =	vst v63  }
0x145: {  	s31 =	rddreg [dreg:$0x10]  }
0x146: {  	[hbm4b:s31+s3] =	stream.linear.scatter [tilespmem:s3], [sflag:$0x1], $0x4000, $0x38;
	[tilespmem:$0x4000] =	vst v63  }
0x147: {  	s8 =	rddreg [dreg:$0x11]  }
0x148: {  	[hbm4b:s8+s3] =	stream.linear.scatter [tilespmem:s3], [sflag:$0x1], $0x4000, $0x38;
	[tilespmem:$0x4000] =	vst v63  }
0x149: {  	s31 =	rddreg [dreg:$0x12]  }
0x14a: {  	[hbm4b:s31+s3] =	stream.linear.scatter [tilespmem:s3], [sflag:$0x1], $0x4000, $0x38;
	[tilespmem:$0x4000] =	vst v63  }
0x14b: {  	s9 =	rddreg [dreg:$0x13]  }
0x14c: {  	[hbm4b:s9+s3] =	stream.linear.scatter [tilespmem:s3], [sflag:$0x1], $0x4000, $0x38;
	[tilespmem:$0x4000] =	vst v63  }
0x14d: {  	s31 =	rddreg [dreg:$0x14]  }
0x14e: {  	[hbm4b:s31+s3] =	stream.linear.scatter [tilespmem:s3], [sflag:$0x1], $0x4000, $0x38;
	[tilespmem:$0x4000] =	vst v63  }
0x14f: {  	s2 =	rddreg [dreg:$0x15]  }
0x150: {  	[hbm4b:s2+s3] =	stream.linear.scatter [tilespmem:s3], [sflag:$0x1], $0x4000, $0x38;
	[tilespmem:$0x4000] =	vst v63  }
0x151: {  	s31 =	rddreg [dreg:$0x16]  }
0x152: {  	[hbm4b:s31+s3] =	stream.linear.scatter [tilespmem:s3], [sflag:$0x1], $0x4000, $0x38;
	[tilespmem:$0x4000] =	vst v63  }
0x153: {  	s7 =	rddreg [dreg:$0x17]  }
0x154: {  	[hbm4b:s7+s3] =	stream.linear.scatter [tilespmem:s3], [sflag:$0x1], $0x4000, $0x38;
	[tilespmem:$0x4000] =	vst v63  }
0x155: {  	s31 =	rddreg [dreg:$0x18]  }
0x156: {  	[hbm4b:s31+s3] =	stream.linear.scatter [tilespmem:s3], [sflag:$0x1], $0x4000, $0x38;
	[tilespmem:$0x4000] =	vst v63  }
0x157: {  	s8 =	rddreg [dreg:$0x19];
	s31 =	simm.s32 $0x1  }
0x158: {  	[hbm4b:s8+s3] =	stream.linear.scatter [tilespmem:s3], [sflag:$0x1], $0x4000, $0x38;
	[tilespmem:$0x4000] =	vst v63  }
0x159: {  	_ =	swait.ge [sflag:s31], $0x4000  }
0x15a: {  	[sflag:s31] =	ssyncset.done $0x0  }
0x15b: {  	[sflag:s31] =	ssyncadd.s32 $0xFFFFC000  }
0x15c: {  	_ =	swait.ge [sflag:s31], $0x4000  }
0x15d: {  	[sflag:s31] =	ssyncset.done $0x0  }
0x15e: {  	[sflag:s31] =	ssyncadd.s32 $0xFFFFC000  }
0x15f: {  	_ =	swait.ge [sflag:s31], $0x4000  }
0x160: {  	[sflag:s31] =	ssyncset.done $0x0  }
0x161: {  	[sflag:s31] =	ssyncadd.s32 $0xFFFFC000  }
0x162: {  	_ =	swait.ge [sflag:s31], $0x4000  }
0x163: {  	[sflag:s31] =	ssyncset.done $0x0  }
0x164: {  	[sflag:s31] =	ssyncadd.s32 $0xFFFFC000  }
0x165: {  	_ =	swait.ge [sflag:s31], $0x4000  }
0x166: {  	[sflag:s31] =	ssyncset.done $0x0  }
0x167: {  	[sflag:s31] =	ssyncadd.s32 $0xFFFFC000  }
0x168: {  	_ =	swait.ge [sflag:s31], $0x4000  }
0x169: {  	[sflag:s31] =	ssyncset.done $0x0  }
0x16a: {  	[sflag:s31] =	ssyncadd.s32 $0xFFFFC000  }
0x16b: {  	_ =	swait.ge [sflag:s31], $0x4000  }
0x16c: {  	[sflag:s31] =	ssyncset.done $0x0  }
0x16d: {  	[sflag:s31] =	ssyncadd.s32 $0xFFFFC000  }
0x16e: {  	_ =	swait.ge [sflag:s31], $0x4000  }
0x16f: {  	[sflag:s31] =	ssyncset.done $0x0  }
0x170: {  	[sflag:s31] =	ssyncadd.s32 $0xFFFFC000  }
0x171: {  	_ =	swait.ge [sflag:s31], $0x4000  }
0x172: {  	[sflag:s31] =	ssyncset.done $0x0  }
0x173: {  	[sflag:s31] =	ssyncadd.s32 $0xFFFFC000  }
0x174: {  	_ =	swait.ge [sflag:s31], $0x4000  }
0x175: {  	[sflag:s31] =	ssyncset.done $0x0  }
0x176: {  	[sflag:s31] =	ssyncadd.s32 $0xFFFFC000  }
0x177: {  	_ =	swait.ge [sflag:s31], $0x4000  }
0x178: {  	[sflag:s31] =	ssyncset.done $0x0  }
0x179: {  	[sflag:s31] =	ssyncadd.s32 $0xFFFFC000  }
0x17a: {  	_ =	swait.ge [sflag:s31], $0x4000  }
0x17b: {  	[sflag:s31] =	ssyncset.done $0x0  }
0x17c: {  	[sflag:s31] =	ssyncadd.s32 $0xFFFFC000  }
0x17d: {  	_ =	swait.ge [sflag:s31], $0x4000  }
0x17e: {  	[sflag:s31] =	ssyncset.done $0x0  }
0x17f: {  	[sflag:s31] =	ssyncadd.s32 $0xFFFFC000  }
0x180: {  	_ =	swait.ge [sflag:s31], $0x4000  }
0x181: {  	[sflag:s31] =	ssyncset.done $0x0  }
0x182: {  	[sflag:s31] =	ssyncadd.s32 $0xFFFFC000  }
0x183: {  	_ =	swait.ge [sflag:s31], $0x4000  }
0x184: {  	[sflag:s31] =	ssyncset.done $0x0  }
0x185: {  	[sflag:s31] =	ssyncadd.s32 $0xFFFFC000  }
0x186: {  	_ =	swait.ge [sflag:s31], $0x4000  }
0x187: {  	[sflag:s31] =	ssyncset.done $0x0  }
0x188: {  	[sflag:s31] =	ssyncadd.s32 $0xFFFFC000  }
0x189: {  	_ =	swait.ge [sflag:s31], $0x4000  }
0x18a: {  	[sflag:s31] =	ssyncset.done $0x0  }
0x18b: {  	[sflag:s31] =	ssyncadd.s32 $0xFFFFC000  }
0x18c: {  	_ =	swait.ge [sflag:s31], $0x4000  }
0x18d: {  	[sflag:s31] =	ssyncset.done $0x0  }
0x18e: {  	[sflag:s31] =	ssyncadd.s32 $0xFFFFC000  }
0x18f: {  	s9 =	ssub.s32 $0x2, s1;
	_ =	swait.ge [sflag:s31], $0x4000  }
0x190: {  	s1 =	sshrl.u32 s9, $0x1;
	[sflag:s31] =	ssyncset.done $0x0  }
0x191: {  	s0 =	ssub.s32 s9, s1;
	[sflag:s31] =	ssyncadd.s32 $0xFFFFC000  }
0x192: {  	s0 =	smax.u32 s0, $0x1;
	_ =	swait.ge [sflag:s31], $0x4000  }
0x193: {  	p0 =	sne.s32 s0, $0x1;
	[sflag:s31] =	ssyncset.done $0x0  }
.Ltmp0:
0x194: {  	[sflag:s31] =	ssyncadd.s32 $0xFFFFC000;
	(pc) =	sbr.rel @!p0 .LBB2_2-.Ltmp0, $4  }
0x195: {  	_ =	swait.ge [sflag:s31], $0x4000  }
0x196: {  	[sflag:s31] =	ssyncset.done $0x0  }
0x197: {  	[sflag:s31] =	ssyncadd.s32 $0xFFFFC000  }
0x198: {  	s1 =	sadd.s32 $0xFFFFFFFF, s0;
	_ =	swait.ge [sflag:s31], $0x4000  }
.LBB2_1:
0x199: {  	s0 =	rddreg [dreg:$0x1e]  }
0x19a: {  	[sflag:s31] =	ssyncset.done $0x0;
	s2 =	rddreg [dreg:$0x1a]  }
0x19b: {  	s8 =	rddreg [dreg:$0x1b];
	[sflag:s31] =	ssyncadd.s32 $0xFFFFC000  }
0x19c: {  	s7 =	rddreg [dreg:$0x1]  }
0x19d: {  	[tilespmem:s3], [sflag:$0x2] =	stream.linear.gather [hbm4b:s7+s3], $0x800, $0x38;
	[tilespmem:$0x4000] =	vst v63  }
0x19e: {  	s7 =	rddreg [dreg:$0x1d]  }
0x19f: {  	[tilespmem:s7], [sflag:$0x2] =	stream.linear.gather [hbm4b:s2+s3], $0x800, $0x38;
	[tilespmem:$0x4000] =	vst v63  }
0x1a0: {  	s9 =	rddreg [dreg:$0x1f]  }
0x1a1: {  	[tilespmem:s0], [sflag:$0x2] =	stream.linear.gather [hbm4b:s8+s3], $0x800, $0x38;
	[tilespmem:$0x4000] =	vst v63  }
0x1a2: {  	s7 =	rddreg [dreg:$0x1c]  }
0x1a3: {  	[tilespmem:s9], [sflag:$0x2] =	stream.linear.gather [hbm4b:s7+s3], $0x800, $0x38;
	[tilespmem:$0x4000] =	vst v63  }
0x1a4: {  	_ =	swait.ge [sflag:s4], $0x2000  }
0x1a5: {  	s2 =	sld [smem:$0x7D5]  }
0x1a6: {  	[sflag:s4] =	ssyncset.done $0x0  }
0x1a7: {  	s7 =	sld [smem:$0x7D6];
	[sflag:s4] =	ssyncadd.s32 $0xFFFFE000  }
0x1a8: {  	[tilespmem:s2], [sflag:$0x2] =	stream.linear.gather [hbm4b:s5+s3], $0x80, $0x38;
	[tilespmem:$0x4000] =	vst v63  }
0x1a9: {  	_ = 	snop  }
0x1aa: {  	[tilespmem:s7], [sflag:$0x2] =	stream.linear.gather [hbm4b:s6+s3], $0x80, $0x38;
	[tilespmem:$0x4000] =	vst v63  }
0x1ab: {  	_ =	swait.ge [sflag:s4], $0x100  }
0x1ac: {  	s8 =	sld [smem:$0x7D7]  }
0x1ad: {  	[sflag:s4] =	ssyncset.done $0x0  }
0x1ae: {  	s9 =	sld [smem:$0x7D8];
	[sflag:s4] =	ssyncadd.s32 $0xFFFFFF00  }
0x1af: {  	[tilespmem:s8], [sflag:$0x2] =	stream.linear.gather [hbm4b:s5+s3], $0x80, $0x38;
	[tilespmem:$0x4000] =	vst v63  }
0x1b0: {  	_ = 	snop  }
0x1b1: {  	[tilespmem:s9], [sflag:$0x2] =	stream.linear.gather [hbm4b:s6+s3], $0x80, $0x38;
	[tilespmem:$0x4000] =	vst v63  }
0x1b2: {  	_ =	swait.ge [sflag:s4], $0x100  }
0x1b3: {  	s2 =	sld [smem:$0x7D9]  }
0x1b4: {  	[sflag:s4] =	ssyncset.done $0x0  }
0x1b5: {  	s7 =	sld [smem:$0x7DA];
	[sflag:s4] =	ssyncadd.s32 $0xFFFFFF00  }
0x1b6: {  	[tilespmem:s2], [sflag:$0x2] =	stream.linear.gather [hbm4b:s5+s3], $0x80, $0x38;
	[tilespmem:$0x4000] =	vst v63  }
0x1b7: {  	_ = 	snop  }
0x1b8: {  	[tilespmem:s7], [sflag:$0x2] =	stream.linear.gather [hbm4b:s6+s3], $0x80, $0x38;
	[tilespmem:$0x4000] =	vst v63  }
0x1b9: {  	_ =	swait.ge [sflag:s4], $0x100  }
0x1ba: {  	s8 =	sld [smem:$0x7DB]  }
0x1bb: {  	[sflag:s4] =	ssyncset.done $0x0  }
0x1bc: {  	s9 =	sld [smem:$0x7DC];
	[sflag:s4] =	ssyncadd.s32 $0xFFFFFF00  }
0x1bd: {  	[tilespmem:s8], [sflag:$0x2] =	stream.linear.gather [hbm4b:s5+s3], $0x80, $0x38;
	[tilespmem:$0x4000] =	vst v63  }
0x1be: {  	_ = 	snop  }
0x1bf: {  	[tilespmem:s9], [sflag:$0x2] =	stream.linear.gather [hbm4b:s6+s3], $0x80, $0x38;
	[tilespmem:$0x4000] =	vst v63  }
0x1c0: {  	_ =	swait.ge [sflag:s4], $0x100  }
0x1c1: {  	s2 =	sld [smem:$0x7DD]  }
0x1c2: {  	[sflag:s4] =	ssyncset.done $0x0  }
0x1c3: {  	s7 =	sld [smem:$0x7DE];
	[sflag:s4] =	ssyncadd.s32 $0xFFFFFF00  }
0x1c4: {  	[tilespmem:s2], [sflag:$0x2] =	stream.linear.gather [hbm4b:s5+s3], $0x80, $0x38;
	[tilespmem:$0x4000] =	vst v63  }
0x1c5: {  	_ = 	snop  }
0x1c6: {  	[tilespmem:s7], [sflag:$0x2] =	stream.linear.gather [hbm4b:s6+s3], $0x80, $0x38;
	[tilespmem:$0x4000] =	vst v63  }
0x1c7: {  	_ =	swait.ge [sflag:s4], $0x100  }
0x1c8: {  	s8 =	sld [smem:$0x7DF]  }
0x1c9: {  	[sflag:s4] =	ssyncset.done $0x0  }
0x1ca: {  	s9 =	sld [smem:$0x7E0];
	[sflag:s4] =	ssyncadd.s32 $0xFFFFFF00  }
0x1cb: {  	[tilespmem:s8], [sflag:$0x2] =	stream.linear.gather [hbm4b:s5+s3], $0x80, $0x38;
	[tilespmem:$0x4000] =	vst v63  }
0x1cc: {  	_ = 	snop  }
0x1cd: {  	[tilespmem:s9], [sflag:$0x2] =	stream.linear.gather [hbm4b:s6+s3], $0x80, $0x38;
	[tilespmem:$0x4000] =	vst v63  }
0x1ce: {  	_ =	swait.ge [sflag:s4], $0x100  }
0x1cf: {  	s2 =	sld [smem:$0x7E1]  }
0x1d0: {  	[sflag:s4] =	ssyncset.done $0x0  }
0x1d1: {  	s7 =	sld [smem:$0x7E2];
	[sflag:s4] =	ssyncadd.s32 $0xFFFFFF00  }
0x1d2: {  	[tilespmem:s2], [sflag:$0x2] =	stream.linear.gather [hbm4b:s5+s3], $0x80, $0x38;
	[tilespmem:$0x4000] =	vst v63  }
0x1d3: {  	_ = 	snop  }
0x1d4: {  	[tilespmem:s7], [sflag:$0x2] =	stream.linear.gather [hbm4b:s6+s3], $0x80, $0x38;
	[tilespmem:$0x4000] =	vst v63  }
0x1d5: {  	_ =	swait.ge [sflag:s4], $0x100  }
0x1d6: {  	s8 =	sld [smem:$0x7E3]  }
0x1d7: {  	[sflag:s4] =	ssyncset.done $0x0  }
0x1d8: {  	s9 =	sld [smem:$0x7E4];
	[sflag:s4] =	ssyncadd.s32 $0xFFFFFF00  }
0x1d9: {  	[tilespmem:s8], [sflag:$0x2] =	stream.linear.gather [hbm4b:s5+s3], $0x80, $0x38;
	[tilespmem:$0x4000] =	vst v63  }
0x1da: {  	_ = 	snop  }
0x1db: {  	[tilespmem:s9], [sflag:$0x2] =	stream.linear.gather [hbm4b:s6+s3], $0x80, $0x38;
	[tilespmem:$0x4000] =	vst v63  }
0x1dc: {  	_ =	swait.ge [sflag:s4], $0x100  }
0x1dd: {  	s2 =	sld [smem:$0x7E5]  }
0x1de: {  	[sflag:s4] =	ssyncset.done $0x0  }
0x1df: {  	s7 =	sld [smem:$0x7E6];
	[sflag:s4] =	ssyncadd.s32 $0xFFFFFF00  }
0x1e0: {  	[tilespmem:s2], [sflag:$0x2] =	stream.linear.gather [hbm4b:s5+s3], $0x80, $0x38;
	[tilespmem:$0x4000] =	vst v63  }
0x1e1: {  	_ = 	snop  }
0x1e2: {  	[tilespmem:s7], [sflag:$0x2] =	stream.linear.gather [hbm4b:s6+s3], $0x80, $0x38;
	[tilespmem:$0x4000] =	vst v63  }
0x1e3: {  	_ =	swait.ge [sflag:s4], $0x100  }
0x1e4: {  	s8 =	sld [smem:$0x7E7]  }
0x1e5: {  	[sflag:s4] =	ssyncset.done $0x0  }
0x1e6: {  	s9 =	sld [smem:$0x7E8];
	[sflag:s4] =	ssyncadd.s32 $0xFFFFFF00  }
0x1e7: {  	[tilespmem:s8], [sflag:$0x2] =	stream.linear.gather [hbm4b:s5+s3], $0x80, $0x38;
	[tilespmem:$0x4000] =	vst v63  }
0x1e8: {  	_ = 	snop  }
0x1e9: {  	[tilespmem:s9], [sflag:$0x2] =	stream.linear.gather [hbm4b:s6+s3], $0x80, $0x38;
	[tilespmem:$0x4000] =	vst v63  }
0x1ea: {  	_ =	swait.ge [sflag:s4], $0x100  }
0x1eb: {  	s2 =	sld [smem:$0x7E9]  }
0x1ec: {  	[sflag:s4] =	ssyncset.done $0x0  }
0x1ed: {  	s7 =	sld [smem:$0x7EA];
	[sflag:s4] =	ssyncadd.s32 $0xFFFFFF00  }
0x1ee: {  	[tilespmem:s2], [sflag:$0x2] =	stream.linear.gather [hbm4b:s5+s3], $0x80, $0x38;
	[tilespmem:$0x4000] =	vst v63  }
0x1ef: {  	_ = 	snop  }
0x1f0: {  	[tilespmem:s7], [sflag:$0x2] =	stream.linear.gather [hbm4b:s6+s3], $0x80, $0x38;
	[tilespmem:$0x4000] =	vst v63  }
0x1f1: {  	_ =	swait.ge [sflag:s4], $0x100  }
0x1f2: {  	s8 =	sld [smem:$0x7EB]  }
0x1f3: {  	[sflag:s4] =	ssyncset.done $0x0  }
0x1f4: {  	s9 =	sld [smem:$0x7EC];
	[sflag:s4] =	ssyncadd.s32 $0xFFFFFF00  }
0x1f5: {  	[tilespmem:s8], [sflag:$0x2] =	stream.linear.gather [hbm4b:s5+s3], $0x80, $0x38;
	[tilespmem:$0x4000] =	vst v63  }
0x1f6: {  	_ = 	snop  }
0x1f7: {  	[tilespmem:s9], [sflag:$0x2] =	stream.linear.gather [hbm4b:s6+s3], $0x80, $0x38;
	[tilespmem:$0x4000] =	vst v63  }
0x1f8: {  	_ =	swait.ge [sflag:s4], $0x100  }
0x1f9: {  	s2 =	sld [smem:$0x7ED]  }
0x1fa: {  	[sflag:s4] =	ssyncset.done $0x0  }
0x1fb: {  	s7 =	sld [smem:$0x7EE];
	[sflag:s4] =	ssyncadd.s32 $0xFFFFFF00  }
0x1fc: {  	[tilespmem:s2], [sflag:$0x2] =	stream.linear.gather [hbm4b:s5+s3], $0x80, $0x38;
	[tilespmem:$0x4000] =	vst v63  }
0x1fd: {  	_ = 	snop  }
0x1fe: {  	[tilespmem:s7], [sflag:$0x2] =	stream.linear.gather [hbm4b:s6+s3], $0x80, $0x38;
	[tilespmem:$0x4000] =	vst v63  }
0x1ff: {  	_ =	swait.ge [sflag:s4], $0x100  }
0x200: {  	s8 =	sld [smem:$0x7EF]  }
0x201: {  	[sflag:s4] =	ssyncset.done $0x0  }
0x202: {  	s9 =	sld [smem:$0x7F0];
	[sflag:s4] =	ssyncadd.s32 $0xFFFFFF00  }
0x203: {  	[tilespmem:s8], [sflag:$0x2] =	stream.linear.gather [hbm4b:s5+s3], $0x80, $0x38;
	[tilespmem:$0x4000] =	vst v63  }
0x204: {  	_ = 	snop  }
0x205: {  	[tilespmem:s9], [sflag:$0x2] =	stream.linear.gather [hbm4b:s6+s3], $0x80, $0x38;
	[tilespmem:$0x4000] =	vst v63  }
0x206: {  	_ =	swait.ge [sflag:s4], $0x100  }
0x207: {  	s2 =	sld [smem:$0x7F1]  }
0x208: {  	[sflag:s4] =	ssyncset.done $0x0  }
0x209: {  	s7 =	sld [smem:$0x7F2];
	[sflag:s4] =	ssyncadd.s32 $0xFFFFFF00  }
0x20a: {  	[tilespmem:s2], [sflag:$0x2] =	stream.linear.gather [hbm4b:s5+s3], $0x80, $0x38;
	[tilespmem:$0x4000] =	vst v63  }
0x20b: {  	_ = 	snop  }
0x20c: {  	[tilespmem:s7], [sflag:$0x2] =	stream.linear.gather [hbm4b:s6+s3], $0x80, $0x38;
	[tilespmem:$0x4000] =	vst v63  }
0x20d: {  	_ =	swait.ge [sflag:s4], $0x100  }
0x20e: {  	s8 =	sld [smem:$0x7F3]  }
0x20f: {  	[sflag:s4] =	ssyncset.done $0x0  }
0x210: {  	s9 =	sld [smem:$0x7F4];
	[sflag:s4] =	ssyncadd.s32 $0xFFFFFF00  }
0x211: {  	[tilespmem:s8], [sflag:$0x2] =	stream.linear.gather [hbm4b:s5+s3], $0x80, $0x38;
	[tilespmem:$0x4000] =	vst v63  }
0x212: {  	_ = 	snop  }
0x213: {  	[tilespmem:s9], [sflag:$0x2] =	stream.linear.gather [hbm4b:s6+s3], $0x80, $0x38;
	[tilespmem:$0x4000] =	vst v63  }
0x214: {  	_ =	swait.ge [sflag:s4], $0x100  }
0x215: {  	s2 =	sld [smem:$0x7F5]  }
0x216: {  	[sflag:s4] =	ssyncset.done $0x0  }
0x217: {  	s7 =	sld [smem:$0x7F6];
	[sflag:s4] =	ssyncadd.s32 $0xFFFFFF00  }
0x218: {  	[tilespmem:s2], [sflag:$0x2] =	stream.linear.gather [hbm4b:s5+s3], $0x80, $0x38;
	[tilespmem:$0x4000] =	vst v63  }
0x219: {  	_ = 	snop  }
0x21a: {  	[tilespmem:s7], [sflag:$0x2] =	stream.linear.gather [hbm4b:s6+s3], $0x80, $0x38;
	[tilespmem:$0x4000] =	vst v63  }
0x21b: {  	_ =	swait.ge [sflag:s4], $0x100  }
0x21c: {  	s8 =	sld [smem:$0x7F7]  }
0x21d: {  	[sflag:s4] =	ssyncset.done $0x0  }
0x21e: {  	s9 =	sld [smem:$0x7F8];
	[sflag:s4] =	ssyncadd.s32 $0xFFFFFF00  }
0x21f: {  	[tilespmem:s8], [sflag:$0x2] =	stream.linear.gather [hbm4b:s5+s3], $0x80, $0x38;
	[tilespmem:$0x4000] =	vst v63  }
0x220: {  	_ = 	snop  }
0x221: {  	[tilespmem:s9], [sflag:$0x2] =	stream.linear.gather [hbm4b:s6+s3], $0x80, $0x38;
	[tilespmem:$0x4000] =	vst v63  }
0x222: {  	_ =	swait.ge [sflag:s4], $0x100  }
0x223: {  	s2 =	sld [smem:$0x7F9]  }
0x224: {  	[sflag:s4] =	ssyncset.done $0x0  }
0x225: {  	s7 =	sld [smem:$0x7FA];
	[sflag:s4] =	ssyncadd.s32 $0xFFFFFF00  }
0x226: {  	[tilespmem:s2], [sflag:$0x2] =	stream.linear.gather [hbm4b:s5+s3], $0x80, $0x38;
	[tilespmem:$0x4000] =	vst v63  }
0x227: {  	_ = 	snop  }
0x228: {  	[tilespmem:s7], [sflag:$0x2] =	stream.linear.gather [hbm4b:s6+s3], $0x80, $0x38;
	[tilespmem:$0x4000] =	vst v63  }
0x229: {  	_ =	swait.ge [sflag:s4], $0x100  }
0x22a: {  	s8 =	sld [smem:$0x7FB]  }
0x22b: {  	[sflag:s4] =	ssyncset.done $0x0  }
0x22c: {  	s9 =	sld [smem:$0x7FC];
	[sflag:s4] =	ssyncadd.s32 $0xFFFFFF00  }
0x22d: {  	[tilespmem:s8], [sflag:$0x2] =	stream.linear.gather [hbm4b:s5+s3], $0x80, $0x38;
	[tilespmem:$0x4000] =	vst v63  }
0x22e: {  	_ = 	snop  }
0x22f: {  	[tilespmem:s9], [sflag:$0x2] =	stream.linear.gather [hbm4b:s6+s3], $0x80, $0x38;
	[tilespmem:$0x4000] =	vst v63  }
0x230: {  	_ =	swait.ge [sflag:s4], $0x100  }
0x231: {  	s2 =	sld [smem:$0x7FD]  }
0x232: {  	[sflag:s4] =	ssyncset.done $0x0  }
0x233: {  	[sflag:s4] =	ssyncadd.s32 $0xFFFFFF00  }
0x234: {  	[tilespmem:s2], [sflag:$0x2] =	stream.linear.gather [hbm4b:s5+s3], $0x80, $0x38;
	[tilespmem:$0x4000] =	vst v63  }
0x235: {  	s7 =	simm.s32 $0x2E00  }
0x236: {  	[tilespmem:s7], [sflag:$0x2] =	stream.linear.gather [hbm4b:s6+s3], $0x80, $0x38;
	[tilespmem:$0x4000] =	vst v63  }
0x237: {  	_ =	swait.ge [sflag:s4], $0x100  }
0x238: {  	[sflag:s4] =	ssyncset.done $0x0  }
0x239: {  	s8 =	simm.s32 $0x2A80;
	[sflag:s4] =	ssyncadd.s32 $0xFFFFFF00  }
0x23a: {  	[tilespmem:s8], [sflag:$0x2] =	stream.linear.gather [hbm4b:s5+s3], $0x80, $0x38;
	[tilespmem:$0x4000] =	vst v63  }
0x23b: {  	s9 =	simm.s32 $0x2E80  }
0x23c: {  	[tilespmem:s9], [sflag:$0x2] =	stream.linear.gather [hbm4b:s6+s3], $0x80, $0x38;
	[tilespmem:$0x4000] =	vst v63  }
0x23d: {  	_ =	swait.ge [sflag:s4], $0x100  }
0x23e: {  	[sflag:s4] =	ssyncset.done $0x0  }
0x23f: {  	[sflag:s4] =	ssyncadd.s32 $0xFFFFFF00  }
0x240: {  	[tilespmem:s10], [sflag:$0x2] =	stream.linear.gather [hbm4b:s5+s3], $0x80, $0x38;
	[tilespmem:$0x4000] =	vst v63  }
0x241: {  	_ = 	snop  }
0x242: {  	[tilespmem:s11], [sflag:$0x2] =	stream.linear.gather [hbm4b:s6+s3], $0x80, $0x38;
	[tilespmem:$0x4000] =	vst v63  }
0x243: {  	_ =	swait.ge [sflag:s4], $0x100  }
0x244: {  	[sflag:s4] =	ssyncset.done $0x0  }
0x245: {  	[sflag:s4] =	ssyncadd.s32 $0xFFFFFF00  }
0x246: {  	[tilespmem:s12], [sflag:$0x2] =	stream.linear.gather [hbm4b:s5+s3], $0x80, $0x38;
	[tilespmem:$0x4000] =	vst v63  }
0x247: {  	_ = 	snop  }
0x248: {  	[tilespmem:s13], [sflag:$0x2] =	stream.linear.gather [hbm4b:s6+s3], $0x80, $0x38;
	[tilespmem:$0x4000] =	vst v63  }
0x249: {  	_ =	swait.ge [sflag:s4], $0x100  }
0x24a: {  	[sflag:s4] =	ssyncset.done $0x0  }
0x24b: {  	[sflag:s4] =	ssyncadd.s32 $0xFFFFFF00  }
0x24c: {  	[tilespmem:s14], [sflag:$0x2] =	stream.linear.gather [hbm4b:s5+s3], $0x80, $0x38;
	[tilespmem:$0x4000] =	vst v63  }
0x24d: {  	_ = 	snop  }
0x24e: {  	[tilespmem:s15], [sflag:$0x2] =	stream.linear.gather [hbm4b:s6+s3], $0x80, $0x38;
	[tilespmem:$0x4000] =	vst v63  }
0x24f: {  	_ =	swait.ge [sflag:s4], $0x100  }
0x250: {  	[sflag:s4] =	ssyncset.done $0x0  }
0x251: {  	[sflag:s4] =	ssyncadd.s32 $0xFFFFFF00  }
0x252: {  	[tilespmem:s16], [sflag:$0x2] =	stream.linear.gather [hbm4b:s5+s3], $0x80, $0x38;
	[tilespmem:$0x4000] =	vst v63  }
0x253: {  	_ = 	snop  }
0x254: {  	[tilespmem:s17], [sflag:$0x2] =	stream.linear.gather [hbm4b:s6+s3], $0x80, $0x38;
	[tilespmem:$0x4000] =	vst v63  }
0x255: {  	_ =	swait.ge [sflag:s4], $0x100  }
0x256: {  	[sflag:s4] =	ssyncset.done $0x0  }
0x257: {  	[sflag:s4] =	ssyncadd.s32 $0xFFFFFF00  }
0x258: {  	[tilespmem:s18], [sflag:$0x2] =	stream.linear.gather [hbm4b:s5+s3], $0x80, $0x38;
	[tilespmem:$0x4000] =	vst v63  }
0x259: {  	_ = 	snop  }
0x25a: {  	[tilespmem:s19], [sflag:$0x2] =	stream.linear.gather [hbm4b:s6+s3], $0x80, $0x38;
	[tilespmem:$0x4000] =	vst v63  }
0x25b: {  	_ =	swait.ge [sflag:s4], $0x100  }
0x25c: {  	[sflag:s4] =	ssyncset.done $0x0  }
0x25d: {  	[sflag:s4] =	ssyncadd.s32 $0xFFFFFF00  }
0x25e: {  	[tilespmem:s20], [sflag:$0x2] =	stream.linear.gather [hbm4b:s5+s3], $0x80, $0x38;
	[tilespmem:$0x4000] =	vst v63  }
0x25f: {  	_ = 	snop  }
0x260: {  	[tilespmem:s21], [sflag:$0x2] =	stream.linear.gather [hbm4b:s6+s3], $0x80, $0x38;
	[tilespmem:$0x4000] =	vst v63  }
0x261: {  	_ =	swait.ge [sflag:s4], $0x100  }
0x262: {  	[sflag:s4] =	ssyncset.done $0x0  }
0x263: {  	[sflag:s4] =	ssyncadd.s32 $0xFFFFFF00  }
0x264: {  	[tilespmem:s22], [sflag:$0x2] =	stream.linear.gather [hbm4b:s5+s3], $0x80, $0x38;
	[tilespmem:$0x4000] =	vst v63  }
0x265: {  	_ = 	snop  }
0x266: {  	[tilespmem:s23], [sflag:$0x2] =	stream.linear.gather [hbm4b:s6+s3], $0x80, $0x38;
	[tilespmem:$0x4000] =	vst v63  }
0x267: {  	_ =	swait.ge [sflag:s4], $0x100  }
0x268: {  	[sflag:s4] =	ssyncset.done $0x0  }
0x269: {  	[sflag:s4] =	ssyncadd.s32 $0xFFFFFF00  }
0x26a: {  	[tilespmem:s24], [sflag:$0x2] =	stream.linear.gather [hbm4b:s5+s3], $0x80, $0x38;
	[tilespmem:$0x4000] =	vst v63  }
0x26b: {  	_ = 	snop  }
0x26c: {  	[tilespmem:s25], [sflag:$0x2] =	stream.linear.gather [hbm4b:s6+s3], $0x80, $0x38;
	[tilespmem:$0x4000] =	vst v63  }
0x26d: {  	_ =	swait.ge [sflag:s4], $0x100  }
0x26e: {  	[sflag:s4] =	ssyncset.done $0x0  }
0x26f: {  	[sflag:s4] =	ssyncadd.s32 $0xFFFFFF00  }
0x270: {  	[tilespmem:s26], [sflag:$0x2] =	stream.linear.gather [hbm4b:s5+s3], $0x80, $0x38;
	[tilespmem:$0x4000] =	vst v63  }
0x271: {  	_ = 	snop  }
0x272: {  	[tilespmem:s28], [sflag:$0x2] =	stream.linear.gather [hbm4b:s6+s3], $0x80, $0x38;
	[tilespmem:$0x4000] =	vst v63  }
0x273: {  	_ =	swait.ge [sflag:s4], $0x100  }
0x274: {  	[sflag:s4] =	ssyncset.done $0x0  }
0x275: {  	[sflag:s4] =	ssyncadd.s32 $0xFFFFFF00  }
0x276: {  	[tilespmem:s29], [sflag:$0x2] =	stream.linear.gather [hbm4b:s5+s3], $0x80, $0x38;
	[tilespmem:$0x4000] =	vst v63  }
0x277: {  	_ = 	snop  }
0x278: {  	[tilespmem:s30], [sflag:$0x2] =	stream.linear.gather [hbm4b:s6+s3], $0x80, $0x38;
	[tilespmem:$0x4000] =	vst v63  }
0x279: {  	_ =	swait.ge [sflag:s4], $0x100  }
0x27a: {  	[sflag:s4] =	ssyncset.done $0x0  }
0x27b: {  	s2 =	rddreg [dreg:$0x4];
	[sflag:s4] =	ssyncadd.s32 $0xFFFFFF00  }
0x27c: {  	[hbm4b:s2+s3] =	stream.linear.scatter [tilespmem:s3], [sflag:$0x1], $0x4000, $0x38;
	[tilespmem:$0x4000] =	vst v63  }
0x27d: {  	s7 =	rddreg [dreg:$0x5]  }
0x27e: {  	[hbm4b:s7+s3] =	stream.linear.scatter [tilespmem:s3], [sflag:$0x1], $0x4000, $0x38;
	[tilespmem:$0x4000] =	vst v63  }
0x27f: {  	s8 =	rddreg [dreg:$0x6]  }
0x280: {  	[hbm4b:s8+s3] =	stream.linear.scatter [tilespmem:s3], [sflag:$0x1], $0x4000, $0x38;
	[tilespmem:$0x4000] =	vst v63  }
0x281: {  	s9 =	rddreg [dreg:$0x7]  }
0x282: {  	[hbm4b:s9+s3] =	stream.linear.scatter [tilespmem:s3], [sflag:$0x1], $0x4000, $0x38;
	[tilespmem:$0x4000] =	vst v63  }
0x283: {  	s2 =	rddreg [dreg:$0x8]  }
0x284: {  	[hbm4b:s2+s3] =	stream.linear.scatter [tilespmem:s3], [sflag:$0x1], $0x4000, $0x38;
	[tilespmem:$0x4000] =	vst v63  }
0x285: {  	s8 =	rddreg [dreg:$0x9]  }
0x286: {  	[hbm4b:s8+s3] =	stream.linear.scatter [tilespmem:s3], [sflag:$0x1], $0x4000, $0x38;
	[tilespmem:$0x4000] =	vst v63  }
0x287: {  	s9 =	rddreg [dreg:$0xa]  }
0x288: {  	[hbm4b:s9+s3] =	stream.linear.scatter [tilespmem:s3], [sflag:$0x1], $0x4000, $0x38;
	[tilespmem:$0x4000] =	vst v63  }
0x289: {  	s2 =	rddreg [dreg:$0xb]  }
0x28a: {  	[hbm4b:s2+s3] =	stream.linear.scatter [tilespmem:s3], [sflag:$0x1], $0x4000, $0x38;
	[tilespmem:$0x4000] =	vst v63  }
0x28b: {  	s8 =	rddreg [dreg:$0xc]  }
0x28c: {  	[hbm4b:s8+s3] =	stream.linear.scatter [tilespmem:s3], [sflag:$0x1], $0x4000, $0x38;
	[tilespmem:$0x4000] =	vst v63  }
0x28d: {  	s9 =	rddreg [dreg:$0xd]  }
0x28e: {  	[hbm4b:s9+s3] =	stream.linear.scatter [tilespmem:s3], [sflag:$0x1], $0x4000, $0x38;
	[tilespmem:$0x4000] =	vst v63  }
0x28f: {  	s2 =	rddreg [dreg:$0xe]  }
0x290: {  	[hbm4b:s2+s3] =	stream.linear.scatter [tilespmem:s3], [sflag:$0x1], $0x4000, $0x38;
	[tilespmem:$0x4000] =	vst v63  }
0x291: {  	s8 =	rddreg [dreg:$0xf]  }
0x292: {  	[hbm4b:s8+s3] =	stream.linear.scatter [tilespmem:s3], [sflag:$0x1], $0x4000, $0x38;
	[tilespmem:$0x4000] =	vst v63  }
0x293: {  	s9 =	rddreg [dreg:$0x10]  }
0x294: {  	[hbm4b:s9+s3] =	stream.linear.scatter [tilespmem:s3], [sflag:$0x1], $0x4000, $0x38;
	[tilespmem:$0x4000] =	vst v63  }
0x295: {  	s2 =	rddreg [dreg:$0x11]  }
0x296: {  	[hbm4b:s2+s3] =	stream.linear.scatter [tilespmem:s3], [sflag:$0x1], $0x4000, $0x38;
	[tilespmem:$0x4000] =	vst v63  }
0x297: {  	s8 =	rddreg [dreg:$0x12]  }
0x298: {  	[hbm4b:s8+s3] =	stream.linear.scatter [tilespmem:s3], [sflag:$0x1], $0x4000, $0x38;
	[tilespmem:$0x4000] =	vst v63  }
0x299: {  	s9 =	rddreg [dreg:$0x13]  }
0x29a: {  	[hbm4b:s9+s3] =	stream.linear.scatter [tilespmem:s3], [sflag:$0x1], $0x4000, $0x38;
	[tilespmem:$0x4000] =	vst v63  }
0x29b: {  	s2 =	rddreg [dreg:$0x14]  }
0x29c: {  	[hbm4b:s2+s3] =	stream.linear.scatter [tilespmem:s3], [sflag:$0x1], $0x4000, $0x38;
	[tilespmem:$0x4000] =	vst v63  }
0x29d: {  	s8 =	rddreg [dreg:$0x15]  }
0x29e: {  	[hbm4b:s8+s3] =	stream.linear.scatter [tilespmem:s3], [sflag:$0x1], $0x4000, $0x38;
	[tilespmem:$0x4000] =	vst v63  }
0x29f: {  	s9 =	rddreg [dreg:$0x16]  }
0x2a0: {  	[hbm4b:s9+s3] =	stream.linear.scatter [tilespmem:s3], [sflag:$0x1], $0x4000, $0x38;
	[tilespmem:$0x4000] =	vst v63  }
0x2a1: {  	s2 =	rddreg [dreg:$0x17]  }
0x2a2: {  	[hbm4b:s2+s3] =	stream.linear.scatter [tilespmem:s3], [sflag:$0x1], $0x4000, $0x38;
	[tilespmem:$0x4000] =	vst v63  }
0x2a3: {  	s8 =	rddreg [dreg:$0x18]  }
0x2a4: {  	[hbm4b:s8+s3] =	stream.linear.scatter [tilespmem:s3], [sflag:$0x1], $0x4000, $0x38;
	[tilespmem:$0x4000] =	vst v63  }
0x2a5: {  	s9 =	rddreg [dreg:$0x19]  }
0x2a6: {  	[hbm4b:s9+s3] =	stream.linear.scatter [tilespmem:s3], [sflag:$0x1], $0x4000, $0x38;
	[tilespmem:$0x4000] =	vst v63  }
0x2a7: {  	_ =	swait.ge [sflag:s31], $0x4000  }
0x2a8: {  	[sflag:s31] =	ssyncset.done $0x0  }
0x2a9: {  	[sflag:s31] =	ssyncadd.s32 $0xFFFFC000  }
0x2aa: {  	_ =	swait.ge [sflag:s31], $0x4000  }
0x2ab: {  	[sflag:s31] =	ssyncset.done $0x0  }
0x2ac: {  	[sflag:s31] =	ssyncadd.s32 $0xFFFFC000  }
0x2ad: {  	_ =	swait.ge [sflag:s31], $0x4000  }
0x2ae: {  	[sflag:s31] =	ssyncset.done $0x0  }
0x2af: {  	[sflag:s31] =	ssyncadd.s32 $0xFFFFC000  }
0x2b0: {  	_ =	swait.ge [sflag:s31], $0x4000  }
0x2b1: {  	[sflag:s31] =	ssyncset.done $0x0  }
0x2b2: {  	[sflag:s31] =	ssyncadd.s32 $0xFFFFC000  }
0x2b3: {  	_ =	swait.ge [sflag:s31], $0x4000  }
0x2b4: {  	[sflag:s31] =	ssyncset.done $0x0  }
0x2b5: {  	[sflag:s31] =	ssyncadd.s32 $0xFFFFC000  }
0x2b6: {  	_ =	swait.ge [sflag:s31], $0x4000  }
0x2b7: {  	[sflag:s31] =	ssyncset.done $0x0  }
0x2b8: {  	[sflag:s31] =	ssyncadd.s32 $0xFFFFC000  }
0x2b9: {  	_ =	swait.ge [sflag:s31], $0x4000  }
0x2ba: {  	[sflag:s31] =	ssyncset.done $0x0  }
0x2bb: {  	[sflag:s31] =	ssyncadd.s32 $0xFFFFC000  }
0x2bc: {  	_ =	swait.ge [sflag:s31], $0x4000  }
0x2bd: {  	[sflag:s31] =	ssyncset.done $0x0  }
0x2be: {  	[sflag:s31] =	ssyncadd.s32 $0xFFFFC000  }
0x2bf: {  	_ =	swait.ge [sflag:s31], $0x4000  }
0x2c0: {  	[sflag:s31] =	ssyncset.done $0x0  }
0x2c1: {  	[sflag:s31] =	ssyncadd.s32 $0xFFFFC000  }
0x2c2: {  	_ =	swait.ge [sflag:s31], $0x4000  }
0x2c3: {  	[sflag:s31] =	ssyncset.done $0x0  }
0x2c4: {  	[sflag:s31] =	ssyncadd.s32 $0xFFFFC000  }
0x2c5: {  	_ =	swait.ge [sflag:s31], $0x4000  }
0x2c6: {  	[sflag:s31] =	ssyncset.done $0x0  }
0x2c7: {  	[sflag:s31] =	ssyncadd.s32 $0xFFFFC000  }
0x2c8: {  	_ =	swait.ge [sflag:s31], $0x4000  }
0x2c9: {  	[sflag:s31] =	ssyncset.done $0x0  }
0x2ca: {  	[sflag:s31] =	ssyncadd.s32 $0xFFFFC000  }
0x2cb: {  	_ =	swait.ge [sflag:s31], $0x4000  }
0x2cc: {  	[sflag:s31] =	ssyncset.done $0x0  }
0x2cd: {  	[sflag:s31] =	ssyncadd.s32 $0xFFFFC000  }
0x2ce: {  	_ =	swait.ge [sflag:s31], $0x4000  }
0x2cf: {  	[sflag:s31] =	ssyncset.done $0x0  }
0x2d0: {  	[sflag:s31] =	ssyncadd.s32 $0xFFFFC000  }
0x2d1: {  	_ =	swait.ge [sflag:s31], $0x4000  }
0x2d2: {  	[sflag:s31] =	ssyncset.done $0x0  }
0x2d3: {  	[sflag:s31] =	ssyncadd.s32 $0xFFFFC000  }
0x2d4: {  	_ =	swait.ge [sflag:s31], $0x4000  }
0x2d5: {  	[sflag:s31] =	ssyncset.done $0x0  }
0x2d6: {  	[sflag:s31] =	ssyncadd.s32 $0xFFFFC000  }
0x2d7: {  	_ =	swait.ge [sflag:s31], $0x4000  }
0x2d8: {  	[sflag:s31] =	ssyncset.done $0x0  }
0x2d9: {  	[sflag:s31] =	ssyncadd.s32 $0xFFFFC000  }
0x2da: {  	_ =	swait.ge [sflag:s31], $0x4000  }
0x2db: {  	[sflag:s31] =	ssyncset.done $0x0  }
0x2dc: {  	[sflag:s31] =	ssyncadd.s32 $0xFFFFC000  }
0x2dd: {  	_ =	swait.ge [sflag:s31], $0x4000  }
0x2de: {  	[sflag:s31] =	ssyncset.done $0x0  }
0x2df: {  	[sflag:s31] =	ssyncadd.s32 $0xFFFFC000  }
0x2e0: {  	_ =	swait.ge [sflag:s31], $0x4000  }
0x2e1: {  	p0 =	sne.s32 s1, $0x1;
	[sflag:s31] =	ssyncset.done $0x0  }
.Ltmp1:
0x2e2: {  	[sflag:s31] =	ssyncadd.s32 $0xFFFFC000;
	(pc) =	sbr.rel @p0 .LBB2_1-.Ltmp1, $4  }
0x2e3: {  	_ =	swait.ge [sflag:s31], $0x4000  }
0x2e4: {  	[sflag:s31] =	ssyncset.done $0x0  }
0x2e5: {  	[sflag:s31] =	ssyncadd.s32 $0xFFFFC000  }
0x2e6: {  	s1 =	sadd.s32 $0xFFFFFFFF, s1;
	_ =	swait.ge [sflag:s31], $0x4000  }
.LBB2_2:
0x2e7: {  	[sflag:s31] =	ssyncset.done $0x0  }
0x2e8: {  	[sflag:s31] =	ssyncadd.s32 $0xFFFFC000  }
0x2e9: {  	_ =	sfence.sel $0x180000  }
0x2ea: {  	[bflag:$0x0] =	sbarrier.arrive $0xFFFF  }
0x2eb: {  	_ =	strace $0x90000047  }
0x2ec: {  	s0 =	stileid.u32;
	[bflag:$0x2] =	sbarrier.arrive $0xFFFF  }
0x2ed: {  	p0 =	sne.s32 s0, $0x0;
	s0 =	rddreg [dreg:$0x3]  }
0x2ee: {  	s0 =	sadd.s32 @!p0 $0x100000, s0  }
0x2ef: {  	[sflag:s0] =	ssyncadd.tile.s32 @!p0 $0x1;
	_ =	shalt  }
.Lfunc_end2:
_tile_overlayer_lowered:
.L_overlay_start_2:
0x2f0: {  	(tag) =	ssettag $0x2  }
0x2f1: {  	s0 =	rddreg [dreg:$0x0];
	s2 =	stileid.u32  }
0x2f2: {  	s1 =	rddreg [dreg:$0x1];
	p0 =	sne.s32 s2, $0x0  }
0x2f3: {  	s3 =	rddreg [dreg:$0x2];
	[bflag:$0x3] =	sbarrier.arrive $0xFFFF;
	s2 =	simm.s32 @!p0 $0x1C02  }
0x2f4: {  	[timem:s3], [sflag:s2] =	dma.local @!p0 [hbm:s0], s1  }
0x2f5: {  	s0 =	simm.s32 @!p0 $0x2  }
0x2f6: {  	_ =	swait.ge @!p0 [sflag:s0], s1  }
0x2f7: {  	s1 =	ssub.s32 @!p0 $0x0, s1;
	[sflag:s0] =	ssyncset.done @!p0 $0x0  }
0x2f8: {  	[sflag:s0] =	ssyncadd.s32 @!p0 s1  }
0x2f9: {  	[bflag:$0x3] =	sbarrier.arrive $0xFFFF  }
0x2fa: {  	_ =	shalt  }

</sc_bundles>
